<compile_context>
chip_gen: v7x
topology: tpu7x:2x2x1
jax: 0.10.2.dev20260603
libtpu: 0.0.44.dev20260713+nightly
codegen_flags: <defaults>
</compile_context>

<pallas_src>
import functools

import jax
import jax.numpy as jnp
from jax import lax
from jax.experimental import pallas as pl
from jax.experimental.pallas import tpu as pltpu
from jax.experimental.pallas import tpu_sc as plsc

B = 4
S = 2048
D = 1024

NUM_CORES = 2
NUM_SUBCORES = 16
NW = NUM_CORES * NUM_SUBCORES
ROWS_PER_W = S // NW
CHUNK_ROWS = 16
NCHUNKS = ROWS_PER_W // CHUNK_ROWS
CHUNK_ELEMS = CHUNK_ROWS * D
LANES = 16
NTASKS = NCHUNKS * B
NLOAD = 3


def _sc_body(x_hbm, wpe_hbm, out_hbm,
             x_v0, x_v1, x_v2, o_v0, o_v1, o_v2, w_v0, w_v1,
             lsem0, lsem1, lsem2, ssem0, ssem1, ssem2, wsem0, wsem1):
    x_v = (x_v0, x_v1, x_v2)
    o_v = (o_v0, o_v1, o_v2)
    w_v = (w_v0, w_v1)
    lsem = (lsem0, lsem1, lsem2)
    ssem = (ssem0, ssem1, ssem2)
    wsem = (wsem0, wsem1)

    wid = lax.axis_index("s") * NUM_CORES + lax.axis_index("c")
    row0 = wid * ROWS_PER_W

    def rows(c):
        return pl.ds(row0 + c * CHUNK_ROWS, CHUNK_ROWS)

    def x_load(t):
        c, b = divmod(t, B)
        return pltpu.async_copy(x_hbm.at[b, rows(c), :], x_v[t % NLOAD],
                                lsem[t % NLOAD])

    wpe_desc = [None] * NCHUNKS
    wpe_desc[0] = pltpu.async_copy(wpe_hbm.at[rows(0), :], w_v[0], wsem[0])
    load_desc = [None] * NLOAD
    for t in range(NLOAD - 1):
        load_desc[t % NLOAD] = x_load(t)
    store_desc = [None, None, None]

    for t in range(NTASKS):
        c, b = divmod(t, B)
        a = t % NLOAD
        o = t % 3
        tn = t + NLOAD - 1
        if tn < NTASKS:
            load_desc[tn % NLOAD] = x_load(tn)
        if b == 0:
            wpe_desc[c].wait()
            if c + 1 < NCHUNKS:
                wpe_desc[c + 1] = pltpu.async_copy(
                    wpe_hbm.at[rows(c + 1), :], w_v[(c + 1) % 2], wsem[(c + 1) % 2])
        load_desc[a].wait()
        if store_desc[o] is not None:
            store_desc[o].wait()
        wv = w_v[c % 2]
        xv = x_v[a]
        ov = o_v[o]

        @plsc.parallel_loop(0, CHUNK_ELEMS, step=LANES, unroll=16)
        def add_body(j, xv=xv, wv=wv, ov=ov):
            r = lax.shift_right_logical(j, 10)
            col = pl.ds(pl.multiple_of(lax.bitwise_and(j, D - 1), LANES), LANES)
            ov[r, col] = xv[r, col] + wv[r, col]

        store_desc[o] = pltpu.async_copy(ov, out_hbm.at[b, rows(c), :], ssem[o])

    for d in store_desc:
        if d is not None:
            d.wait()


_sc_call = functools.partial(
    pl.kernel,
    out_type=jax.ShapeDtypeStruct((B, S, D), jnp.float32),
    mesh=plsc.VectorSubcoreMesh(core_axis_name="c", subcore_axis_name="s"),
    scratch_types=[
        pltpu.VMEM((CHUNK_ROWS, D), jnp.float32),
        pltpu.VMEM((CHUNK_ROWS, D), jnp.float32),
        pltpu.VMEM((CHUNK_ROWS, D), jnp.float32),
        pltpu.VMEM((CHUNK_ROWS, D), jnp.float32),
        pltpu.VMEM((CHUNK_ROWS, D), jnp.float32),
        pltpu.VMEM((CHUNK_ROWS, D), jnp.float32),
        pltpu.VMEM((CHUNK_ROWS, D), jnp.float32),
        pltpu.VMEM((CHUNK_ROWS, D), jnp.float32),
        pltpu.SemaphoreType.DMA,
        pltpu.SemaphoreType.DMA,
        pltpu.SemaphoreType.DMA,
        pltpu.SemaphoreType.DMA,
        pltpu.SemaphoreType.DMA,
        pltpu.SemaphoreType.DMA,
        pltpu.SemaphoreType.DMA,
        pltpu.SemaphoreType.DMA,
    ],
)(_sc_body)


def kernel(x, wpe):
    return _sc_call(x, wpe)

# --- scband reference (transcript-rebuilt; emitter-appended) ---
"""Pipeline reference for scband-learned-positional-encoding-83391085019580 (READ-ONLY COPY).

The authoritative reference and input builder live on the scoring server;
editing this copy changes nothing except your own understanding.
"""

import jax, jax.numpy as jnp
import numpy as np

D_MODEL = 1024
MAX_SEQ_LEN = 2048

def setup_inputs(seed: int = 0) -> dict:
    key = jax.random.key(seed)
    k1, k2 = jax.random.split(key)
    x = jax.random.normal(k1, (4, 2048, D_MODEL), dtype=jnp.float32)
    # learned positional embedding table (nn.Embedding weight)
    wpe = jax.random.normal(k2, (MAX_SEQ_LEN, D_MODEL), dtype=jnp.float32) * 0.02
    return {"x": x, "wpe": wpe}

def reference(x, wpe):
    # position_ids = arange(max_seq_len)[None, :]; sliced to seq_len
    S = x.shape[1]
    position_ids = jnp.arange(MAX_SEQ_LEN, dtype=jnp.int64)[None, :S]
    pos_emb = jnp.take(wpe, position_ids, axis=0)  # [1, S, d_model]
    out = x + pos_emb
    # dropout is identity in eval mode
    return out

if __name__ == "__main__":
    import jax
    _d = setup_inputs()
    print(jax.jit(kernel)(*tuple(_d.values())))

</pallas_src>

<mosaic_0001>
#map = affine_map<(d0, d1) -> (0, 0, 0)>
#map1 = affine_map<(d0, d1) -> (0, 0)>
module attributes {stable_mosaic.version = 14 : i64} {
  func.func @_sc_body(%arg0: i32, %arg1: i32, %arg2: memref<4x2048x1024xf32, #tpu.memory_space<hbm>>, %arg3: memref<2048x1024xf32, #tpu.memory_space<hbm>>, %arg4: memref<4x2048x1024xf32, #tpu.memory_space<hbm>>, %arg5: memref<16x1024xf32, #tpu.memory_space<vmem>>, %arg6: memref<16x1024xf32, #tpu.memory_space<vmem>>, %arg7: memref<16x1024xf32, #tpu.memory_space<vmem>>, %arg8: memref<16x1024xf32, #tpu.memory_space<vmem>>, %arg9: memref<16x1024xf32, #tpu.memory_space<vmem>>, %arg10: memref<16x1024xf32, #tpu.memory_space<vmem>>, %arg11: memref<16x1024xf32, #tpu.memory_space<vmem>>, %arg12: memref<16x1024xf32, #tpu.memory_space<vmem>>, %arg13: memref<!tpu.dma_semaphore, #tpu.memory_space<semaphore_mem>>, %arg14: memref<!tpu.dma_semaphore, #tpu.memory_space<semaphore_mem>>, %arg15: memref<!tpu.dma_semaphore, #tpu.memory_space<semaphore_mem>>, %arg16: memref<!tpu.dma_semaphore, #tpu.memory_space<semaphore_mem>>, %arg17: memref<!tpu.dma_semaphore, #tpu.memory_space<semaphore_mem>>, %arg18: memref<!tpu.dma_semaphore, #tpu.memory_space<semaphore_mem>>, %arg19: memref<!tpu.dma_semaphore, #tpu.memory_space<semaphore_mem>>, %arg20: memref<!tpu.dma_semaphore, #tpu.memory_space<semaphore_mem>>) attributes {dimension_semantics = [#tpu.dimension_semantics<core_parallel>, #tpu.dimension_semantics<subcore_parallel>], iteration_bounds = array<i64: 2, 16>, scalar_prefetch = 0 : i64, scratch_operands = 16 : i64, tpu.core_type = #tpu.core_type<sc_vector_subcore>, window_params = [{transform_indices = #map}, {transform_indices = #map1}, {transform_indices = #map}]} {
    %mul3A = arith.constant 2 : i32
    %mul3A_0 = arith.muli %arg1, %mul3A : i32
    %add3A = arith.addi %mul3A_0, %arg0 : i32
    %mul3A_1 = arith.constant 64 : i32
    %mul3A_2 = arith.muli %add3A, %mul3A_1 : i32
    %add3A_3 = arith.constant 0 : i32
    %add3A_4 = arith.addi %mul3A_2, %add3A_3 : i32
    %dma_start3A = arith.constant 0 : i32
    %dma_start3A_5 = tpu.memref_slice %arg3[%add3A_4, %dma_start3A] : memref<2048x1024xf32, #tpu.memory_space<hbm>> -> memref<16x1024xf32, #tpu.memory_space<hbm>>
    %dma_start3A_6 = arith.constant 0 : i32
    %dma_start3A_7 = tpu.memref_slice %arg3[%add3A_4, %dma_start3A_6] : memref<2048x1024xf32, #tpu.memory_space<hbm>> -> memref<16x1024xf32, #tpu.memory_space<hbm>>
    tpu.enqueue_dma source(%dma_start3A_7 : memref<16x1024xf32, #tpu.memory_space<hbm>>) target(%arg11 : memref<16x1024xf32, #tpu.memory_space<vmem>>) target_semaphore(%arg19 : memref<!tpu.dma_semaphore, #tpu.memory_space<semaphore_mem>>)
    %add3A_8 = arith.constant 0 : i32
    %add3A_9 = arith.addi %mul3A_2, %add3A_8 : i32
    %dma_start3A_10 = arith.constant 0 : i32
    %dma_start3A_11 = arith.constant 0 : i32
    %dma_start3A_12 = tpu.memref_slice %arg2[%dma_start3A_10, %add3A_9, %dma_start3A_11] : memref<4x2048x1024xf32, #tpu.memory_space<hbm>> -> memref<1x16x1024xf32, #tpu.memory_space<hbm>>
    %dma_start3A_13 = tpu.memref_squeeze %dma_start3A_12 : memref<1x16x1024xf32, #tpu.memory_space<hbm>> -> memref<16x1024xf32, #tpu.memory_space<hbm>>
    %dma_start3A_14 = arith.constant 0 : i32
    %dma_start3A_15 = tpu.memref_slice %arg2[%dma_start3A_10, %add3A_9, %dma_start3A_14] : memref<4x2048x1024xf32, #tpu.memory_space<hbm>> -> memref<1x16x1024xf32, #tpu.memory_space<hbm>>
    %dma_start3A_16 = tpu.memref_squeeze %dma_start3A_15 : memref<1x16x1024xf32, #tpu.memory_space<hbm>> -> memref<16x1024xf32, #tpu.memory_space<hbm>>
    tpu.enqueue_dma source(%dma_start3A_16 : memref<16x1024xf32, #tpu.memory_space<hbm>>) target(%arg5 : memref<16x1024xf32, #tpu.memory_space<vmem>>) target_semaphore(%arg13 : memref<!tpu.dma_semaphore, #tpu.memory_space<semaphore_mem>>)
    %add3A_17 = arith.constant 0 : i32
    %add3A_18 = arith.addi %mul3A_2, %add3A_17 : i32
    %dma_start3A_19 = arith.constant 1 : i32
    %dma_start3A_20 = arith.constant 0 : i32
    %dma_start3A_21 = tpu.memref_slice %arg2[%dma_start3A_19, %add3A_18, %dma_start3A_20] : memref<4x2048x1024xf32, #tpu.memory_space<hbm>> -> memref<1x16x1024xf32, #tpu.memory_space<hbm>>
    %dma_start3A_22 = tpu.memref_squeeze %dma_start3A_21 : memref<1x16x1024xf32, #tpu.memory_space<hbm>> -> memref<16x1024xf32, #tpu.memory_space<hbm>>
    %dma_start3A_23 = arith.constant 0 : i32
    %dma_start3A_24 = tpu.memref_slice %arg2[%dma_start3A_19, %add3A_18, %dma_start3A_23] : memref<4x2048x1024xf32, #tpu.memory_space<hbm>> -> memref<1x16x1024xf32, #tpu.memory_space<hbm>>
    %dma_start3A_25 = tpu.memref_squeeze %dma_start3A_24 : memref<1x16x1024xf32, #tpu.memory_space<hbm>> -> memref<16x1024xf32, #tpu.memory_space<hbm>>
    tpu.enqueue_dma source(%dma_start3A_25 : memref<16x1024xf32, #tpu.memory_space<hbm>>) target(%arg6 : memref<16x1024xf32, #tpu.memory_space<vmem>>) target_semaphore(%arg14 : memref<!tpu.dma_semaphore, #tpu.memory_space<semaphore_mem>>)
    %add3A_26 = arith.constant 0 : i32
    %add3A_27 = arith.addi %mul3A_2, %add3A_26 : i32
    %dma_start3A_28 = arith.constant 2 : i32
    %dma_start3A_29 = arith.constant 0 : i32
    %dma_start3A_30 = tpu.memref_slice %arg2[%dma_start3A_28, %add3A_27, %dma_start3A_29] : memref<4x2048x1024xf32, #tpu.memory_space<hbm>> -> memref<1x16x1024xf32, #tpu.memory_space<hbm>>
    %dma_start3A_31 = tpu.memref_squeeze %dma_start3A_30 : memref<1x16x1024xf32, #tpu.memory_space<hbm>> -> memref<16x1024xf32, #tpu.memory_space<hbm>>
    %dma_start3A_32 = arith.constant 0 : i32
    %dma_start3A_33 = tpu.memref_slice %arg2[%dma_start3A_28, %add3A_27, %dma_start3A_32] : memref<4x2048x1024xf32, #tpu.memory_space<hbm>> -> memref<1x16x1024xf32, #tpu.memory_space<hbm>>
    %dma_start3A_34 = tpu.memref_squeeze %dma_start3A_33 : memref<1x16x1024xf32, #tpu.memory_space<hbm>> -> memref<16x1024xf32, #tpu.memory_space<hbm>>
    tpu.enqueue_dma source(%dma_start3A_34 : memref<16x1024xf32, #tpu.memory_space<hbm>>) target(%arg7 : memref<16x1024xf32, #tpu.memory_space<vmem>>) target_semaphore(%arg15 : memref<!tpu.dma_semaphore, #tpu.memory_space<semaphore_mem>>)
    %dma_wait3A = arith.constant 0 : i32
    %dma_wait3A_35 = tpu.memref_slice %arg3[%add3A_4, %dma_wait3A] : memref<2048x1024xf32, #tpu.memory_space<hbm>> -> memref<16x1024xf32, #tpu.memory_space<hbm>>
    %dma_wait3A_36 = arith.constant 0 : i32
    %dma_wait3A_37 = tpu.memref_slice %arg3[%add3A_4, %dma_wait3A_36] : memref<2048x1024xf32, #tpu.memory_space<hbm>> -> memref<16x1024xf32, #tpu.memory_space<hbm>>
    tpu.wait_dma2 semaphore(%arg19 : memref<!tpu.dma_semaphore, #tpu.memory_space<semaphore_mem>>) src(%dma_wait3A_37 : memref<16x1024xf32, #tpu.memory_space<hbm>>) dst(%arg11 : memref<16x1024xf32, #tpu.memory_space<vmem>>)
    %add3A_38 = arith.constant 16 : i32
    %add3A_39 = arith.addi %mul3A_2, %add3A_38 : i32
    %dma_start3A_40 = arith.constant 0 : i32
    %dma_start3A_41 = tpu.memref_slice %arg3[%add3A_39, %dma_start3A_40] : memref<2048x1024xf32, #tpu.memory_space<hbm>> -> memref<16x1024xf32, #tpu.memory_space<hbm>>
    %dma_start3A_42 = arith.constant 0 : i32
    %dma_start3A_43 = tpu.memref_slice %arg3[%add3A_39, %dma_start3A_42] : memref<2048x1024xf32, #tpu.memory_space<hbm>> -> memref<16x1024xf32, #tpu.memory_space<hbm>>
    tpu.enqueue_dma source(%dma_start3A_43 : memref<16x1024xf32, #tpu.memory_space<hbm>>) target(%arg12 : memref<16x1024xf32, #tpu.memory_space<vmem>>) target_semaphore(%arg20 : memref<!tpu.dma_semaphore, #tpu.memory_space<semaphore_mem>>)
    %dma_wait3A_44 = arith.constant 0 : i32
    %dma_wait3A_45 = arith.constant 0 : i32
    %dma_wait3A_46 = tpu.memref_slice %arg2[%dma_wait3A_44, %add3A_9, %dma_wait3A_45] : memref<4x2048x1024xf32, #tpu.memory_space<hbm>> -> memref<1x16x1024xf32, #tpu.memory_space<hbm>>
    %dma_wait3A_47 = tpu.memref_squeeze %dma_wait3A_46 : memref<1x16x1024xf32, #tpu.memory_space<hbm>> -> memref<16x1024xf32, #tpu.memory_space<hbm>>
    %dma_wait3A_48 = arith.constant 0 : i32
    %dma_wait3A_49 = tpu.memref_slice %arg2[%dma_wait3A_44, %add3A_9, %dma_wait3A_48] : memref<4x2048x1024xf32, #tpu.memory_space<hbm>> -> memref<1x16x1024xf32, #tpu.memory_space<hbm>>
    %dma_wait3A_50 = tpu.memref_squeeze %dma_wait3A_49 : memref<1x16x1024xf32, #tpu.memory_space<hbm>> -> memref<16x1024xf32, #tpu.memory_space<hbm>>
    tpu.wait_dma2 semaphore(%arg13 : memref<!tpu.dma_semaphore, #tpu.memory_space<semaphore_mem>>) src(%dma_wait3A_50 : memref<16x1024xf32, #tpu.memory_space<hbm>>) dst(%arg5 : memref<16x1024xf32, #tpu.memory_space<vmem>>)
    %parallel_loop3A = arith.constant 0 : i32
    %parallel_loop3A_51 = arith.constant 16384 : i32
    %parallel_loop3A_52 = arith.constant 16 : i32
    scf.for %parallel_loop3A_600 = %parallel_loop3A to %parallel_loop3A_51 step %parallel_loop3A_52  : i32 {
      %parallel_loop3A_601 = arith.constant 10 : i32
      %parallel_loop3A_602 = arith.shrui %parallel_loop3A_600, %parallel_loop3A_601 : i32
      %parallel_loop3A_603 = arith.constant 1023 : i32
      %parallel_loop3A_604 = arith.andi %parallel_loop3A_600, %parallel_loop3A_603 : i32
      %parallel_loop3A_605 = tpu.assume_multiple %parallel_loop3A_604, 16 : i32
      %parallel_loop3A_606 = arith.index_cast %parallel_loop3A_602 : i32 to index
      %parallel_loop3A_607 = arith.index_cast %parallel_loop3A_605 : i32 to index
      %parallel_loop3A_608 = tpu.vector_load %arg5[%parallel_loop3A_606, %parallel_loop3A_607] {strides = array<i32>} : memref<16x1024xf32, #tpu.memory_space<vmem>>, vector<1x16xf32>,
      %parallel_loop3A_609 = vector.shape_cast %parallel_loop3A_608 : vector<1x16xf32> to vector<16xf32>
      %parallel_loop3A_610 = arith.index_cast %parallel_loop3A_602 : i32 to index
      %parallel_loop3A_611 = arith.index_cast %parallel_loop3A_605 : i32 to index
      %parallel_loop3A_612 = tpu.vector_load %arg11[%parallel_loop3A_610, %parallel_loop3A_611] {strides = array<i32>} : memref<16x1024xf32, #tpu.memory_space<vmem>>, vector<1x16xf32>,
      %parallel_loop3A_613 = vector.shape_cast %parallel_loop3A_612 : vector<1x16xf32> to vector<16xf32>
      %parallel_loop3A_614 = arith.addf %parallel_loop3A_609, %parallel_loop3A_613 : vector<16xf32>
      %parallel_loop3A_615 = arith.index_cast %parallel_loop3A_602 : i32 to index
      %parallel_loop3A_616 = arith.index_cast %parallel_loop3A_605 : i32 to index
      %parallel_loop3A_617 = tpu.vector_load %arg8[%parallel_loop3A_615, %parallel_loop3A_616] {strides = array<i32>} : memref<16x1024xf32, #tpu.memory_space<vmem>>, vector<1x16xf32>,
      %parallel_loop3A_618 = vector.shape_cast %parallel_loop3A_617 : vector<1x16xf32> to vector<16xf32>
      %parallel_loop3A_619 = vector.shape_cast %parallel_loop3A_614 : vector<16xf32> to vector<1x16xf32>
      tpu.vector_store %arg8[%parallel_loop3A_615, %parallel_loop3A_616], %parallel_loop3A_619 {strides = array<i32>} : memref<16x1024xf32, #tpu.memory_space<vmem>>, vector<1x16xf32>,
    } {sc.loop_unroll_factor = 16 : i64, sc.parallel_access}
    %add3A_53 = arith.constant 0 : i32
    %add3A_54 = arith.addi %mul3A_2, %add3A_53 : i32
    %dma_start3A_55 = arith.constant 0 : i32
    %dma_start3A_56 = arith.constant 0 : i32
    %dma_start3A_57 = tpu.memref_slice %arg4[%dma_start3A_55, %add3A_54, %dma_start3A_56] : memref<4x2048x1024xf32, #tpu.memory_space<hbm>> -> memref<1x16x1024xf32, #tpu.memory_space<hbm>>
    %dma_start3A_58 = tpu.memref_squeeze %dma_start3A_57 : memref<1x16x1024xf32, #tpu.memory_space<hbm>> -> memref<16x1024xf32, #tpu.memory_space<hbm>>
    %dma_start3A_59 = arith.constant 0 : i32
    %dma_start3A_60 = tpu.memref_slice %arg4[%dma_start3A_55, %add3A_54, %dma_start3A_59] : memref<4x2048x1024xf32, #tpu.memory_space<hbm>> -> memref<1x16x1024xf32, #tpu.memory_space<hbm>>
    %dma_start3A_61 = tpu.memref_squeeze %dma_start3A_60 : memref<1x16x1024xf32, #tpu.memory_space<hbm>> -> memref<16x1024xf32, #tpu.memory_space<hbm>>
    tpu.enqueue_dma source(%arg8 : memref<16x1024xf32, #tpu.memory_space<vmem>>) target(%dma_start3A_61 : memref<16x1024xf32, #tpu.memory_space<hbm>>) target_semaphore(%arg16 : memref<!tpu.dma_semaphore, #tpu.memory_space<semaphore_mem>>)
    %add3A_62 = arith.constant 0 : i32
    %add3A_63 = arith.addi %mul3A_2, %add3A_62 : i32
    %dma_start3A_64 = arith.constant 3 : i32
    %dma_start3A_65 = arith.constant 0 : i32
    %dma_start3A_66 = tpu.memref_slice %arg2[%dma_start3A_64, %add3A_63, %dma_start3A_65] : memref<4x2048x1024xf32, #tpu.memory_space<hbm>> -> memref<1x16x1024xf32, #tpu.memory_space<hbm>>
    %dma_start3A_67 = tpu.memref_squeeze %dma_start3A_66 : memref<1x16x1024xf32, #tpu.memory_space<hbm>> -> memref<16x1024xf32, #tpu.memory_space<hbm>>
    %dma_start3A_68 = arith.constant 0 : i32
    %dma_start3A_69 = tpu.memref_slice %arg2[%dma_start3A_64, %add3A_63, %dma_start3A_68] : memref<4x2048x1024xf32, #tpu.memory_space<hbm>> -> memref<1x16x1024xf32, #tpu.memory_space<hbm>>
    %dma_start3A_70 = tpu.memref_squeeze %dma_start3A_69 : memref<1x16x1024xf32, #tpu.memory_space<hbm>> -> memref<16x1024xf32, #tpu.memory_space<hbm>>
    tpu.enqueue_dma source(%dma_start3A_70 : memref<16x1024xf32, #tpu.memory_space<hbm>>) target(%arg5 : memref<16x1024xf32, #tpu.memory_space<vmem>>) target_semaphore(%arg13 : memref<!tpu.dma_semaphore, #tpu.memory_space<semaphore_mem>>)
    %dma_wait3A_71 = arith.constant 1 : i32
    %dma_wait3A_72 = arith.constant 0 : i32
    %dma_wait3A_73 = tpu.memref_slice %arg2[%dma_wait3A_71, %add3A_18, %dma_wait3A_72] : memref<4x2048x1024xf32, #tpu.memory_space<hbm>> -> memref<1x16x1024xf32, #tpu.memory_space<hbm>>
    %dma_wait3A_74 = tpu.memref_squeeze %dma_wait3A_73 : memref<1x16x1024xf32, #tpu.memory_space<hbm>> -> memref<16x1024xf32, #tpu.memory_space<hbm>>
    %dma_wait3A_75 = arith.constant 0 : i32
    %dma_wait3A_76 = tpu.memref_slice %arg2[%dma_wait3A_71, %add3A_18, %dma_wait3A_75] : memref<4x2048x1024xf32, #tpu.memory_space<hbm>> -> memref<1x16x1024xf32, #tpu.memory_space<hbm>>
    %dma_wait3A_77 = tpu.memref_squeeze %dma_wait3A_76 : memref<1x16x1024xf32, #tpu.memory_space<hbm>> -> memref<16x1024xf32, #tpu.memory_space<hbm>>
    tpu.wait_dma2 semaphore(%arg14 : memref<!tpu.dma_semaphore, #tpu.memory_space<semaphore_mem>>) src(%dma_wait3A_77 : memref<16x1024xf32, #tpu.memory_space<hbm>>) dst(%arg6 : memref<16x1024xf32, #tpu.memory_space<vmem>>)
    %parallel_loop3A_78 = arith.constant 0 : i32
    %parallel_loop3A_79 = arith.constant 16384 : i32
    %parallel_loop3A_80 = arith.constant 16 : i32
    scf.for %parallel_loop3A_600 = %parallel_loop3A_78 to %parallel_loop3A_79 step %parallel_loop3A_80  : i32 {
      %parallel_loop3A_601 = arith.constant 10 : i32
      %parallel_loop3A_602 = arith.shrui %parallel_loop3A_600, %parallel_loop3A_601 : i32
      %parallel_loop3A_603 = arith.constant 1023 : i32
      %parallel_loop3A_604 = arith.andi %parallel_loop3A_600, %parallel_loop3A_603 : i32
      %parallel_loop3A_605 = tpu.assume_multiple %parallel_loop3A_604, 16 : i32
      %parallel_loop3A_606 = arith.index_cast %parallel_loop3A_602 : i32 to index
      %parallel_loop3A_607 = arith.index_cast %parallel_loop3A_605 : i32 to index
      %parallel_loop3A_608 = tpu.vector_load %arg6[%parallel_loop3A_606, %parallel_loop3A_607] {strides = array<i32>} : memref<16x1024xf32, #tpu.memory_space<vmem>>, vector<1x16xf32>,
      %parallel_loop3A_609 = vector.shape_cast %parallel_loop3A_608 : vector<1x16xf32> to vector<16xf32>
      %parallel_loop3A_610 = arith.index_cast %parallel_loop3A_602 : i32 to index
      %parallel_loop3A_611 = arith.index_cast %parallel_loop3A_605 : i32 to index
      %parallel_loop3A_612 = tpu.vector_load %arg11[%parallel_loop3A_610, %parallel_loop3A_611] {strides = array<i32>} : memref<16x1024xf32, #tpu.memory_space<vmem>>, vector<1x16xf32>,
      %parallel_loop3A_613 = vector.shape_cast %parallel_loop3A_612 : vector<1x16xf32> to vector<16xf32>
      %parallel_loop3A_614 = arith.addf %parallel_loop3A_609, %parallel_loop3A_613 : vector<16xf32>
      %parallel_loop3A_615 = arith.index_cast %parallel_loop3A_602 : i32 to index
      %parallel_loop3A_616 = arith.index_cast %parallel_loop3A_605 : i32 to index
      %parallel_loop3A_617 = tpu.vector_load %arg9[%parallel_loop3A_615, %parallel_loop3A_616] {strides = array<i32>} : memref<16x1024xf32, #tpu.memory_space<vmem>>, vector<1x16xf32>,
      %parallel_loop3A_618 = vector.shape_cast %parallel_loop3A_617 : vector<1x16xf32> to vector<16xf32>
      %parallel_loop3A_619 = vector.shape_cast %parallel_loop3A_614 : vector<16xf32> to vector<1x16xf32>
      tpu.vector_store %arg9[%parallel_loop3A_615, %parallel_loop3A_616], %parallel_loop3A_619 {strides = array<i32>} : memref<16x1024xf32, #tpu.memory_space<vmem>>, vector<1x16xf32>,
    } {sc.loop_unroll_factor = 16 : i64, sc.parallel_access}
    %add3A_81 = arith.constant 0 : i32
    %add3A_82 = arith.addi %mul3A_2, %add3A_81 : i32
    %dma_start3A_83 = arith.constant 1 : i32
    %dma_start3A_84 = arith.constant 0 : i32
    %dma_start3A_85 = tpu.memref_slice %arg4[%dma_start3A_83, %add3A_82, %dma_start3A_84] : memref<4x2048x1024xf32, #tpu.memory_space<hbm>> -> memref<1x16x1024xf32, #tpu.memory_space<hbm>>
    %dma_start3A_86 = tpu.memref_squeeze %dma_start3A_85 : memref<1x16x1024xf32, #tpu.memory_space<hbm>> -> memref<16x1024xf32, #tpu.memory_space<hbm>>
    %dma_start3A_87 = arith.constant 0 : i32
    %dma_start3A_88 = tpu.memref_slice %arg4[%dma_start3A_83, %add3A_82, %dma_start3A_87] : memref<4x2048x1024xf32, #tpu.memory_space<hbm>> -> memref<1x16x1024xf32, #tpu.memory_space<hbm>>
    %dma_start3A_89 = tpu.memref_squeeze %dma_start3A_88 : memref<1x16x1024xf32, #tpu.memory_space<hbm>> -> memref<16x1024xf32, #tpu.memory_space<hbm>>
    tpu.enqueue_dma source(%arg9 : memref<16x1024xf32, #tpu.memory_space<vmem>>) target(%dma_start3A_89 : memref<16x1024xf32, #tpu.memory_space<hbm>>) target_semaphore(%arg17 : memref<!tpu.dma_semaphore, #tpu.memory_space<semaphore_mem>>)
    %add3A_90 = arith.constant 16 : i32
    %add3A_91 = arith.addi %mul3A_2, %add3A_90 : i32
    %dma_start3A_92 = arith.constant 0 : i32
    %dma_start3A_93 = arith.constant 0 : i32
    %dma_start3A_94 = tpu.memref_slice %arg2[%dma_start3A_92, %add3A_91, %dma_start3A_93] : memref<4x2048x1024xf32, #tpu.memory_space<hbm>> -> memref<1x16x1024xf32, #tpu.memory_space<hbm>>
    %dma_start3A_95 = tpu.memref_squeeze %dma_start3A_94 : memref<1x16x1024xf32, #tpu.memory_space<hbm>> -> memref<16x1024xf32, #tpu.memory_space<hbm>>
    %dma_start3A_96 = arith.constant 0 : i32
    %dma_start3A_97 = tpu.memref_slice %arg2[%dma_start3A_92, %add3A_91, %dma_start3A_96] : memref<4x2048x1024xf32, #tpu.memory_space<hbm>> -> memref<1x16x1024xf32, #tpu.memory_space<hbm>>
    %dma_start3A_98 = tpu.memref_squeeze %dma_start3A_97 : memref<1x16x1024xf32, #tpu.memory_space<hbm>> -> memref<16x1024xf32, #tpu.memory_space<hbm>>
    tpu.enqueue_dma source(%dma_start3A_98 : memref<16x1024xf32, #tpu.memory_space<hbm>>) target(%arg6 : memref<16x1024xf32, #tpu.memory_space<vmem>>) target_semaphore(%arg14 : memref<!tpu.dma_semaphore, #tpu.memory_space<semaphore_mem>>)
    %dma_wait3A_99 = arith.constant 2 : i32
    %dma_wait3A_100 = arith.constant 0 : i32
    %dma_wait3A_101 = tpu.memref_slice %arg2[%dma_wait3A_99, %add3A_27, %dma_wait3A_100] : memref<4x2048x1024xf32, #tpu.memory_space<hbm>> -> memref<1x16x1024xf32, #tpu.memory_space<hbm>>
    %dma_wait3A_102 = tpu.memref_squeeze %dma_wait3A_101 : memref<1x16x1024xf32, #tpu.memory_space<hbm>> -> memref<16x1024xf32, #tpu.memory_space<hbm>>
    %dma_wait3A_103 = arith.constant 0 : i32
    %dma_wait3A_104 = tpu.memref_slice %arg2[%dma_wait3A_99, %add3A_27, %dma_wait3A_103] : memref<4x2048x1024xf32, #tpu.memory_space<hbm>> -> memref<1x16x1024xf32, #tpu.memory_space<hbm>>
    %dma_wait3A_105 = tpu.memref_squeeze %dma_wait3A_104 : memref<1x16x1024xf32, #tpu.memory_space<hbm>> -> memref<16x1024xf32, #tpu.memory_space<hbm>>
    tpu.wait_dma2 semaphore(%arg15 : memref<!tpu.dma_semaphore, #tpu.memory_space<semaphore_mem>>) src(%dma_wait3A_105 : memref<16x1024xf32, #tpu.memory_space<hbm>>) dst(%arg7 : memref<16x1024xf32, #tpu.memory_space<vmem>>)
    %parallel_loop3A_106 = arith.constant 0 : i32
    %parallel_loop3A_107 = arith.constant 16384 : i32
    %parallel_loop3A_108 = arith.constant 16 : i32
    scf.for %parallel_loop3A_600 = %parallel_loop3A_106 to %parallel_loop3A_107 step %parallel_loop3A_108  : i32 {
      %parallel_loop3A_601 = arith.constant 10 : i32
      %parallel_loop3A_602 = arith.shrui %parallel_loop3A_600, %parallel_loop3A_601 : i32
      %parallel_loop3A_603 = arith.constant 1023 : i32
      %parallel_loop3A_604 = arith.andi %parallel_loop3A_600, %parallel_loop3A_603 : i32
      %parallel_loop3A_605 = tpu.assume_multiple %parallel_loop3A_604, 16 : i32
      %parallel_loop3A_606 = arith.index_cast %parallel_loop3A_602 : i32 to index
      %parallel_loop3A_607 = arith.index_cast %parallel_loop3A_605 : i32 to index
      %parallel_loop3A_608 = tpu.vector_load %arg7[%parallel_loop3A_606, %parallel_loop3A_607] {strides = array<i32>} : memref<16x1024xf32, #tpu.memory_space<vmem>>, vector<1x16xf32>,
      %parallel_loop3A_609 = vector.shape_cast %parallel_loop3A_608 : vector<1x16xf32> to vector<16xf32>
      %parallel_loop3A_610 = arith.index_cast %parallel_loop3A_602 : i32 to index
      %parallel_loop3A_611 = arith.index_cast %parallel_loop3A_605 : i32 to index
      %parallel_loop3A_612 = tpu.vector_load %arg11[%parallel_loop3A_610, %parallel_loop3A_611] {strides = array<i32>} : memref<16x1024xf32, #tpu.memory_space<vmem>>, vector<1x16xf32>,
      %parallel_loop3A_613 = vector.shape_cast %parallel_loop3A_612 : vector<1x16xf32> to vector<16xf32>
      %parallel_loop3A_614 = arith.addf %parallel_loop3A_609, %parallel_loop3A_613 : vector<16xf32>
      %parallel_loop3A_615 = arith.index_cast %parallel_loop3A_602 : i32 to index
      %parallel_loop3A_616 = arith.index_cast %parallel_loop3A_605 : i32 to index
      %parallel_loop3A_617 = tpu.vector_load %arg10[%parallel_loop3A_615, %parallel_loop3A_616] {strides = array<i32>} : memref<16x1024xf32, #tpu.memory_space<vmem>>, vector<1x16xf32>,
      %parallel_loop3A_618 = vector.shape_cast %parallel_loop3A_617 : vector<1x16xf32> to vector<16xf32>
      %parallel_loop3A_619 = vector.shape_cast %parallel_loop3A_614 : vector<16xf32> to vector<1x16xf32>
      tpu.vector_store %arg10[%parallel_loop3A_615, %parallel_loop3A_616], %parallel_loop3A_619 {strides = array<i32>} : memref<16x1024xf32, #tpu.memory_space<vmem>>, vector<1x16xf32>,
    } {sc.loop_unroll_factor = 16 : i64, sc.parallel_access}
    %add3A_109 = arith.constant 0 : i32
    %add3A_110 = arith.addi %mul3A_2, %add3A_109 : i32
    %dma_start3A_111 = arith.constant 2 : i32
    %dma_start3A_112 = arith.constant 0 : i32
    %dma_start3A_113 = tpu.memref_slice %arg4[%dma_start3A_111, %add3A_110, %dma_start3A_112] : memref<4x2048x1024xf32, #tpu.memory_space<hbm>> -> memref<1x16x1024xf32, #tpu.memory_space<hbm>>
    %dma_start3A_114 = tpu.memref_squeeze %dma_start3A_113 : memref<1x16x1024xf32, #tpu.memory_space<hbm>> -> memref<16x1024xf32, #tpu.memory_space<hbm>>
    %dma_start3A_115 = arith.constant 0 : i32
    %dma_start3A_116 = tpu.memref_slice %arg4[%dma_start3A_111, %add3A_110, %dma_start3A_115] : memref<4x2048x1024xf32, #tpu.memory_space<hbm>> -> memref<1x16x1024xf32, #tpu.memory_space<hbm>>
    %dma_start3A_117 = tpu.memref_squeeze %dma_start3A_116 : memref<1x16x1024xf32, #tpu.memory_space<hbm>> -> memref<16x1024xf32, #tpu.memory_space<hbm>>
    tpu.enqueue_dma source(%arg10 : memref<16x1024xf32, #tpu.memory_space<vmem>>) target(%dma_start3A_117 : memref<16x1024xf32, #tpu.memory_space<hbm>>) target_semaphore(%arg18 : memref<!tpu.dma_semaphore, #tpu.memory_space<semaphore_mem>>)
    %add3A_118 = arith.constant 16 : i32
    %add3A_119 = arith.addi %mul3A_2, %add3A_118 : i32
    %dma_start3A_120 = arith.constant 1 : i32
    %dma_start3A_121 = arith.constant 0 : i32
    %dma_start3A_122 = tpu.memref_slice %arg2[%dma_start3A_120, %add3A_119, %dma_start3A_121] : memref<4x2048x1024xf32, #tpu.memory_space<hbm>> -> memref<1x16x1024xf32, #tpu.memory_space<hbm>>
    %dma_start3A_123 = tpu.memref_squeeze %dma_start3A_122 : memref<1x16x1024xf32, #tpu.memory_space<hbm>> -> memref<16x1024xf32, #tpu.memory_space<hbm>>
    %dma_start3A_124 = arith.constant 0 : i32
    %dma_start3A_125 = tpu.memref_slice %arg2[%dma_start3A_120, %add3A_119, %dma_start3A_124] : memref<4x2048x1024xf32, #tpu.memory_space<hbm>> -> memref<1x16x1024xf32, #tpu.memory_space<hbm>>
    %dma_start3A_126 = tpu.memref_squeeze %dma_start3A_125 : memref<1x16x1024xf32, #tpu.memory_space<hbm>> -> memref<16x1024xf32, #tpu.memory_space<hbm>>
    tpu.enqueue_dma source(%dma_start3A_126 : memref<16x1024xf32, #tpu.memory_space<hbm>>) target(%arg7 : memref<16x1024xf32, #tpu.memory_space<vmem>>) target_semaphore(%arg15 : memref<!tpu.dma_semaphore, #tpu.memory_space<semaphore_mem>>)
    %dma_wait3A_127 = arith.constant 3 : i32
    %dma_wait3A_128 = arith.constant 0 : i32
    %dma_wait3A_129 = tpu.memref_slice %arg2[%dma_wait3A_127, %add3A_63, %dma_wait3A_128] : memref<4x2048x1024xf32, #tpu.memory_space<hbm>> -> memref<1x16x1024xf32, #tpu.memory_space<hbm>>
    %dma_wait3A_130 = tpu.memref_squeeze %dma_wait3A_129 : memref<1x16x1024xf32, #tpu.memory_space<hbm>> -> memref<16x1024xf32, #tpu.memory_space<hbm>>
    %dma_wait3A_131 = arith.constant 0 : i32
    %dma_wait3A_132 = tpu.memref_slice %arg2[%dma_wait3A_127, %add3A_63, %dma_wait3A_131] : memref<4x2048x1024xf32, #tpu.memory_space<hbm>> -> memref<1x16x1024xf32, #tpu.memory_space<hbm>>
    %dma_wait3A_133 = tpu.memref_squeeze %dma_wait3A_132 : memref<1x16x1024xf32, #tpu.memory_space<hbm>> -> memref<16x1024xf32, #tpu.memory_space<hbm>>
    tpu.wait_dma2 semaphore(%arg13 : memref<!tpu.dma_semaphore, #tpu.memory_space<semaphore_mem>>) src(%dma_wait3A_133 : memref<16x1024xf32, #tpu.memory_space<hbm>>) dst(%arg5 : memref<16x1024xf32, #tpu.memory_space<vmem>>)
    %dma_wait3A_134 = arith.constant 0 : i32
    %dma_wait3A_135 = arith.constant 0 : i32
    %dma_wait3A_136 = tpu.memref_slice %arg4[%dma_wait3A_134, %add3A_54, %dma_wait3A_135] : memref<4x2048x1024xf32, #tpu.memory_space<hbm>> -> memref<1x16x1024xf32, #tpu.memory_space<hbm>>
    %dma_wait3A_137 = tpu.memref_squeeze %dma_wait3A_136 : memref<1x16x1024xf32, #tpu.memory_space<hbm>> -> memref<16x1024xf32, #tpu.memory_space<hbm>>
    %dma_wait3A_138 = arith.constant 0 : i32
    %dma_wait3A_139 = tpu.memref_slice %arg4[%dma_wait3A_134, %add3A_54, %dma_wait3A_138] : memref<4x2048x1024xf32, #tpu.memory_space<hbm>> -> memref<1x16x1024xf32, #tpu.memory_space<hbm>>
    %dma_wait3A_140 = tpu.memref_squeeze %dma_wait3A_139 : memref<1x16x1024xf32, #tpu.memory_space<hbm>> -> memref<16x1024xf32, #tpu.memory_space<hbm>>
    tpu.wait_dma2 semaphore(%arg16 : memref<!tpu.dma_semaphore, #tpu.memory_space<semaphore_mem>>) src(%arg8 : memref<16x1024xf32, #tpu.memory_space<vmem>>) dst(%dma_wait3A_140 : memref<16x1024xf32, #tpu.memory_space<hbm>>)
    %parallel_loop3A_141 = arith.constant 0 : i32
    %parallel_loop3A_142 = arith.constant 16384 : i32
    %parallel_loop3A_143 = arith.constant 16 : i32
    scf.for %parallel_loop3A_600 = %parallel_loop3A_141 to %parallel_loop3A_142 step %parallel_loop3A_143  : i32 {
      %parallel_loop3A_601 = arith.constant 10 : i32
      %parallel_loop3A_602 = arith.shrui %parallel_loop3A_600, %parallel_loop3A_601 : i32
      %parallel_loop3A_603 = arith.constant 1023 : i32
      %parallel_loop3A_604 = arith.andi %parallel_loop3A_600, %parallel_loop3A_603 : i32
      %parallel_loop3A_605 = tpu.assume_multiple %parallel_loop3A_604, 16 : i32
      %parallel_loop3A_606 = arith.index_cast %parallel_loop3A_602 : i32 to index
      %parallel_loop3A_607 = arith.index_cast %parallel_loop3A_605 : i32 to index
      %parallel_loop3A_608 = tpu.vector_load %arg5[%parallel_loop3A_606, %parallel_loop3A_607] {strides = array<i32>} : memref<16x1024xf32, #tpu.memory_space<vmem>>, vector<1x16xf32>,
      %parallel_loop3A_609 = vector.shape_cast %parallel_loop3A_608 : vector<1x16xf32> to vector<16xf32>
      %parallel_loop3A_610 = arith.index_cast %parallel_loop3A_602 : i32 to index
      %parallel_loop3A_611 = arith.index_cast %parallel_loop3A_605 : i32 to index
      %parallel_loop3A_612 = tpu.vector_load %arg11[%parallel_loop3A_610, %parallel_loop3A_611] {strides = array<i32>} : memref<16x1024xf32, #tpu.memory_space<vmem>>, vector<1x16xf32>,
      %parallel_loop3A_613 = vector.shape_cast %parallel_loop3A_612 : vector<1x16xf32> to vector<16xf32>
      %parallel_loop3A_614 = arith.addf %parallel_loop3A_609, %parallel_loop3A_613 : vector<16xf32>
      %parallel_loop3A_615 = arith.index_cast %parallel_loop3A_602 : i32 to index
      %parallel_loop3A_616 = arith.index_cast %parallel_loop3A_605 : i32 to index
      %parallel_loop3A_617 = tpu.vector_load %arg8[%parallel_loop3A_615, %parallel_loop3A_616] {strides = array<i32>} : memref<16x1024xf32, #tpu.memory_space<vmem>>, vector<1x16xf32>,
      %parallel_loop3A_618 = vector.shape_cast %parallel_loop3A_617 : vector<1x16xf32> to vector<16xf32>
      %parallel_loop3A_619 = vector.shape_cast %parallel_loop3A_614 : vector<16xf32> to vector<1x16xf32>
      tpu.vector_store %arg8[%parallel_loop3A_615, %parallel_loop3A_616], %parallel_loop3A_619 {strides = array<i32>} : memref<16x1024xf32, #tpu.memory_space<vmem>>, vector<1x16xf32>,
    } {sc.loop_unroll_factor = 16 : i64, sc.parallel_access}
    %add3A_144 = arith.constant 0 : i32
    %add3A_145 = arith.addi %mul3A_2, %add3A_144 : i32
    %dma_start3A_146 = arith.constant 3 : i32
    %dma_start3A_147 = arith.constant 0 : i32
    %dma_start3A_148 = tpu.memref_slice %arg4[%dma_start3A_146, %add3A_145, %dma_start3A_147] : memref<4x2048x1024xf32, #tpu.memory_space<hbm>> -> memref<1x16x1024xf32, #tpu.memory_space<hbm>>
    %dma_start3A_149 = tpu.memref_squeeze %dma_start3A_148 : memref<1x16x1024xf32, #tpu.memory_space<hbm>> -> memref<16x1024xf32, #tpu.memory_space<hbm>>
    %dma_start3A_150 = arith.constant 0 : i32
    %dma_start3A_151 = tpu.memref_slice %arg4[%dma_start3A_146, %add3A_145, %dma_start3A_150] : memref<4x2048x1024xf32, #tpu.memory_space<hbm>> -> memref<1x16x1024xf32, #tpu.memory_space<hbm>>
    %dma_start3A_152 = tpu.memref_squeeze %dma_start3A_151 : memref<1x16x1024xf32, #tpu.memory_space<hbm>> -> memref<16x1024xf32, #tpu.memory_space<hbm>>
    tpu.enqueue_dma source(%arg8 : memref<16x1024xf32, #tpu.memory_space<vmem>>) target(%dma_start3A_152 : memref<16x1024xf32, #tpu.memory_space<hbm>>) target_semaphore(%arg16 : memref<!tpu.dma_semaphore, #tpu.memory_space<semaphore_mem>>)
    %add3A_153 = arith.constant 16 : i32
    %add3A_154 = arith.addi %mul3A_2, %add3A_153 : i32
    %dma_start3A_155 = arith.constant 2 : i32
    %dma_start3A_156 = arith.constant 0 : i32
    %dma_start3A_157 = tpu.memref_slice %arg2[%dma_start3A_155, %add3A_154, %dma_start3A_156] : memref<4x2048x1024xf32, #tpu.memory_space<hbm>> -> memref<1x16x1024xf32, #tpu.memory_space<hbm>>
    %dma_start3A_158 = tpu.memref_squeeze %dma_start3A_157 : memref<1x16x1024xf32, #tpu.memory_space<hbm>> -> memref<16x1024xf32, #tpu.memory_space<hbm>>
    %dma_start3A_159 = arith.constant 0 : i32
    %dma_start3A_160 = tpu.memref_slice %arg2[%dma_start3A_155, %add3A_154, %dma_start3A_159] : memref<4x2048x1024xf32, #tpu.memory_space<hbm>> -> memref<1x16x1024xf32, #tpu.memory_space<hbm>>
    %dma_start3A_161 = tpu.memref_squeeze %dma_start3A_160 : memref<1x16x1024xf32, #tpu.memory_space<hbm>> -> memref<16x1024xf32, #tpu.memory_space<hbm>>
    tpu.enqueue_dma source(%dma_start3A_161 : memref<16x1024xf32, #tpu.memory_space<hbm>>) target(%arg5 : memref<16x1024xf32, #tpu.memory_space<vmem>>) target_semaphore(%arg13 : memref<!tpu.dma_semaphore, #tpu.memory_space<semaphore_mem>>)
    %dma_wait3A_162 = arith.constant 0 : i32
    %dma_wait3A_163 = tpu.memref_slice %arg3[%add3A_39, %dma_wait3A_162] : memref<2048x1024xf32, #tpu.memory_space<hbm>> -> memref<16x1024xf32, #tpu.memory_space<hbm>>
    %dma_wait3A_164 = arith.constant 0 : i32
    %dma_wait3A_165 = tpu.memref_slice %arg3[%add3A_39, %dma_wait3A_164] : memref<2048x1024xf32, #tpu.memory_space<hbm>> -> memref<16x1024xf32, #tpu.memory_space<hbm>>
    tpu.wait_dma2 semaphore(%arg20 : memref<!tpu.dma_semaphore, #tpu.memory_space<semaphore_mem>>) src(%dma_wait3A_165 : memref<16x1024xf32, #tpu.memory_space<hbm>>) dst(%arg12 : memref<16x1024xf32, #tpu.memory_space<vmem>>)
    %add3A_166 = arith.constant 32 : i32
    %add3A_167 = arith.addi %mul3A_2, %add3A_166 : i32
    %dma_start3A_168 = arith.constant 0 : i32
    %dma_start3A_169 = tpu.memref_slice %arg3[%add3A_167, %dma_start3A_168] : memref<2048x1024xf32, #tpu.memory_space<hbm>> -> memref<16x1024xf32, #tpu.memory_space<hbm>>
    %dma_start3A_170 = arith.constant 0 : i32
    %dma_start3A_171 = tpu.memref_slice %arg3[%add3A_167, %dma_start3A_170] : memref<2048x1024xf32, #tpu.memory_space<hbm>> -> memref<16x1024xf32, #tpu.memory_space<hbm>>
    tpu.enqueue_dma source(%dma_start3A_171 : memref<16x1024xf32, #tpu.memory_space<hbm>>) target(%arg11 : memref<16x1024xf32, #tpu.memory_space<vmem>>) target_semaphore(%arg19 : memref<!tpu.dma_semaphore, #tpu.memory_space<semaphore_mem>>)
    %dma_wait3A_172 = arith.constant 0 : i32
    %dma_wait3A_173 = arith.constant 0 : i32
    %dma_wait3A_174 = tpu.memref_slice %arg2[%dma_wait3A_172, %add3A_91, %dma_wait3A_173] : memref<4x2048x1024xf32, #tpu.memory_space<hbm>> -> memref<1x16x1024xf32, #tpu.memory_space<hbm>>
    %dma_wait3A_175 = tpu.memref_squeeze %dma_wait3A_174 : memref<1x16x1024xf32, #tpu.memory_space<hbm>> -> memref<16x1024xf32, #tpu.memory_space<hbm>>
    %dma_wait3A_176 = arith.constant 0 : i32
    %dma_wait3A_177 = tpu.memref_slice %arg2[%dma_wait3A_172, %add3A_91, %dma_wait3A_176] : memref<4x2048x1024xf32, #tpu.memory_space<hbm>> -> memref<1x16x1024xf32, #tpu.memory_space<hbm>>
    %dma_wait3A_178 = tpu.memref_squeeze %dma_wait3A_177 : memref<1x16x1024xf32, #tpu.memory_space<hbm>> -> memref<16x1024xf32, #tpu.memory_space<hbm>>
    tpu.wait_dma2 semaphore(%arg14 : memref<!tpu.dma_semaphore, #tpu.memory_space<semaphore_mem>>) src(%dma_wait3A_178 : memref<16x1024xf32, #tpu.memory_space<hbm>>) dst(%arg6 : memref<16x1024xf32, #tpu.memory_space<vmem>>)
    %dma_wait3A_179 = arith.constant 1 : i32
    %dma_wait3A_180 = arith.constant 0 : i32
    %dma_wait3A_181 = tpu.memref_slice %arg4[%dma_wait3A_179, %add3A_82, %dma_wait3A_180] : memref<4x2048x1024xf32, #tpu.memory_space<hbm>> -> memref<1x16x1024xf32, #tpu.memory_space<hbm>>
    %dma_wait3A_182 = tpu.memref_squeeze %dma_wait3A_181 : memref<1x16x1024xf32, #tpu.memory_space<hbm>> -> memref<16x1024xf32, #tpu.memory_space<hbm>>
    %dma_wait3A_183 = arith.constant 0 : i32
    %dma_wait3A_184 = tpu.memref_slice %arg4[%dma_wait3A_179, %add3A_82, %dma_wait3A_183] : memref<4x2048x1024xf32, #tpu.memory_space<hbm>> -> memref<1x16x1024xf32, #tpu.memory_space<hbm>>
    %dma_wait3A_185 = tpu.memref_squeeze %dma_wait3A_184 : memref<1x16x1024xf32, #tpu.memory_space<hbm>> -> memref<16x1024xf32, #tpu.memory_space<hbm>>
    tpu.wait_dma2 semaphore(%arg17 : memref<!tpu.dma_semaphore, #tpu.memory_space<semaphore_mem>>) src(%arg9 : memref<16x1024xf32, #tpu.memory_space<vmem>>) dst(%dma_wait3A_185 : memref<16x1024xf32, #tpu.memory_space<hbm>>)
    %parallel_loop3A_186 = arith.constant 0 : i32
    %parallel_loop3A_187 = arith.constant 16384 : i32
    %parallel_loop3A_188 = arith.constant 16 : i32
    scf.for %parallel_loop3A_600 = %parallel_loop3A_186 to %parallel_loop3A_187 step %parallel_loop3A_188  : i32 {
      %parallel_loop3A_601 = arith.constant 10 : i32
      %parallel_loop3A_602 = arith.shrui %parallel_loop3A_600, %parallel_loop3A_601 : i32
      %parallel_loop3A_603 = arith.constant 1023 : i32
      %parallel_loop3A_604 = arith.andi %parallel_loop3A_600, %parallel_loop3A_603 : i32
      %parallel_loop3A_605 = tpu.assume_multiple %parallel_loop3A_604, 16 : i32
      %parallel_loop3A_606 = arith.index_cast %parallel_loop3A_602 : i32 to index
      %parallel_loop3A_607 = arith.index_cast %parallel_loop3A_605 : i32 to index
      %parallel_loop3A_608 = tpu.vector_load %arg6[%parallel_loop3A_606, %parallel_loop3A_607] {strides = array<i32>} : memref<16x1024xf32, #tpu.memory_space<vmem>>, vector<1x16xf32>,
      %parallel_loop3A_609 = vector.shape_cast %parallel_loop3A_608 : vector<1x16xf32> to vector<16xf32>
      %parallel_loop3A_610 = arith.index_cast %parallel_loop3A_602 : i32 to index
      %parallel_loop3A_611 = arith.index_cast %parallel_loop3A_605 : i32 to index
      %parallel_loop3A_612 = tpu.vector_load %arg12[%parallel_loop3A_610, %parallel_loop3A_611] {strides = array<i32>} : memref<16x1024xf32, #tpu.memory_space<vmem>>, vector<1x16xf32>,
      %parallel_loop3A_613 = vector.shape_cast %parallel_loop3A_612 : vector<1x16xf32> to vector<16xf32>
      %parallel_loop3A_614 = arith.addf %parallel_loop3A_609, %parallel_loop3A_613 : vector<16xf32>
      %parallel_loop3A_615 = arith.index_cast %parallel_loop3A_602 : i32 to index
      %parallel_loop3A_616 = arith.index_cast %parallel_loop3A_605 : i32 to index
      %parallel_loop3A_617 = tpu.vector_load %arg9[%parallel_loop3A_615, %parallel_loop3A_616] {strides = array<i32>} : memref<16x1024xf32, #tpu.memory_space<vmem>>, vector<1x16xf32>,
      %parallel_loop3A_618 = vector.shape_cast %parallel_loop3A_617 : vector<1x16xf32> to vector<16xf32>
      %parallel_loop3A_619 = vector.shape_cast %parallel_loop3A_614 : vector<16xf32> to vector<1x16xf32>
      tpu.vector_store %arg9[%parallel_loop3A_615, %parallel_loop3A_616], %parallel_loop3A_619 {strides = array<i32>} : memref<16x1024xf32, #tpu.memory_space<vmem>>, vector<1x16xf32>,
    } {sc.loop_unroll_factor = 16 : i64, sc.parallel_access}
    %add3A_189 = arith.constant 16 : i32
    %add3A_190 = arith.addi %mul3A_2, %add3A_189 : i32
    %dma_start3A_191 = arith.constant 0 : i32
    %dma_start3A_192 = arith.constant 0 : i32
    %dma_start3A_193 = tpu.memref_slice %arg4[%dma_start3A_191, %add3A_190, %dma_start3A_192] : memref<4x2048x1024xf32, #tpu.memory_space<hbm>> -> memref<1x16x1024xf32, #tpu.memory_space<hbm>>
    %dma_start3A_194 = tpu.memref_squeeze %dma_start3A_193 : memref<1x16x1024xf32, #tpu.memory_space<hbm>> -> memref<16x1024xf32, #tpu.memory_space<hbm>>
    %dma_start3A_195 = arith.constant 0 : i32
    %dma_start3A_196 = tpu.memref_slice %arg4[%dma_start3A_191, %add3A_190, %dma_start3A_195] : memref<4x2048x1024xf32, #tpu.memory_space<hbm>> -> memref<1x16x1024xf32, #tpu.memory_space<hbm>>
    %dma_start3A_197 = tpu.memref_squeeze %dma_start3A_196 : memref<1x16x1024xf32, #tpu.memory_space<hbm>> -> memref<16x1024xf32, #tpu.memory_space<hbm>>
    tpu.enqueue_dma source(%arg9 : memref<16x1024xf32, #tpu.memory_space<vmem>>) target(%dma_start3A_197 : memref<16x1024xf32, #tpu.memory_space<hbm>>) target_semaphore(%arg17 : memref<!tpu.dma_semaphore, #tpu.memory_space<semaphore_mem>>)
    %add3A_198 = arith.constant 16 : i32
    %add3A_199 = arith.addi %mul3A_2, %add3A_198 : i32
    %dma_start3A_200 = arith.constant 3 : i32
    %dma_start3A_201 = arith.constant 0 : i32
    %dma_start3A_202 = tpu.memref_slice %arg2[%dma_start3A_200, %add3A_199, %dma_start3A_201] : memref<4x2048x1024xf32, #tpu.memory_space<hbm>> -> memref<1x16x1024xf32, #tpu.memory_space<hbm>>
    %dma_start3A_203 = tpu.memref_squeeze %dma_start3A_202 : memref<1x16x1024xf32, #tpu.memory_space<hbm>> -> memref<16x1024xf32, #tpu.memory_space<hbm>>
    %dma_start3A_204 = arith.constant 0 : i32
    %dma_start3A_205 = tpu.memref_slice %arg2[%dma_start3A_200, %add3A_199, %dma_start3A_204] : memref<4x2048x1024xf32, #tpu.memory_space<hbm>> -> memref<1x16x1024xf32, #tpu.memory_space<hbm>>
    %dma_start3A_206 = tpu.memref_squeeze %dma_start3A_205 : memref<1x16x1024xf32, #tpu.memory_space<hbm>> -> memref<16x1024xf32, #tpu.memory_space<hbm>>
    tpu.enqueue_dma source(%dma_start3A_206 : memref<16x1024xf32, #tpu.memory_space<hbm>>) target(%arg6 : memref<16x1024xf32, #tpu.memory_space<vmem>>) target_semaphore(%arg14 : memref<!tpu.dma_semaphore, #tpu.memory_space<semaphore_mem>>)
    %dma_wait3A_207 = arith.constant 1 : i32
    %dma_wait3A_208 = arith.constant 0 : i32
    %dma_wait3A_209 = tpu.memref_slice %arg2[%dma_wait3A_207, %add3A_119, %dma_wait3A_208] : memref<4x2048x1024xf32, #tpu.memory_space<hbm>> -> memref<1x16x1024xf32, #tpu.memory_space<hbm>>
    %dma_wait3A_210 = tpu.memref_squeeze %dma_wait3A_209 : memref<1x16x1024xf32, #tpu.memory_space<hbm>> -> memref<16x1024xf32, #tpu.memory_space<hbm>>
    %dma_wait3A_211 = arith.constant 0 : i32
    %dma_wait3A_212 = tpu.memref_slice %arg2[%dma_wait3A_207, %add3A_119, %dma_wait3A_211] : memref<4x2048x1024xf32, #tpu.memory_space<hbm>> -> memref<1x16x1024xf32, #tpu.memory_space<hbm>>
    %dma_wait3A_213 = tpu.memref_squeeze %dma_wait3A_212 : memref<1x16x1024xf32, #tpu.memory_space<hbm>> -> memref<16x1024xf32, #tpu.memory_space<hbm>>
    tpu.wait_dma2 semaphore(%arg15 : memref<!tpu.dma_semaphore, #tpu.memory_space<semaphore_mem>>) src(%dma_wait3A_213 : memref<16x1024xf32, #tpu.memory_space<hbm>>) dst(%arg7 : memref<16x1024xf32, #tpu.memory_space<vmem>>)
    %dma_wait3A_214 = arith.constant 2 : i32
    %dma_wait3A_215 = arith.constant 0 : i32
    %dma_wait3A_216 = tpu.memref_slice %arg4[%dma_wait3A_214, %add3A_110, %dma_wait3A_215] : memref<4x2048x1024xf32, #tpu.memory_space<hbm>> -> memref<1x16x1024xf32, #tpu.memory_space<hbm>>
    %dma_wait3A_217 = tpu.memref_squeeze %dma_wait3A_216 : memref<1x16x1024xf32, #tpu.memory_space<hbm>> -> memref<16x1024xf32, #tpu.memory_space<hbm>>
    %dma_wait3A_218 = arith.constant 0 : i32
    %dma_wait3A_219 = tpu.memref_slice %arg4[%dma_wait3A_214, %add3A_110, %dma_wait3A_218] : memref<4x2048x1024xf32, #tpu.memory_space<hbm>> -> memref<1x16x1024xf32, #tpu.memory_space<hbm>>
    %dma_wait3A_220 = tpu.memref_squeeze %dma_wait3A_219 : memref<1x16x1024xf32, #tpu.memory_space<hbm>> -> memref<16x1024xf32, #tpu.memory_space<hbm>>
    tpu.wait_dma2 semaphore(%arg18 : memref<!tpu.dma_semaphore, #tpu.memory_space<semaphore_mem>>) src(%arg10 : memref<16x1024xf32, #tpu.memory_space<vmem>>) dst(%dma_wait3A_220 : memref<16x1024xf32, #tpu.memory_space<hbm>>)
    %parallel_loop3A_221 = arith.constant 0 : i32
    %parallel_loop3A_222 = arith.constant 16384 : i32
    %parallel_loop3A_223 = arith.constant 16 : i32
    scf.for %parallel_loop3A_600 = %parallel_loop3A_221 to %parallel_loop3A_222 step %parallel_loop3A_223  : i32 {
      %parallel_loop3A_601 = arith.constant 10 : i32
      %parallel_loop3A_602 = arith.shrui %parallel_loop3A_600, %parallel_loop3A_601 : i32
      %parallel_loop3A_603 = arith.constant 1023 : i32
      %parallel_loop3A_604 = arith.andi %parallel_loop3A_600, %parallel_loop3A_603 : i32
      %parallel_loop3A_605 = tpu.assume_multiple %parallel_loop3A_604, 16 : i32
      %parallel_loop3A_606 = arith.index_cast %parallel_loop3A_602 : i32 to index
      %parallel_loop3A_607 = arith.index_cast %parallel_loop3A_605 : i32 to index
      %parallel_loop3A_608 = tpu.vector_load %arg7[%parallel_loop3A_606, %parallel_loop3A_607] {strides = array<i32>} : memref<16x1024xf32, #tpu.memory_space<vmem>>, vector<1x16xf32>,
      %parallel_loop3A_609 = vector.shape_cast %parallel_loop3A_608 : vector<1x16xf32> to vector<16xf32>
      %parallel_loop3A_610 = arith.index_cast %parallel_loop3A_602 : i32 to index
      %parallel_loop3A_611 = arith.index_cast %parallel_loop3A_605 : i32 to index
      %parallel_loop3A_612 = tpu.vector_load %arg12[%parallel_loop3A_610, %parallel_loop3A_611] {strides = array<i32>} : memref<16x1024xf32, #tpu.memory_space<vmem>>, vector<1x16xf32>,
      %parallel_loop3A_613 = vector.shape_cast %parallel_loop3A_612 : vector<1x16xf32> to vector<16xf32>
      %parallel_loop3A_614 = arith.addf %parallel_loop3A_609, %parallel_loop3A_613 : vector<16xf32>
      %parallel_loop3A_615 = arith.index_cast %parallel_loop3A_602 : i32 to index
      %parallel_loop3A_616 = arith.index_cast %parallel_loop3A_605 : i32 to index
      %parallel_loop3A_617 = tpu.vector_load %arg10[%parallel_loop3A_615, %parallel_loop3A_616] {strides = array<i32>} : memref<16x1024xf32, #tpu.memory_space<vmem>>, vector<1x16xf32>,
      %parallel_loop3A_618 = vector.shape_cast %parallel_loop3A_617 : vector<1x16xf32> to vector<16xf32>
      %parallel_loop3A_619 = vector.shape_cast %parallel_loop3A_614 : vector<16xf32> to vector<1x16xf32>
      tpu.vector_store %arg10[%parallel_loop3A_615, %parallel_loop3A_616], %parallel_loop3A_619 {strides = array<i32>} : memref<16x1024xf32, #tpu.memory_space<vmem>>, vector<1x16xf32>,
    } {sc.loop_unroll_factor = 16 : i64, sc.parallel_access}
    %add3A_224 = arith.constant 16 : i32
    %add3A_225 = arith.addi %mul3A_2, %add3A_224 : i32
    %dma_start3A_226 = arith.constant 1 : i32
    %dma_start3A_227 = arith.constant 0 : i32
    %dma_start3A_228 = tpu.memref_slice %arg4[%dma_start3A_226, %add3A_225, %dma_start3A_227] : memref<4x2048x1024xf32, #tpu.memory_space<hbm>> -> memref<1x16x1024xf32, #tpu.memory_space<hbm>>
    %dma_start3A_229 = tpu.memref_squeeze %dma_start3A_228 : memref<1x16x1024xf32, #tpu.memory_space<hbm>> -> memref<16x1024xf32, #tpu.memory_space<hbm>>
    %dma_start3A_230 = arith.constant 0 : i32
    %dma_start3A_231 = tpu.memref_slice %arg4[%dma_start3A_226, %add3A_225, %dma_start3A_230] : memref<4x2048x1024xf32, #tpu.memory_space<hbm>> -> memref<1x16x1024xf32, #tpu.memory_space<hbm>>
    %dma_start3A_232 = tpu.memref_squeeze %dma_start3A_231 : memref<1x16x1024xf32, #tpu.memory_space<hbm>> -> memref<16x1024xf32, #tpu.memory_space<hbm>>
    tpu.enqueue_dma source(%arg10 : memref<16x1024xf32, #tpu.memory_space<vmem>>) target(%dma_start3A_232 : memref<16x1024xf32, #tpu.memory_space<hbm>>) target_semaphore(%arg18 : memref<!tpu.dma_semaphore, #tpu.memory_space<semaphore_mem>>)
    %add3A_233 = arith.constant 32 : i32
    %add3A_234 = arith.addi %mul3A_2, %add3A_233 : i32
    %dma_start3A_235 = arith.constant 0 : i32
    %dma_start3A_236 = arith.constant 0 : i32
    %dma_start3A_237 = tpu.memref_slice %arg2[%dma_start3A_235, %add3A_234, %dma_start3A_236] : memref<4x2048x1024xf32, #tpu.memory_space<hbm>> -> memref<1x16x1024xf32, #tpu.memory_space<hbm>>
    %dma_start3A_238 = tpu.memref_squeeze %dma_start3A_237 : memref<1x16x1024xf32, #tpu.memory_space<hbm>> -> memref<16x1024xf32, #tpu.memory_space<hbm>>
    %dma_start3A_239 = arith.constant 0 : i32
    %dma_start3A_240 = tpu.memref_slice %arg2[%dma_start3A_235, %add3A_234, %dma_start3A_239] : memref<4x2048x1024xf32, #tpu.memory_space<hbm>> -> memref<1x16x1024xf32, #tpu.memory_space<hbm>>
    %dma_start3A_241 = tpu.memref_squeeze %dma_start3A_240 : memref<1x16x1024xf32, #tpu.memory_space<hbm>> -> memref<16x1024xf32, #tpu.memory_space<hbm>>
    tpu.enqueue_dma source(%dma_start3A_241 : memref<16x1024xf32, #tpu.memory_space<hbm>>) target(%arg7 : memref<16x1024xf32, #tpu.memory_space<vmem>>) target_semaphore(%arg15 : memref<!tpu.dma_semaphore, #tpu.memory_space<semaphore_mem>>)
    %dma_wait3A_242 = arith.constant 2 : i32
    %dma_wait3A_243 = arith.constant 0 : i32
    %dma_wait3A_244 = tpu.memref_slice %arg2[%dma_wait3A_242, %add3A_154, %dma_wait3A_243] : memref<4x2048x1024xf32, #tpu.memory_space<hbm>> -> memref<1x16x1024xf32, #tpu.memory_space<hbm>>
    %dma_wait3A_245 = tpu.memref_squeeze %dma_wait3A_244 : memref<1x16x1024xf32, #tpu.memory_space<hbm>> -> memref<16x1024xf32, #tpu.memory_space<hbm>>
    %dma_wait3A_246 = arith.constant 0 : i32
    %dma_wait3A_247 = tpu.memref_slice %arg2[%dma_wait3A_242, %add3A_154, %dma_wait3A_246] : memref<4x2048x1024xf32, #tpu.memory_space<hbm>> -> memref<1x16x1024xf32, #tpu.memory_space<hbm>>
    %dma_wait3A_248 = tpu.memref_squeeze %dma_wait3A_247 : memref<1x16x1024xf32, #tpu.memory_space<hbm>> -> memref<16x1024xf32, #tpu.memory_space<hbm>>
    tpu.wait_dma2 semaphore(%arg13 : memref<!tpu.dma_semaphore, #tpu.memory_space<semaphore_mem>>) src(%dma_wait3A_248 : memref<16x1024xf32, #tpu.memory_space<hbm>>) dst(%arg5 : memref<16x1024xf32, #tpu.memory_space<vmem>>)
    %dma_wait3A_249 = arith.constant 3 : i32
    %dma_wait3A_250 = arith.constant 0 : i32
    %dma_wait3A_251 = tpu.memref_slice %arg4[%dma_wait3A_249, %add3A_145, %dma_wait3A_250] : memref<4x2048x1024xf32, #tpu.memory_space<hbm>> -> memref<1x16x1024xf32, #tpu.memory_space<hbm>>
    %dma_wait3A_252 = tpu.memref_squeeze %dma_wait3A_251 : memref<1x16x1024xf32, #tpu.memory_space<hbm>> -> memref<16x1024xf32, #tpu.memory_space<hbm>>
    %dma_wait3A_253 = arith.constant 0 : i32
    %dma_wait3A_254 = tpu.memref_slice %arg4[%dma_wait3A_249, %add3A_145, %dma_wait3A_253] : memref<4x2048x1024xf32, #tpu.memory_space<hbm>> -> memref<1x16x1024xf32, #tpu.memory_space<hbm>>
    %dma_wait3A_255 = tpu.memref_squeeze %dma_wait3A_254 : memref<1x16x1024xf32, #tpu.memory_space<hbm>> -> memref<16x1024xf32, #tpu.memory_space<hbm>>
    tpu.wait_dma2 semaphore(%arg16 : memref<!tpu.dma_semaphore, #tpu.memory_space<semaphore_mem>>) src(%arg8 : memref<16x1024xf32, #tpu.memory_space<vmem>>) dst(%dma_wait3A_255 : memref<16x1024xf32, #tpu.memory_space<hbm>>)
    %parallel_loop3A_256 = arith.constant 0 : i32
    %parallel_loop3A_257 = arith.constant 16384 : i32
    %parallel_loop3A_258 = arith.constant 16 : i32
    scf.for %parallel_loop3A_600 = %parallel_loop3A_256 to %parallel_loop3A_257 step %parallel_loop3A_258  : i32 {
      %parallel_loop3A_601 = arith.constant 10 : i32
      %parallel_loop3A_602 = arith.shrui %parallel_loop3A_600, %parallel_loop3A_601 : i32
      %parallel_loop3A_603 = arith.constant 1023 : i32
      %parallel_loop3A_604 = arith.andi %parallel_loop3A_600, %parallel_loop3A_603 : i32
      %parallel_loop3A_605 = tpu.assume_multiple %parallel_loop3A_604, 16 : i32
      %parallel_loop3A_606 = arith.index_cast %parallel_loop3A_602 : i32 to index
      %parallel_loop3A_607 = arith.index_cast %parallel_loop3A_605 : i32 to index
      %parallel_loop3A_608 = tpu.vector_load %arg5[%parallel_loop3A_606, %parallel_loop3A_607] {strides = array<i32>} : memref<16x1024xf32, #tpu.memory_space<vmem>>, vector<1x16xf32>,
      %parallel_loop3A_609 = vector.shape_cast %parallel_loop3A_608 : vector<1x16xf32> to vector<16xf32>
      %parallel_loop3A_610 = arith.index_cast %parallel_loop3A_602 : i32 to index
      %parallel_loop3A_611 = arith.index_cast %parallel_loop3A_605 : i32 to index
      %parallel_loop3A_612 = tpu.vector_load %arg12[%parallel_loop3A_610, %parallel_loop3A_611] {strides = array<i32>} : memref<16x1024xf32, #tpu.memory_space<vmem>>, vector<1x16xf32>,
      %parallel_loop3A_613 = vector.shape_cast %parallel_loop3A_612 : vector<1x16xf32> to vector<16xf32>
      %parallel_loop3A_614 = arith.addf %parallel_loop3A_609, %parallel_loop3A_613 : vector<16xf32>
      %parallel_loop3A_615 = arith.index_cast %parallel_loop3A_602 : i32 to index
      %parallel_loop3A_616 = arith.index_cast %parallel_loop3A_605 : i32 to index
      %parallel_loop3A_617 = tpu.vector_load %arg8[%parallel_loop3A_615, %parallel_loop3A_616] {strides = array<i32>} : memref<16x1024xf32, #tpu.memory_space<vmem>>, vector<1x16xf32>,
      %parallel_loop3A_618 = vector.shape_cast %parallel_loop3A_617 : vector<1x16xf32> to vector<16xf32>
      %parallel_loop3A_619 = vector.shape_cast %parallel_loop3A_614 : vector<16xf32> to vector<1x16xf32>
      tpu.vector_store %arg8[%parallel_loop3A_615, %parallel_loop3A_616], %parallel_loop3A_619 {strides = array<i32>} : memref<16x1024xf32, #tpu.memory_space<vmem>>, vector<1x16xf32>,
    } {sc.loop_unroll_factor = 16 : i64, sc.parallel_access}
    %add3A_259 = arith.constant 16 : i32
    %add3A_260 = arith.addi %mul3A_2, %add3A_259 : i32
    %dma_start3A_261 = arith.constant 2 : i32
    %dma_start3A_262 = arith.constant 0 : i32
    %dma_start3A_263 = tpu.memref_slice %arg4[%dma_start3A_261, %add3A_260, %dma_start3A_262] : memref<4x2048x1024xf32, #tpu.memory_space<hbm>> -> memref<1x16x1024xf32, #tpu.memory_space<hbm>>
    %dma_start3A_264 = tpu.memref_squeeze %dma_start3A_263 : memref<1x16x1024xf32, #tpu.memory_space<hbm>> -> memref<16x1024xf32, #tpu.memory_space<hbm>>
    %dma_start3A_265 = arith.constant 0 : i32
    %dma_start3A_266 = tpu.memref_slice %arg4[%dma_start3A_261, %add3A_260, %dma_start3A_265] : memref<4x2048x1024xf32, #tpu.memory_space<hbm>> -> memref<1x16x1024xf32, #tpu.memory_space<hbm>>
    %dma_start3A_267 = tpu.memref_squeeze %dma_start3A_266 : memref<1x16x1024xf32, #tpu.memory_space<hbm>> -> memref<16x1024xf32, #tpu.memory_space<hbm>>
    tpu.enqueue_dma source(%arg8 : memref<16x1024xf32, #tpu.memory_space<vmem>>) target(%dma_start3A_267 : memref<16x1024xf32, #tpu.memory_space<hbm>>) target_semaphore(%arg16 : memref<!tpu.dma_semaphore, #tpu.memory_space<semaphore_mem>>)
    %add3A_268 = arith.constant 32 : i32
    %add3A_269 = arith.addi %mul3A_2, %add3A_268 : i32
    %dma_start3A_270 = arith.constant 1 : i32
    %dma_start3A_271 = arith.constant 0 : i32
    %dma_start3A_272 = tpu.memref_slice %arg2[%dma_start3A_270, %add3A_269, %dma_start3A_271] : memref<4x2048x1024xf32, #tpu.memory_space<hbm>> -> memref<1x16x1024xf32, #tpu.memory_space<hbm>>
    %dma_start3A_273 = tpu.memref_squeeze %dma_start3A_272 : memref<1x16x1024xf32, #tpu.memory_space<hbm>> -> memref<16x1024xf32, #tpu.memory_space<hbm>>
    %dma_start3A_274 = arith.constant 0 : i32
    %dma_start3A_275 = tpu.memref_slice %arg2[%dma_start3A_270, %add3A_269, %dma_start3A_274] : memref<4x2048x1024xf32, #tpu.memory_space<hbm>> -> memref<1x16x1024xf32, #tpu.memory_space<hbm>>
    %dma_start3A_276 = tpu.memref_squeeze %dma_start3A_275 : memref<1x16x1024xf32, #tpu.memory_space<hbm>> -> memref<16x1024xf32, #tpu.memory_space<hbm>>
    tpu.enqueue_dma source(%dma_start3A_276 : memref<16x1024xf32, #tpu.memory_space<hbm>>) target(%arg5 : memref<16x1024xf32, #tpu.memory_space<vmem>>) target_semaphore(%arg13 : memref<!tpu.dma_semaphore, #tpu.memory_space<semaphore_mem>>)
    %dma_wait3A_277 = arith.constant 3 : i32
    %dma_wait3A_278 = arith.constant 0 : i32
    %dma_wait3A_279 = tpu.memref_slice %arg2[%dma_wait3A_277, %add3A_199, %dma_wait3A_278] : memref<4x2048x1024xf32, #tpu.memory_space<hbm>> -> memref<1x16x1024xf32, #tpu.memory_space<hbm>>
    %dma_wait3A_280 = tpu.memref_squeeze %dma_wait3A_279 : memref<1x16x1024xf32, #tpu.memory_space<hbm>> -> memref<16x1024xf32, #tpu.memory_space<hbm>>
    %dma_wait3A_281 = arith.constant 0 : i32
    %dma_wait3A_282 = tpu.memref_slice %arg2[%dma_wait3A_277, %add3A_199, %dma_wait3A_281] : memref<4x2048x1024xf32, #tpu.memory_space<hbm>> -> memref<1x16x1024xf32, #tpu.memory_space<hbm>>
    %dma_wait3A_283 = tpu.memref_squeeze %dma_wait3A_282 : memref<1x16x1024xf32, #tpu.memory_space<hbm>> -> memref<16x1024xf32, #tpu.memory_space<hbm>>
    tpu.wait_dma2 semaphore(%arg14 : memref<!tpu.dma_semaphore, #tpu.memory_space<semaphore_mem>>) src(%dma_wait3A_283 : memref<16x1024xf32, #tpu.memory_space<hbm>>) dst(%arg6 : memref<16x1024xf32, #tpu.memory_space<vmem>>)
    %dma_wait3A_284 = arith.constant 0 : i32
    %dma_wait3A_285 = arith.constant 0 : i32
    %dma_wait3A_286 = tpu.memref_slice %arg4[%dma_wait3A_284, %add3A_190, %dma_wait3A_285] : memref<4x2048x1024xf32, #tpu.memory_space<hbm>> -> memref<1x16x1024xf32, #tpu.memory_space<hbm>>
    %dma_wait3A_287 = tpu.memref_squeeze %dma_wait3A_286 : memref<1x16x1024xf32, #tpu.memory_space<hbm>> -> memref<16x1024xf32, #tpu.memory_space<hbm>>
    %dma_wait3A_288 = arith.constant 0 : i32
    %dma_wait3A_289 = tpu.memref_slice %arg4[%dma_wait3A_284, %add3A_190, %dma_wait3A_288] : memref<4x2048x1024xf32, #tpu.memory_space<hbm>> -> memref<1x16x1024xf32, #tpu.memory_space<hbm>>
    %dma_wait3A_290 = tpu.memref_squeeze %dma_wait3A_289 : memref<1x16x1024xf32, #tpu.memory_space<hbm>> -> memref<16x1024xf32, #tpu.memory_space<hbm>>
    tpu.wait_dma2 semaphore(%arg17 : memref<!tpu.dma_semaphore, #tpu.memory_space<semaphore_mem>>) src(%arg9 : memref<16x1024xf32, #tpu.memory_space<vmem>>) dst(%dma_wait3A_290 : memref<16x1024xf32, #tpu.memory_space<hbm>>)
    %parallel_loop3A_291 = arith.constant 0 : i32
    %parallel_loop3A_292 = arith.constant 16384 : i32
    %parallel_loop3A_293 = arith.constant 16 : i32
    scf.for %parallel_loop3A_600 = %parallel_loop3A_291 to %parallel_loop3A_292 step %parallel_loop3A_293  : i32 {
      %parallel_loop3A_601 = arith.constant 10 : i32
      %parallel_loop3A_602 = arith.shrui %parallel_loop3A_600, %parallel_loop3A_601 : i32
      %parallel_loop3A_603 = arith.constant 1023 : i32
      %parallel_loop3A_604 = arith.andi %parallel_loop3A_600, %parallel_loop3A_603 : i32
      %parallel_loop3A_605 = tpu.assume_multiple %parallel_loop3A_604, 16 : i32
      %parallel_loop3A_606 = arith.index_cast %parallel_loop3A_602 : i32 to index
      %parallel_loop3A_607 = arith.index_cast %parallel_loop3A_605 : i32 to index
      %parallel_loop3A_608 = tpu.vector_load %arg6[%parallel_loop3A_606, %parallel_loop3A_607] {strides = array<i32>} : memref<16x1024xf32, #tpu.memory_space<vmem>>, vector<1x16xf32>,
      %parallel_loop3A_609 = vector.shape_cast %parallel_loop3A_608 : vector<1x16xf32> to vector<16xf32>
      %parallel_loop3A_610 = arith.index_cast %parallel_loop3A_602 : i32 to index
      %parallel_loop3A_611 = arith.index_cast %parallel_loop3A_605 : i32 to index
      %parallel_loop3A_612 = tpu.vector_load %arg12[%parallel_loop3A_610, %parallel_loop3A_611] {strides = array<i32>} : memref<16x1024xf32, #tpu.memory_space<vmem>>, vector<1x16xf32>,
      %parallel_loop3A_613 = vector.shape_cast %parallel_loop3A_612 : vector<1x16xf32> to vector<16xf32>
      %parallel_loop3A_614 = arith.addf %parallel_loop3A_609, %parallel_loop3A_613 : vector<16xf32>
      %parallel_loop3A_615 = arith.index_cast %parallel_loop3A_602 : i32 to index
      %parallel_loop3A_616 = arith.index_cast %parallel_loop3A_605 : i32 to index
      %parallel_loop3A_617 = tpu.vector_load %arg9[%parallel_loop3A_615, %parallel_loop3A_616] {strides = array<i32>} : memref<16x1024xf32, #tpu.memory_space<vmem>>, vector<1x16xf32>,
      %parallel_loop3A_618 = vector.shape_cast %parallel_loop3A_617 : vector<1x16xf32> to vector<16xf32>
      %parallel_loop3A_619 = vector.shape_cast %parallel_loop3A_614 : vector<16xf32> to vector<1x16xf32>
      tpu.vector_store %arg9[%parallel_loop3A_615, %parallel_loop3A_616], %parallel_loop3A_619 {strides = array<i32>} : memref<16x1024xf32, #tpu.memory_space<vmem>>, vector<1x16xf32>,
    } {sc.loop_unroll_factor = 16 : i64, sc.parallel_access}
    %add3A_294 = arith.constant 16 : i32
    %add3A_295 = arith.addi %mul3A_2, %add3A_294 : i32
    %dma_start3A_296 = arith.constant 3 : i32
    %dma_start3A_297 = arith.constant 0 : i32
    %dma_start3A_298 = tpu.memref_slice %arg4[%dma_start3A_296, %add3A_295, %dma_start3A_297] : memref<4x2048x1024xf32, #tpu.memory_space<hbm>> -> memref<1x16x1024xf32, #tpu.memory_space<hbm>>
    %dma_start3A_299 = tpu.memref_squeeze %dma_start3A_298 : memref<1x16x1024xf32, #tpu.memory_space<hbm>> -> memref<16x1024xf32, #tpu.memory_space<hbm>>
    %dma_start3A_300 = arith.constant 0 : i32
    %dma_start3A_301 = tpu.memref_slice %arg4[%dma_start3A_296, %add3A_295, %dma_start3A_300] : memref<4x2048x1024xf32, #tpu.memory_space<hbm>> -> memref<1x16x1024xf32, #tpu.memory_space<hbm>>
    %dma_start3A_302 = tpu.memref_squeeze %dma_start3A_301 : memref<1x16x1024xf32, #tpu.memory_space<hbm>> -> memref<16x1024xf32, #tpu.memory_space<hbm>>
    tpu.enqueue_dma source(%arg9 : memref<16x1024xf32, #tpu.memory_space<vmem>>) target(%dma_start3A_302 : memref<16x1024xf32, #tpu.memory_space<hbm>>) target_semaphore(%arg17 : memref<!tpu.dma_semaphore, #tpu.memory_space<semaphore_mem>>)
    %add3A_303 = arith.constant 32 : i32
    %add3A_304 = arith.addi %mul3A_2, %add3A_303 : i32
    %dma_start3A_305 = arith.constant 2 : i32
    %dma_start3A_306 = arith.constant 0 : i32
    %dma_start3A_307 = tpu.memref_slice %arg2[%dma_start3A_305, %add3A_304, %dma_start3A_306] : memref<4x2048x1024xf32, #tpu.memory_space<hbm>> -> memref<1x16x1024xf32, #tpu.memory_space<hbm>>
    %dma_start3A_308 = tpu.memref_squeeze %dma_start3A_307 : memref<1x16x1024xf32, #tpu.memory_space<hbm>> -> memref<16x1024xf32, #tpu.memory_space<hbm>>
    %dma_start3A_309 = arith.constant 0 : i32
    %dma_start3A_310 = tpu.memref_slice %arg2[%dma_start3A_305, %add3A_304, %dma_start3A_309] : memref<4x2048x1024xf32, #tpu.memory_space<hbm>> -> memref<1x16x1024xf32, #tpu.memory_space<hbm>>
    %dma_start3A_311 = tpu.memref_squeeze %dma_start3A_310 : memref<1x16x1024xf32, #tpu.memory_space<hbm>> -> memref<16x1024xf32, #tpu.memory_space<hbm>>
    tpu.enqueue_dma source(%dma_start3A_311 : memref<16x1024xf32, #tpu.memory_space<hbm>>) target(%arg6 : memref<16x1024xf32, #tpu.memory_space<vmem>>) target_semaphore(%arg14 : memref<!tpu.dma_semaphore, #tpu.memory_space<semaphore_mem>>)
    %dma_wait3A_312 = arith.constant 0 : i32
    %dma_wait3A_313 = tpu.memref_slice %arg3[%add3A_167, %dma_wait3A_312] : memref<2048x1024xf32, #tpu.memory_space<hbm>> -> memref<16x1024xf32, #tpu.memory_space<hbm>>
    %dma_wait3A_314 = arith.constant 0 : i32
    %dma_wait3A_315 = tpu.memref_slice %arg3[%add3A_167, %dma_wait3A_314] : memref<2048x1024xf32, #tpu.memory_space<hbm>> -> memref<16x1024xf32, #tpu.memory_space<hbm>>
    tpu.wait_dma2 semaphore(%arg19 : memref<!tpu.dma_semaphore, #tpu.memory_space<semaphore_mem>>) src(%dma_wait3A_315 : memref<16x1024xf32, #tpu.memory_space<hbm>>) dst(%arg11 : memref<16x1024xf32, #tpu.memory_space<vmem>>)
    %add3A_316 = arith.constant 48 : i32
    %add3A_317 = arith.addi %mul3A_2, %add3A_316 : i32
    %dma_start3A_318 = arith.constant 0 : i32
    %dma_start3A_319 = tpu.memref_slice %arg3[%add3A_317, %dma_start3A_318] : memref<2048x1024xf32, #tpu.memory_space<hbm>> -> memref<16x1024xf32, #tpu.memory_space<hbm>>
    %dma_start3A_320 = arith.constant 0 : i32
    %dma_start3A_321 = tpu.memref_slice %arg3[%add3A_317, %dma_start3A_320] : memref<2048x1024xf32, #tpu.memory_space<hbm>> -> memref<16x1024xf32, #tpu.memory_space<hbm>>
    tpu.enqueue_dma source(%dma_start3A_321 : memref<16x1024xf32, #tpu.memory_space<hbm>>) target(%arg12 : memref<16x1024xf32, #tpu.memory_space<vmem>>) target_semaphore(%arg20 : memref<!tpu.dma_semaphore, #tpu.memory_space<semaphore_mem>>)
    %dma_wait3A_322 = arith.constant 0 : i32
    %dma_wait3A_323 = arith.constant 0 : i32
    %dma_wait3A_324 = tpu.memref_slice %arg2[%dma_wait3A_322, %add3A_234, %dma_wait3A_323] : memref<4x2048x1024xf32, #tpu.memory_space<hbm>> -> memref<1x16x1024xf32, #tpu.memory_space<hbm>>
    %dma_wait3A_325 = tpu.memref_squeeze %dma_wait3A_324 : memref<1x16x1024xf32, #tpu.memory_space<hbm>> -> memref<16x1024xf32, #tpu.memory_space<hbm>>
    %dma_wait3A_326 = arith.constant 0 : i32
    %dma_wait3A_327 = tpu.memref_slice %arg2[%dma_wait3A_322, %add3A_234, %dma_wait3A_326] : memref<4x2048x1024xf32, #tpu.memory_space<hbm>> -> memref<1x16x1024xf32, #tpu.memory_space<hbm>>
    %dma_wait3A_328 = tpu.memref_squeeze %dma_wait3A_327 : memref<1x16x1024xf32, #tpu.memory_space<hbm>> -> memref<16x1024xf32, #tpu.memory_space<hbm>>
    tpu.wait_dma2 semaphore(%arg15 : memref<!tpu.dma_semaphore, #tpu.memory_space<semaphore_mem>>) src(%dma_wait3A_328 : memref<16x1024xf32, #tpu.memory_space<hbm>>) dst(%arg7 : memref<16x1024xf32, #tpu.memory_space<vmem>>)
    %dma_wait3A_329 = arith.constant 1 : i32
    %dma_wait3A_330 = arith.constant 0 : i32
    %dma_wait3A_331 = tpu.memref_slice %arg4[%dma_wait3A_329, %add3A_225, %dma_wait3A_330] : memref<4x2048x1024xf32, #tpu.memory_space<hbm>> -> memref<1x16x1024xf32, #tpu.memory_space<hbm>>
    %dma_wait3A_332 = tpu.memref_squeeze %dma_wait3A_331 : memref<1x16x1024xf32, #tpu.memory_space<hbm>> -> memref<16x1024xf32, #tpu.memory_space<hbm>>
    %dma_wait3A_333 = arith.constant 0 : i32
    %dma_wait3A_334 = tpu.memref_slice %arg4[%dma_wait3A_329, %add3A_225, %dma_wait3A_333] : memref<4x2048x1024xf32, #tpu.memory_space<hbm>> -> memref<1x16x1024xf32, #tpu.memory_space<hbm>>
    %dma_wait3A_335 = tpu.memref_squeeze %dma_wait3A_334 : memref<1x16x1024xf32, #tpu.memory_space<hbm>> -> memref<16x1024xf32, #tpu.memory_space<hbm>>
    tpu.wait_dma2 semaphore(%arg18 : memref<!tpu.dma_semaphore, #tpu.memory_space<semaphore_mem>>) src(%arg10 : memref<16x1024xf32, #tpu.memory_space<vmem>>) dst(%dma_wait3A_335 : memref<16x1024xf32, #tpu.memory_space<hbm>>)
    %parallel_loop3A_336 = arith.constant 0 : i32
    %parallel_loop3A_337 = arith.constant 16384 : i32
    %parallel_loop3A_338 = arith.constant 16 : i32
    scf.for %parallel_loop3A_600 = %parallel_loop3A_336 to %parallel_loop3A_337 step %parallel_loop3A_338  : i32 {
      %parallel_loop3A_601 = arith.constant 10 : i32
      %parallel_loop3A_602 = arith.shrui %parallel_loop3A_600, %parallel_loop3A_601 : i32
      %parallel_loop3A_603 = arith.constant 1023 : i32
      %parallel_loop3A_604 = arith.andi %parallel_loop3A_600, %parallel_loop3A_603 : i32
      %parallel_loop3A_605 = tpu.assume_multiple %parallel_loop3A_604, 16 : i32
      %parallel_loop3A_606 = arith.index_cast %parallel_loop3A_602 : i32 to index
      %parallel_loop3A_607 = arith.index_cast %parallel_loop3A_605 : i32 to index
      %parallel_loop3A_608 = tpu.vector_load %arg7[%parallel_loop3A_606, %parallel_loop3A_607] {strides = array<i32>} : memref<16x1024xf32, #tpu.memory_space<vmem>>, vector<1x16xf32>,
      %parallel_loop3A_609 = vector.shape_cast %parallel_loop3A_608 : vector<1x16xf32> to vector<16xf32>
      %parallel_loop3A_610 = arith.index_cast %parallel_loop3A_602 : i32 to index
      %parallel_loop3A_611 = arith.index_cast %parallel_loop3A_605 : i32 to index
      %parallel_loop3A_612 = tpu.vector_load %arg11[%parallel_loop3A_610, %parallel_loop3A_611] {strides = array<i32>} : memref<16x1024xf32, #tpu.memory_space<vmem>>, vector<1x16xf32>,
      %parallel_loop3A_613 = vector.shape_cast %parallel_loop3A_612 : vector<1x16xf32> to vector<16xf32>
      %parallel_loop3A_614 = arith.addf %parallel_loop3A_609, %parallel_loop3A_613 : vector<16xf32>
      %parallel_loop3A_615 = arith.index_cast %parallel_loop3A_602 : i32 to index
      %parallel_loop3A_616 = arith.index_cast %parallel_loop3A_605 : i32 to index
      %parallel_loop3A_617 = tpu.vector_load %arg10[%parallel_loop3A_615, %parallel_loop3A_616] {strides = array<i32>} : memref<16x1024xf32, #tpu.memory_space<vmem>>, vector<1x16xf32>,
      %parallel_loop3A_618 = vector.shape_cast %parallel_loop3A_617 : vector<1x16xf32> to vector<16xf32>
      %parallel_loop3A_619 = vector.shape_cast %parallel_loop3A_614 : vector<16xf32> to vector<1x16xf32>
      tpu.vector_store %arg10[%parallel_loop3A_615, %parallel_loop3A_616], %parallel_loop3A_619 {strides = array<i32>} : memref<16x1024xf32, #tpu.memory_space<vmem>>, vector<1x16xf32>,
    } {sc.loop_unroll_factor = 16 : i64, sc.parallel_access}
    %add3A_339 = arith.constant 32 : i32
    %add3A_340 = arith.addi %mul3A_2, %add3A_339 : i32
    %dma_start3A_341 = arith.constant 0 : i32
    %dma_start3A_342 = arith.constant 0 : i32
    %dma_start3A_343 = tpu.memref_slice %arg4[%dma_start3A_341, %add3A_340, %dma_start3A_342] : memref<4x2048x1024xf32, #tpu.memory_space<hbm>> -> memref<1x16x1024xf32, #tpu.memory_space<hbm>>
    %dma_start3A_344 = tpu.memref_squeeze %dma_start3A_343 : memref<1x16x1024xf32, #tpu.memory_space<hbm>> -> memref<16x1024xf32, #tpu.memory_space<hbm>>
    %dma_start3A_345 = arith.constant 0 : i32
    %dma_start3A_346 = tpu.memref_slice %arg4[%dma_start3A_341, %add3A_340, %dma_start3A_345] : memref<4x2048x1024xf32, #tpu.memory_space<hbm>> -> memref<1x16x1024xf32, #tpu.memory_space<hbm>>
    %dma_start3A_347 = tpu.memref_squeeze %dma_start3A_346 : memref<1x16x1024xf32, #tpu.memory_space<hbm>> -> memref<16x1024xf32, #tpu.memory_space<hbm>>
    tpu.enqueue_dma source(%arg10 : memref<16x1024xf32, #tpu.memory_space<vmem>>) target(%dma_start3A_347 : memref<16x1024xf32, #tpu.memory_space<hbm>>) target_semaphore(%arg18 : memref<!tpu.dma_semaphore, #tpu.memory_space<semaphore_mem>>)
    %add3A_348 = arith.constant 32 : i32
    %add3A_349 = arith.addi %mul3A_2, %add3A_348 : i32
    %dma_start3A_350 = arith.constant 3 : i32
    %dma_start3A_351 = arith.constant 0 : i32
    %dma_start3A_352 = tpu.memref_slice %arg2[%dma_start3A_350, %add3A_349, %dma_start3A_351] : memref<4x2048x1024xf32, #tpu.memory_space<hbm>> -> memref<1x16x1024xf32, #tpu.memory_space<hbm>>
    %dma_start3A_353 = tpu.memref_squeeze %dma_start3A_352 : memref<1x16x1024xf32, #tpu.memory_space<hbm>> -> memref<16x1024xf32, #tpu.memory_space<hbm>>
    %dma_start3A_354 = arith.constant 0 : i32
    %dma_start3A_355 = tpu.memref_slice %arg2[%dma_start3A_350, %add3A_349, %dma_start3A_354] : memref<4x2048x1024xf32, #tpu.memory_space<hbm>> -> memref<1x16x1024xf32, #tpu.memory_space<hbm>>
    %dma_start3A_356 = tpu.memref_squeeze %dma_start3A_355 : memref<1x16x1024xf32, #tpu.memory_space<hbm>> -> memref<16x1024xf32, #tpu.memory_space<hbm>>
    tpu.enqueue_dma source(%dma_start3A_356 : memref<16x1024xf32, #tpu.memory_space<hbm>>) target(%arg7 : memref<16x1024xf32, #tpu.memory_space<vmem>>) target_semaphore(%arg15 : memref<!tpu.dma_semaphore, #tpu.memory_space<semaphore_mem>>)
    %dma_wait3A_357 = arith.constant 1 : i32
    %dma_wait3A_358 = arith.constant 0 : i32
    %dma_wait3A_359 = tpu.memref_slice %arg2[%dma_wait3A_357, %add3A_269, %dma_wait3A_358] : memref<4x2048x1024xf32, #tpu.memory_space<hbm>> -> memref<1x16x1024xf32, #tpu.memory_space<hbm>>
    %dma_wait3A_360 = tpu.memref_squeeze %dma_wait3A_359 : memref<1x16x1024xf32, #tpu.memory_space<hbm>> -> memref<16x1024xf32, #tpu.memory_space<hbm>>
    %dma_wait3A_361 = arith.constant 0 : i32
    %dma_wait3A_362 = tpu.memref_slice %arg2[%dma_wait3A_357, %add3A_269, %dma_wait3A_361] : memref<4x2048x1024xf32, #tpu.memory_space<hbm>> -> memref<1x16x1024xf32, #tpu.memory_space<hbm>>
    %dma_wait3A_363 = tpu.memref_squeeze %dma_wait3A_362 : memref<1x16x1024xf32, #tpu.memory_space<hbm>> -> memref<16x1024xf32, #tpu.memory_space<hbm>>
    tpu.wait_dma2 semaphore(%arg13 : memref<!tpu.dma_semaphore, #tpu.memory_space<semaphore_mem>>) src(%dma_wait3A_363 : memref<16x1024xf32, #tpu.memory_space<hbm>>) dst(%arg5 : memref<16x1024xf32, #tpu.memory_space<vmem>>)
    %dma_wait3A_364 = arith.constant 2 : i32
    %dma_wait3A_365 = arith.constant 0 : i32
    %dma_wait3A_366 = tpu.memref_slice %arg4[%dma_wait3A_364, %add3A_260, %dma_wait3A_365] : memref<4x2048x1024xf32, #tpu.memory_space<hbm>> -> memref<1x16x1024xf32, #tpu.memory_space<hbm>>
    %dma_wait3A_367 = tpu.memref_squeeze %dma_wait3A_366 : memref<1x16x1024xf32, #tpu.memory_space<hbm>> -> memref<16x1024xf32, #tpu.memory_space<hbm>>
    %dma_wait3A_368 = arith.constant 0 : i32
    %dma_wait3A_369 = tpu.memref_slice %arg4[%dma_wait3A_364, %add3A_260, %dma_wait3A_368] : memref<4x2048x1024xf32, #tpu.memory_space<hbm>> -> memref<1x16x1024xf32, #tpu.memory_space<hbm>>
    %dma_wait3A_370 = tpu.memref_squeeze %dma_wait3A_369 : memref<1x16x1024xf32, #tpu.memory_space<hbm>> -> memref<16x1024xf32, #tpu.memory_space<hbm>>
    tpu.wait_dma2 semaphore(%arg16 : memref<!tpu.dma_semaphore, #tpu.memory_space<semaphore_mem>>) src(%arg8 : memref<16x1024xf32, #tpu.memory_space<vmem>>) dst(%dma_wait3A_370 : memref<16x1024xf32, #tpu.memory_space<hbm>>)
    %parallel_loop3A_371 = arith.constant 0 : i32
    %parallel_loop3A_372 = arith.constant 16384 : i32
    %parallel_loop3A_373 = arith.constant 16 : i32
    scf.for %parallel_loop3A_600 = %parallel_loop3A_371 to %parallel_loop3A_372 step %parallel_loop3A_373  : i32 {
      %parallel_loop3A_601 = arith.constant 10 : i32
      %parallel_loop3A_602 = arith.shrui %parallel_loop3A_600, %parallel_loop3A_601 : i32
      %parallel_loop3A_603 = arith.constant 1023 : i32
      %parallel_loop3A_604 = arith.andi %parallel_loop3A_600, %parallel_loop3A_603 : i32
      %parallel_loop3A_605 = tpu.assume_multiple %parallel_loop3A_604, 16 : i32
      %parallel_loop3A_606 = arith.index_cast %parallel_loop3A_602 : i32 to index
      %parallel_loop3A_607 = arith.index_cast %parallel_loop3A_605 : i32 to index
      %parallel_loop3A_608 = tpu.vector_load %arg5[%parallel_loop3A_606, %parallel_loop3A_607] {strides = array<i32>} : memref<16x1024xf32, #tpu.memory_space<vmem>>, vector<1x16xf32>,
      %parallel_loop3A_609 = vector.shape_cast %parallel_loop3A_608 : vector<1x16xf32> to vector<16xf32>
      %parallel_loop3A_610 = arith.index_cast %parallel_loop3A_602 : i32 to index
      %parallel_loop3A_611 = arith.index_cast %parallel_loop3A_605 : i32 to index
      %parallel_loop3A_612 = tpu.vector_load %arg11[%parallel_loop3A_610, %parallel_loop3A_611] {strides = array<i32>} : memref<16x1024xf32, #tpu.memory_space<vmem>>, vector<1x16xf32>,
      %parallel_loop3A_613 = vector.shape_cast %parallel_loop3A_612 : vector<1x16xf32> to vector<16xf32>
      %parallel_loop3A_614 = arith.addf %parallel_loop3A_609, %parallel_loop3A_613 : vector<16xf32>
      %parallel_loop3A_615 = arith.index_cast %parallel_loop3A_602 : i32 to index
      %parallel_loop3A_616 = arith.index_cast %parallel_loop3A_605 : i32 to index
      %parallel_loop3A_617 = tpu.vector_load %arg8[%parallel_loop3A_615, %parallel_loop3A_616] {strides = array<i32>} : memref<16x1024xf32, #tpu.memory_space<vmem>>, vector<1x16xf32>,
      %parallel_loop3A_618 = vector.shape_cast %parallel_loop3A_617 : vector<1x16xf32> to vector<16xf32>
      %parallel_loop3A_619 = vector.shape_cast %parallel_loop3A_614 : vector<16xf32> to vector<1x16xf32>
      tpu.vector_store %arg8[%parallel_loop3A_615, %parallel_loop3A_616], %parallel_loop3A_619 {strides = array<i32>} : memref<16x1024xf32, #tpu.memory_space<vmem>>, vector<1x16xf32>,
    } {sc.loop_unroll_factor = 16 : i64, sc.parallel_access}
    %add3A_374 = arith.constant 32 : i32
    %add3A_375 = arith.addi %mul3A_2, %add3A_374 : i32
    %dma_start3A_376 = arith.constant 1 : i32
    %dma_start3A_377 = arith.constant 0 : i32
    %dma_start3A_378 = tpu.memref_slice %arg4[%dma_start3A_376, %add3A_375, %dma_start3A_377] : memref<4x2048x1024xf32, #tpu.memory_space<hbm>> -> memref<1x16x1024xf32, #tpu.memory_space<hbm>>
    %dma_start3A_379 = tpu.memref_squeeze %dma_start3A_378 : memref<1x16x1024xf32, #tpu.memory_space<hbm>> -> memref<16x1024xf32, #tpu.memory_space<hbm>>
    %dma_start3A_380 = arith.constant 0 : i32
    %dma_start3A_381 = tpu.memref_slice %arg4[%dma_start3A_376, %add3A_375, %dma_start3A_380] : memref<4x2048x1024xf32, #tpu.memory_space<hbm>> -> memref<1x16x1024xf32, #tpu.memory_space<hbm>>
    %dma_start3A_382 = tpu.memref_squeeze %dma_start3A_381 : memref<1x16x1024xf32, #tpu.memory_space<hbm>> -> memref<16x1024xf32, #tpu.memory_space<hbm>>
    tpu.enqueue_dma source(%arg8 : memref<16x1024xf32, #tpu.memory_space<vmem>>) target(%dma_start3A_382 : memref<16x1024xf32, #tpu.memory_space<hbm>>) target_semaphore(%arg16 : memref<!tpu.dma_semaphore, #tpu.memory_space<semaphore_mem>>)
    %add3A_383 = arith.constant 48 : i32
    %add3A_384 = arith.addi %mul3A_2, %add3A_383 : i32
    %dma_start3A_385 = arith.constant 0 : i32
    %dma_start3A_386 = arith.constant 0 : i32
    %dma_start3A_387 = tpu.memref_slice %arg2[%dma_start3A_385, %add3A_384, %dma_start3A_386] : memref<4x2048x1024xf32, #tpu.memory_space<hbm>> -> memref<1x16x1024xf32, #tpu.memory_space<hbm>>
    %dma_start3A_388 = tpu.memref_squeeze %dma_start3A_387 : memref<1x16x1024xf32, #tpu.memory_space<hbm>> -> memref<16x1024xf32, #tpu.memory_space<hbm>>
    %dma_start3A_389 = arith.constant 0 : i32
    %dma_start3A_390 = tpu.memref_slice %arg2[%dma_start3A_385, %add3A_384, %dma_start3A_389] : memref<4x2048x1024xf32, #tpu.memory_space<hbm>> -> memref<1x16x1024xf32, #tpu.memory_space<hbm>>
    %dma_start3A_391 = tpu.memref_squeeze %dma_start3A_390 : memref<1x16x1024xf32, #tpu.memory_space<hbm>> -> memref<16x1024xf32, #tpu.memory_space<hbm>>
    tpu.enqueue_dma source(%dma_start3A_391 : memref<16x1024xf32, #tpu.memory_space<hbm>>) target(%arg5 : memref<16x1024xf32, #tpu.memory_space<vmem>>) target_semaphore(%arg13 : memref<!tpu.dma_semaphore, #tpu.memory_space<semaphore_mem>>)
    %dma_wait3A_392 = arith.constant 2 : i32
    %dma_wait3A_393 = arith.constant 0 : i32
    %dma_wait3A_394 = tpu.memref_slice %arg2[%dma_wait3A_392, %add3A_304, %dma_wait3A_393] : memref<4x2048x1024xf32, #tpu.memory_space<hbm>> -> memref<1x16x1024xf32, #tpu.memory_space<hbm>>
    %dma_wait3A_395 = tpu.memref_squeeze %dma_wait3A_394 : memref<1x16x1024xf32, #tpu.memory_space<hbm>> -> memref<16x1024xf32, #tpu.memory_space<hbm>>
    %dma_wait3A_396 = arith.constant 0 : i32
    %dma_wait3A_397 = tpu.memref_slice %arg2[%dma_wait3A_392, %add3A_304, %dma_wait3A_396] : memref<4x2048x1024xf32, #tpu.memory_space<hbm>> -> memref<1x16x1024xf32, #tpu.memory_space<hbm>>
    %dma_wait3A_398 = tpu.memref_squeeze %dma_wait3A_397 : memref<1x16x1024xf32, #tpu.memory_space<hbm>> -> memref<16x1024xf32, #tpu.memory_space<hbm>>
    tpu.wait_dma2 semaphore(%arg14 : memref<!tpu.dma_semaphore, #tpu.memory_space<semaphore_mem>>) src(%dma_wait3A_398 : memref<16x1024xf32, #tpu.memory_space<hbm>>) dst(%arg6 : memref<16x1024xf32, #tpu.memory_space<vmem>>)
    %dma_wait3A_399 = arith.constant 3 : i32
    %dma_wait3A_400 = arith.constant 0 : i32
    %dma_wait3A_401 = tpu.memref_slice %arg4[%dma_wait3A_399, %add3A_295, %dma_wait3A_400] : memref<4x2048x1024xf32, #tpu.memory_space<hbm>> -> memref<1x16x1024xf32, #tpu.memory_space<hbm>>
    %dma_wait3A_402 = tpu.memref_squeeze %dma_wait3A_401 : memref<1x16x1024xf32, #tpu.memory_space<hbm>> -> memref<16x1024xf32, #tpu.memory_space<hbm>>
    %dma_wait3A_403 = arith.constant 0 : i32
    %dma_wait3A_404 = tpu.memref_slice %arg4[%dma_wait3A_399, %add3A_295, %dma_wait3A_403] : memref<4x2048x1024xf32, #tpu.memory_space<hbm>> -> memref<1x16x1024xf32, #tpu.memory_space<hbm>>
    %dma_wait3A_405 = tpu.memref_squeeze %dma_wait3A_404 : memref<1x16x1024xf32, #tpu.memory_space<hbm>> -> memref<16x1024xf32, #tpu.memory_space<hbm>>
    tpu.wait_dma2 semaphore(%arg17 : memref<!tpu.dma_semaphore, #tpu.memory_space<semaphore_mem>>) src(%arg9 : memref<16x1024xf32, #tpu.memory_space<vmem>>) dst(%dma_wait3A_405 : memref<16x1024xf32, #tpu.memory_space<hbm>>)
    %parallel_loop3A_406 = arith.constant 0 : i32
    %parallel_loop3A_407 = arith.constant 16384 : i32
    %parallel_loop3A_408 = arith.constant 16 : i32
    scf.for %parallel_loop3A_600 = %parallel_loop3A_406 to %parallel_loop3A_407 step %parallel_loop3A_408  : i32 {
      %parallel_loop3A_601 = arith.constant 10 : i32
      %parallel_loop3A_602 = arith.shrui %parallel_loop3A_600, %parallel_loop3A_601 : i32
      %parallel_loop3A_603 = arith.constant 1023 : i32
      %parallel_loop3A_604 = arith.andi %parallel_loop3A_600, %parallel_loop3A_603 : i32
      %parallel_loop3A_605 = tpu.assume_multiple %parallel_loop3A_604, 16 : i32
      %parallel_loop3A_606 = arith.index_cast %parallel_loop3A_602 : i32 to index
      %parallel_loop3A_607 = arith.index_cast %parallel_loop3A_605 : i32 to index
      %parallel_loop3A_608 = tpu.vector_load %arg6[%parallel_loop3A_606, %parallel_loop3A_607] {strides = array<i32>} : memref<16x1024xf32, #tpu.memory_space<vmem>>, vector<1x16xf32>,
      %parallel_loop3A_609 = vector.shape_cast %parallel_loop3A_608 : vector<1x16xf32> to vector<16xf32>
      %parallel_loop3A_610 = arith.index_cast %parallel_loop3A_602 : i32 to index
      %parallel_loop3A_611 = arith.index_cast %parallel_loop3A_605 : i32 to index
      %parallel_loop3A_612 = tpu.vector_load %arg11[%parallel_loop3A_610, %parallel_loop3A_611] {strides = array<i32>} : memref<16x1024xf32, #tpu.memory_space<vmem>>, vector<1x16xf32>,
      %parallel_loop3A_613 = vector.shape_cast %parallel_loop3A_612 : vector<1x16xf32> to vector<16xf32>
      %parallel_loop3A_614 = arith.addf %parallel_loop3A_609, %parallel_loop3A_613 : vector<16xf32>
      %parallel_loop3A_615 = arith.index_cast %parallel_loop3A_602 : i32 to index
      %parallel_loop3A_616 = arith.index_cast %parallel_loop3A_605 : i32 to index
      %parallel_loop3A_617 = tpu.vector_load %arg9[%parallel_loop3A_615, %parallel_loop3A_616] {strides = array<i32>} : memref<16x1024xf32, #tpu.memory_space<vmem>>, vector<1x16xf32>,
      %parallel_loop3A_618 = vector.shape_cast %parallel_loop3A_617 : vector<1x16xf32> to vector<16xf32>
      %parallel_loop3A_619 = vector.shape_cast %parallel_loop3A_614 : vector<16xf32> to vector<1x16xf32>
      tpu.vector_store %arg9[%parallel_loop3A_615, %parallel_loop3A_616], %parallel_loop3A_619 {strides = array<i32>} : memref<16x1024xf32, #tpu.memory_space<vmem>>, vector<1x16xf32>,
    } {sc.loop_unroll_factor = 16 : i64, sc.parallel_access}
    %add3A_409 = arith.constant 32 : i32
    %add3A_410 = arith.addi %mul3A_2, %add3A_409 : i32
    %dma_start3A_411 = arith.constant 2 : i32
    %dma_start3A_412 = arith.constant 0 : i32
    %dma_start3A_413 = tpu.memref_slice %arg4[%dma_start3A_411, %add3A_410, %dma_start3A_412] : memref<4x2048x1024xf32, #tpu.memory_space<hbm>> -> memref<1x16x1024xf32, #tpu.memory_space<hbm>>
    %dma_start3A_414 = tpu.memref_squeeze %dma_start3A_413 : memref<1x16x1024xf32, #tpu.memory_space<hbm>> -> memref<16x1024xf32, #tpu.memory_space<hbm>>
    %dma_start3A_415 = arith.constant 0 : i32
    %dma_start3A_416 = tpu.memref_slice %arg4[%dma_start3A_411, %add3A_410, %dma_start3A_415] : memref<4x2048x1024xf32, #tpu.memory_space<hbm>> -> memref<1x16x1024xf32, #tpu.memory_space<hbm>>
    %dma_start3A_417 = tpu.memref_squeeze %dma_start3A_416 : memref<1x16x1024xf32, #tpu.memory_space<hbm>> -> memref<16x1024xf32, #tpu.memory_space<hbm>>
    tpu.enqueue_dma source(%arg9 : memref<16x1024xf32, #tpu.memory_space<vmem>>) target(%dma_start3A_417 : memref<16x1024xf32, #tpu.memory_space<hbm>>) target_semaphore(%arg17 : memref<!tpu.dma_semaphore, #tpu.memory_space<semaphore_mem>>)
    %add3A_418 = arith.constant 48 : i32
    %add3A_419 = arith.addi %mul3A_2, %add3A_418 : i32
    %dma_start3A_420 = arith.constant 1 : i32
    %dma_start3A_421 = arith.constant 0 : i32
    %dma_start3A_422 = tpu.memref_slice %arg2[%dma_start3A_420, %add3A_419, %dma_start3A_421] : memref<4x2048x1024xf32, #tpu.memory_space<hbm>> -> memref<1x16x1024xf32, #tpu.memory_space<hbm>>
    %dma_start3A_423 = tpu.memref_squeeze %dma_start3A_422 : memref<1x16x1024xf32, #tpu.memory_space<hbm>> -> memref<16x1024xf32, #tpu.memory_space<hbm>>
    %dma_start3A_424 = arith.constant 0 : i32
    %dma_start3A_425 = tpu.memref_slice %arg2[%dma_start3A_420, %add3A_419, %dma_start3A_424] : memref<4x2048x1024xf32, #tpu.memory_space<hbm>> -> memref<1x16x1024xf32, #tpu.memory_space<hbm>>
    %dma_start3A_426 = tpu.memref_squeeze %dma_start3A_425 : memref<1x16x1024xf32, #tpu.memory_space<hbm>> -> memref<16x1024xf32, #tpu.memory_space<hbm>>
    tpu.enqueue_dma source(%dma_start3A_426 : memref<16x1024xf32, #tpu.memory_space<hbm>>) target(%arg6 : memref<16x1024xf32, #tpu.memory_space<vmem>>) target_semaphore(%arg14 : memref<!tpu.dma_semaphore, #tpu.memory_space<semaphore_mem>>)
    %dma_wait3A_427 = arith.constant 3 : i32
    %dma_wait3A_428 = arith.constant 0 : i32
    %dma_wait3A_429 = tpu.memref_slice %arg2[%dma_wait3A_427, %add3A_349, %dma_wait3A_428] : memref<4x2048x1024xf32, #tpu.memory_space<hbm>> -> memref<1x16x1024xf32, #tpu.memory_space<hbm>>
    %dma_wait3A_430 = tpu.memref_squeeze %dma_wait3A_429 : memref<1x16x1024xf32, #tpu.memory_space<hbm>> -> memref<16x1024xf32, #tpu.memory_space<hbm>>
    %dma_wait3A_431 = arith.constant 0 : i32
    %dma_wait3A_432 = tpu.memref_slice %arg2[%dma_wait3A_427, %add3A_349, %dma_wait3A_431] : memref<4x2048x1024xf32, #tpu.memory_space<hbm>> -> memref<1x16x1024xf32, #tpu.memory_space<hbm>>
    %dma_wait3A_433 = tpu.memref_squeeze %dma_wait3A_432 : memref<1x16x1024xf32, #tpu.memory_space<hbm>> -> memref<16x1024xf32, #tpu.memory_space<hbm>>
    tpu.wait_dma2 semaphore(%arg15 : memref<!tpu.dma_semaphore, #tpu.memory_space<semaphore_mem>>) src(%dma_wait3A_433 : memref<16x1024xf32, #tpu.memory_space<hbm>>) dst(%arg7 : memref<16x1024xf32, #tpu.memory_space<vmem>>)
    %dma_wait3A_434 = arith.constant 0 : i32
    %dma_wait3A_435 = arith.constant 0 : i32
    %dma_wait3A_436 = tpu.memref_slice %arg4[%dma_wait3A_434, %add3A_340, %dma_wait3A_435] : memref<4x2048x1024xf32, #tpu.memory_space<hbm>> -> memref<1x16x1024xf32, #tpu.memory_space<hbm>>
    %dma_wait3A_437 = tpu.memref_squeeze %dma_wait3A_436 : memref<1x16x1024xf32, #tpu.memory_space<hbm>> -> memref<16x1024xf32, #tpu.memory_space<hbm>>
    %dma_wait3A_438 = arith.constant 0 : i32
    %dma_wait3A_439 = tpu.memref_slice %arg4[%dma_wait3A_434, %add3A_340, %dma_wait3A_438] : memref<4x2048x1024xf32, #tpu.memory_space<hbm>> -> memref<1x16x1024xf32, #tpu.memory_space<hbm>>
    %dma_wait3A_440 = tpu.memref_squeeze %dma_wait3A_439 : memref<1x16x1024xf32, #tpu.memory_space<hbm>> -> memref<16x1024xf32, #tpu.memory_space<hbm>>
    tpu.wait_dma2 semaphore(%arg18 : memref<!tpu.dma_semaphore, #tpu.memory_space<semaphore_mem>>) src(%arg10 : memref<16x1024xf32, #tpu.memory_space<vmem>>) dst(%dma_wait3A_440 : memref<16x1024xf32, #tpu.memory_space<hbm>>)
    %parallel_loop3A_441 = arith.constant 0 : i32
    %parallel_loop3A_442 = arith.constant 16384 : i32
    %parallel_loop3A_443 = arith.constant 16 : i32
    scf.for %parallel_loop3A_600 = %parallel_loop3A_441 to %parallel_loop3A_442 step %parallel_loop3A_443  : i32 {
      %parallel_loop3A_601 = arith.constant 10 : i32
      %parallel_loop3A_602 = arith.shrui %parallel_loop3A_600, %parallel_loop3A_601 : i32
      %parallel_loop3A_603 = arith.constant 1023 : i32
      %parallel_loop3A_604 = arith.andi %parallel_loop3A_600, %parallel_loop3A_603 : i32
      %parallel_loop3A_605 = tpu.assume_multiple %parallel_loop3A_604, 16 : i32
      %parallel_loop3A_606 = arith.index_cast %parallel_loop3A_602 : i32 to index
      %parallel_loop3A_607 = arith.index_cast %parallel_loop3A_605 : i32 to index
      %parallel_loop3A_608 = tpu.vector_load %arg7[%parallel_loop3A_606, %parallel_loop3A_607] {strides = array<i32>} : memref<16x1024xf32, #tpu.memory_space<vmem>>, vector<1x16xf32>,
      %parallel_loop3A_609 = vector.shape_cast %parallel_loop3A_608 : vector<1x16xf32> to vector<16xf32>
      %parallel_loop3A_610 = arith.index_cast %parallel_loop3A_602 : i32 to index
      %parallel_loop3A_611 = arith.index_cast %parallel_loop3A_605 : i32 to index
      %parallel_loop3A_612 = tpu.vector_load %arg11[%parallel_loop3A_610, %parallel_loop3A_611] {strides = array<i32>} : memref<16x1024xf32, #tpu.memory_space<vmem>>, vector<1x16xf32>,
      %parallel_loop3A_613 = vector.shape_cast %parallel_loop3A_612 : vector<1x16xf32> to vector<16xf32>
      %parallel_loop3A_614 = arith.addf %parallel_loop3A_609, %parallel_loop3A_613 : vector<16xf32>
      %parallel_loop3A_615 = arith.index_cast %parallel_loop3A_602 : i32 to index
      %parallel_loop3A_616 = arith.index_cast %parallel_loop3A_605 : i32 to index
      %parallel_loop3A_617 = tpu.vector_load %arg10[%parallel_loop3A_615, %parallel_loop3A_616] {strides = array<i32>} : memref<16x1024xf32, #tpu.memory_space<vmem>>, vector<1x16xf32>,
      %parallel_loop3A_618 = vector.shape_cast %parallel_loop3A_617 : vector<1x16xf32> to vector<16xf32>
      %parallel_loop3A_619 = vector.shape_cast %parallel_loop3A_614 : vector<16xf32> to vector<1x16xf32>
      tpu.vector_store %arg10[%parallel_loop3A_615, %parallel_loop3A_616], %parallel_loop3A_619 {strides = array<i32>} : memref<16x1024xf32, #tpu.memory_space<vmem>>, vector<1x16xf32>,
    } {sc.loop_unroll_factor = 16 : i64, sc.parallel_access}
    %add3A_444 = arith.constant 32 : i32
    %add3A_445 = arith.addi %mul3A_2, %add3A_444 : i32
    %dma_start3A_446 = arith.constant 3 : i32
    %dma_start3A_447 = arith.constant 0 : i32
    %dma_start3A_448 = tpu.memref_slice %arg4[%dma_start3A_446, %add3A_445, %dma_start3A_447] : memref<4x2048x1024xf32, #tpu.memory_space<hbm>> -> memref<1x16x1024xf32, #tpu.memory_space<hbm>>
    %dma_start3A_449 = tpu.memref_squeeze %dma_start3A_448 : memref<1x16x1024xf32, #tpu.memory_space<hbm>> -> memref<16x1024xf32, #tpu.memory_space<hbm>>
    %dma_start3A_450 = arith.constant 0 : i32
    %dma_start3A_451 = tpu.memref_slice %arg4[%dma_start3A_446, %add3A_445, %dma_start3A_450] : memref<4x2048x1024xf32, #tpu.memory_space<hbm>> -> memref<1x16x1024xf32, #tpu.memory_space<hbm>>
    %dma_start3A_452 = tpu.memref_squeeze %dma_start3A_451 : memref<1x16x1024xf32, #tpu.memory_space<hbm>> -> memref<16x1024xf32, #tpu.memory_space<hbm>>
    tpu.enqueue_dma source(%arg10 : memref<16x1024xf32, #tpu.memory_space<vmem>>) target(%dma_start3A_452 : memref<16x1024xf32, #tpu.memory_space<hbm>>) target_semaphore(%arg18 : memref<!tpu.dma_semaphore, #tpu.memory_space<semaphore_mem>>)
    %add3A_453 = arith.constant 48 : i32
    %add3A_454 = arith.addi %mul3A_2, %add3A_453 : i32
    %dma_start3A_455 = arith.constant 2 : i32
    %dma_start3A_456 = arith.constant 0 : i32
    %dma_start3A_457 = tpu.memref_slice %arg2[%dma_start3A_455, %add3A_454, %dma_start3A_456] : memref<4x2048x1024xf32, #tpu.memory_space<hbm>> -> memref<1x16x1024xf32, #tpu.memory_space<hbm>>
    %dma_start3A_458 = tpu.memref_squeeze %dma_start3A_457 : memref<1x16x1024xf32, #tpu.memory_space<hbm>> -> memref<16x1024xf32, #tpu.memory_space<hbm>>
    %dma_start3A_459 = arith.constant 0 : i32
    %dma_start3A_460 = tpu.memref_slice %arg2[%dma_start3A_455, %add3A_454, %dma_start3A_459] : memref<4x2048x1024xf32, #tpu.memory_space<hbm>> -> memref<1x16x1024xf32, #tpu.memory_space<hbm>>
    %dma_start3A_461 = tpu.memref_squeeze %dma_start3A_460 : memref<1x16x1024xf32, #tpu.memory_space<hbm>> -> memref<16x1024xf32, #tpu.memory_space<hbm>>
    tpu.enqueue_dma source(%dma_start3A_461 : memref<16x1024xf32, #tpu.memory_space<hbm>>) target(%arg7 : memref<16x1024xf32, #tpu.memory_space<vmem>>) target_semaphore(%arg15 : memref<!tpu.dma_semaphore, #tpu.memory_space<semaphore_mem>>)
    %dma_wait3A_462 = arith.constant 0 : i32
    %dma_wait3A_463 = tpu.memref_slice %arg3[%add3A_317, %dma_wait3A_462] : memref<2048x1024xf32, #tpu.memory_space<hbm>> -> memref<16x1024xf32, #tpu.memory_space<hbm>>
    %dma_wait3A_464 = arith.constant 0 : i32
    %dma_wait3A_465 = tpu.memref_slice %arg3[%add3A_317, %dma_wait3A_464] : memref<2048x1024xf32, #tpu.memory_space<hbm>> -> memref<16x1024xf32, #tpu.memory_space<hbm>>
    tpu.wait_dma2 semaphore(%arg20 : memref<!tpu.dma_semaphore, #tpu.memory_space<semaphore_mem>>) src(%dma_wait3A_465 : memref<16x1024xf32, #tpu.memory_space<hbm>>) dst(%arg12 : memref<16x1024xf32, #tpu.memory_space<vmem>>)
    %dma_wait3A_466 = arith.constant 0 : i32
    %dma_wait3A_467 = arith.constant 0 : i32
    %dma_wait3A_468 = tpu.memref_slice %arg2[%dma_wait3A_466, %add3A_384, %dma_wait3A_467] : memref<4x2048x1024xf32, #tpu.memory_space<hbm>> -> memref<1x16x1024xf32, #tpu.memory_space<hbm>>
    %dma_wait3A_469 = tpu.memref_squeeze %dma_wait3A_468 : memref<1x16x1024xf32, #tpu.memory_space<hbm>> -> memref<16x1024xf32, #tpu.memory_space<hbm>>
    %dma_wait3A_470 = arith.constant 0 : i32
    %dma_wait3A_471 = tpu.memref_slice %arg2[%dma_wait3A_466, %add3A_384, %dma_wait3A_470] : memref<4x2048x1024xf32, #tpu.memory_space<hbm>> -> memref<1x16x1024xf32, #tpu.memory_space<hbm>>
    %dma_wait3A_472 = tpu.memref_squeeze %dma_wait3A_471 : memref<1x16x1024xf32, #tpu.memory_space<hbm>> -> memref<16x1024xf32, #tpu.memory_space<hbm>>
    tpu.wait_dma2 semaphore(%arg13 : memref<!tpu.dma_semaphore, #tpu.memory_space<semaphore_mem>>) src(%dma_wait3A_472 : memref<16x1024xf32, #tpu.memory_space<hbm>>) dst(%arg5 : memref<16x1024xf32, #tpu.memory_space<vmem>>)
    %dma_wait3A_473 = arith.constant 1 : i32
    %dma_wait3A_474 = arith.constant 0 : i32
    %dma_wait3A_475 = tpu.memref_slice %arg4[%dma_wait3A_473, %add3A_375, %dma_wait3A_474] : memref<4x2048x1024xf32, #tpu.memory_space<hbm>> -> memref<1x16x1024xf32, #tpu.memory_space<hbm>>
    %dma_wait3A_476 = tpu.memref_squeeze %dma_wait3A_475 : memref<1x16x1024xf32, #tpu.memory_space<hbm>> -> memref<16x1024xf32, #tpu.memory_space<hbm>>
    %dma_wait3A_477 = arith.constant 0 : i32
    %dma_wait3A_478 = tpu.memref_slice %arg4[%dma_wait3A_473, %add3A_375, %dma_wait3A_477] : memref<4x2048x1024xf32, #tpu.memory_space<hbm>> -> memref<1x16x1024xf32, #tpu.memory_space<hbm>>
    %dma_wait3A_479 = tpu.memref_squeeze %dma_wait3A_478 : memref<1x16x1024xf32, #tpu.memory_space<hbm>> -> memref<16x1024xf32, #tpu.memory_space<hbm>>
    tpu.wait_dma2 semaphore(%arg16 : memref<!tpu.dma_semaphore, #tpu.memory_space<semaphore_mem>>) src(%arg8 : memref<16x1024xf32, #tpu.memory_space<vmem>>) dst(%dma_wait3A_479 : memref<16x1024xf32, #tpu.memory_space<hbm>>)
    %parallel_loop3A_480 = arith.constant 0 : i32
    %parallel_loop3A_481 = arith.constant 16384 : i32
    %parallel_loop3A_482 = arith.constant 16 : i32
    scf.for %parallel_loop3A_600 = %parallel_loop3A_480 to %parallel_loop3A_481 step %parallel_loop3A_482  : i32 {
      %parallel_loop3A_601 = arith.constant 10 : i32
      %parallel_loop3A_602 = arith.shrui %parallel_loop3A_600, %parallel_loop3A_601 : i32
      %parallel_loop3A_603 = arith.constant 1023 : i32
      %parallel_loop3A_604 = arith.andi %parallel_loop3A_600, %parallel_loop3A_603 : i32
      %parallel_loop3A_605 = tpu.assume_multiple %parallel_loop3A_604, 16 : i32
      %parallel_loop3A_606 = arith.index_cast %parallel_loop3A_602 : i32 to index
      %parallel_loop3A_607 = arith.index_cast %parallel_loop3A_605 : i32 to index
      %parallel_loop3A_608 = tpu.vector_load %arg5[%parallel_loop3A_606, %parallel_loop3A_607] {strides = array<i32>} : memref<16x1024xf32, #tpu.memory_space<vmem>>, vector<1x16xf32>,
      %parallel_loop3A_609 = vector.shape_cast %parallel_loop3A_608 : vector<1x16xf32> to vector<16xf32>
      %parallel_loop3A_610 = arith.index_cast %parallel_loop3A_602 : i32 to index
      %parallel_loop3A_611 = arith.index_cast %parallel_loop3A_605 : i32 to index
      %parallel_loop3A_612 = tpu.vector_load %arg12[%parallel_loop3A_610, %parallel_loop3A_611] {strides = array<i32>} : memref<16x1024xf32, #tpu.memory_space<vmem>>, vector<1x16xf32>,
      %parallel_loop3A_613 = vector.shape_cast %parallel_loop3A_612 : vector<1x16xf32> to vector<16xf32>
      %parallel_loop3A_614 = arith.addf %parallel_loop3A_609, %parallel_loop3A_613 : vector<16xf32>
      %parallel_loop3A_615 = arith.index_cast %parallel_loop3A_602 : i32 to index
      %parallel_loop3A_616 = arith.index_cast %parallel_loop3A_605 : i32 to index
      %parallel_loop3A_617 = tpu.vector_load %arg8[%parallel_loop3A_615, %parallel_loop3A_616] {strides = array<i32>} : memref<16x1024xf32, #tpu.memory_space<vmem>>, vector<1x16xf32>,
      %parallel_loop3A_618 = vector.shape_cast %parallel_loop3A_617 : vector<1x16xf32> to vector<16xf32>
      %parallel_loop3A_619 = vector.shape_cast %parallel_loop3A_614 : vector<16xf32> to vector<1x16xf32>
      tpu.vector_store %arg8[%parallel_loop3A_615, %parallel_loop3A_616], %parallel_loop3A_619 {strides = array<i32>} : memref<16x1024xf32, #tpu.memory_space<vmem>>, vector<1x16xf32>,
    } {sc.loop_unroll_factor = 16 : i64, sc.parallel_access}
    %add3A_483 = arith.constant 48 : i32
    %add3A_484 = arith.addi %mul3A_2, %add3A_483 : i32
    %dma_start3A_485 = arith.constant 0 : i32
    %dma_start3A_486 = arith.constant 0 : i32
    %dma_start3A_487 = tpu.memref_slice %arg4[%dma_start3A_485, %add3A_484, %dma_start3A_486] : memref<4x2048x1024xf32, #tpu.memory_space<hbm>> -> memref<1x16x1024xf32, #tpu.memory_space<hbm>>
    %dma_start3A_488 = tpu.memref_squeeze %dma_start3A_487 : memref<1x16x1024xf32, #tpu.memory_space<hbm>> -> memref<16x1024xf32, #tpu.memory_space<hbm>>
    %dma_start3A_489 = arith.constant 0 : i32
    %dma_start3A_490 = tpu.memref_slice %arg4[%dma_start3A_485, %add3A_484, %dma_start3A_489] : memref<4x2048x1024xf32, #tpu.memory_space<hbm>> -> memref<1x16x1024xf32, #tpu.memory_space<hbm>>
    %dma_start3A_491 = tpu.memref_squeeze %dma_start3A_490 : memref<1x16x1024xf32, #tpu.memory_space<hbm>> -> memref<16x1024xf32, #tpu.memory_space<hbm>>
    tpu.enqueue_dma source(%arg8 : memref<16x1024xf32, #tpu.memory_space<vmem>>) target(%dma_start3A_491 : memref<16x1024xf32, #tpu.memory_space<hbm>>) target_semaphore(%arg16 : memref<!tpu.dma_semaphore, #tpu.memory_space<semaphore_mem>>)
    %add3A_492 = arith.constant 48 : i32
    %add3A_493 = arith.addi %mul3A_2, %add3A_492 : i32
    %dma_start3A_494 = arith.constant 3 : i32
    %dma_start3A_495 = arith.constant 0 : i32
    %dma_start3A_496 = tpu.memref_slice %arg2[%dma_start3A_494, %add3A_493, %dma_start3A_495] : memref<4x2048x1024xf32, #tpu.memory_space<hbm>> -> memref<1x16x1024xf32, #tpu.memory_space<hbm>>
    %dma_start3A_497 = tpu.memref_squeeze %dma_start3A_496 : memref<1x16x1024xf32, #tpu.memory_space<hbm>> -> memref<16x1024xf32, #tpu.memory_space<hbm>>
    %dma_start3A_498 = arith.constant 0 : i32
    %dma_start3A_499 = tpu.memref_slice %arg2[%dma_start3A_494, %add3A_493, %dma_start3A_498] : memref<4x2048x1024xf32, #tpu.memory_space<hbm>> -> memref<1x16x1024xf32, #tpu.memory_space<hbm>>
    %dma_start3A_500 = tpu.memref_squeeze %dma_start3A_499 : memref<1x16x1024xf32, #tpu.memory_space<hbm>> -> memref<16x1024xf32, #tpu.memory_space<hbm>>
    tpu.enqueue_dma source(%dma_start3A_500 : memref<16x1024xf32, #tpu.memory_space<hbm>>) target(%arg5 : memref<16x1024xf32, #tpu.memory_space<vmem>>) target_semaphore(%arg13 : memref<!tpu.dma_semaphore, #tpu.memory_space<semaphore_mem>>)
    %dma_wait3A_501 = arith.constant 1 : i32
    %dma_wait3A_502 = arith.constant 0 : i32
    %dma_wait3A_503 = tpu.memref_slice %arg2[%dma_wait3A_501, %add3A_419, %dma_wait3A_502] : memref<4x2048x1024xf32, #tpu.memory_space<hbm>> -> memref<1x16x1024xf32, #tpu.memory_space<hbm>>
    %dma_wait3A_504 = tpu.memref_squeeze %dma_wait3A_503 : memref<1x16x1024xf32, #tpu.memory_space<hbm>> -> memref<16x1024xf32, #tpu.memory_space<hbm>>
    %dma_wait3A_505 = arith.constant 0 : i32
    %dma_wait3A_506 = tpu.memref_slice %arg2[%dma_wait3A_501, %add3A_419, %dma_wait3A_505] : memref<4x2048x1024xf32, #tpu.memory_space<hbm>> -> memref<1x16x1024xf32, #tpu.memory_space<hbm>>
    %dma_wait3A_507 = tpu.memref_squeeze %dma_wait3A_506 : memref<1x16x1024xf32, #tpu.memory_space<hbm>> -> memref<16x1024xf32, #tpu.memory_space<hbm>>
    tpu.wait_dma2 semaphore(%arg14 : memref<!tpu.dma_semaphore, #tpu.memory_space<semaphore_mem>>) src(%dma_wait3A_507 : memref<16x1024xf32, #tpu.memory_space<hbm>>) dst(%arg6 : memref<16x1024xf32, #tpu.memory_space<vmem>>)
    %dma_wait3A_508 = arith.constant 2 : i32
    %dma_wait3A_509 = arith.constant 0 : i32
    %dma_wait3A_510 = tpu.memref_slice %arg4[%dma_wait3A_508, %add3A_410, %dma_wait3A_509] : memref<4x2048x1024xf32, #tpu.memory_space<hbm>> -> memref<1x16x1024xf32, #tpu.memory_space<hbm>>
    %dma_wait3A_511 = tpu.memref_squeeze %dma_wait3A_510 : memref<1x16x1024xf32, #tpu.memory_space<hbm>> -> memref<16x1024xf32, #tpu.memory_space<hbm>>
    %dma_wait3A_512 = arith.constant 0 : i32
    %dma_wait3A_513 = tpu.memref_slice %arg4[%dma_wait3A_508, %add3A_410, %dma_wait3A_512] : memref<4x2048x1024xf32, #tpu.memory_space<hbm>> -> memref<1x16x1024xf32, #tpu.memory_space<hbm>>
    %dma_wait3A_514 = tpu.memref_squeeze %dma_wait3A_513 : memref<1x16x1024xf32, #tpu.memory_space<hbm>> -> memref<16x1024xf32, #tpu.memory_space<hbm>>
    tpu.wait_dma2 semaphore(%arg17 : memref<!tpu.dma_semaphore, #tpu.memory_space<semaphore_mem>>) src(%arg9 : memref<16x1024xf32, #tpu.memory_space<vmem>>) dst(%dma_wait3A_514 : memref<16x1024xf32, #tpu.memory_space<hbm>>)
    %parallel_loop3A_515 = arith.constant 0 : i32
    %parallel_loop3A_516 = arith.constant 16384 : i32
    %parallel_loop3A_517 = arith.constant 16 : i32
    scf.for %parallel_loop3A_600 = %parallel_loop3A_515 to %parallel_loop3A_516 step %parallel_loop3A_517  : i32 {
      %parallel_loop3A_601 = arith.constant 10 : i32
      %parallel_loop3A_602 = arith.shrui %parallel_loop3A_600, %parallel_loop3A_601 : i32
      %parallel_loop3A_603 = arith.constant 1023 : i32
      %parallel_loop3A_604 = arith.andi %parallel_loop3A_600, %parallel_loop3A_603 : i32
      %parallel_loop3A_605 = tpu.assume_multiple %parallel_loop3A_604, 16 : i32
      %parallel_loop3A_606 = arith.index_cast %parallel_loop3A_602 : i32 to index
      %parallel_loop3A_607 = arith.index_cast %parallel_loop3A_605 : i32 to index
      %parallel_loop3A_608 = tpu.vector_load %arg6[%parallel_loop3A_606, %parallel_loop3A_607] {strides = array<i32>} : memref<16x1024xf32, #tpu.memory_space<vmem>>, vector<1x16xf32>,
      %parallel_loop3A_609 = vector.shape_cast %parallel_loop3A_608 : vector<1x16xf32> to vector<16xf32>
      %parallel_loop3A_610 = arith.index_cast %parallel_loop3A_602 : i32 to index
      %parallel_loop3A_611 = arith.index_cast %parallel_loop3A_605 : i32 to index
      %parallel_loop3A_612 = tpu.vector_load %arg12[%parallel_loop3A_610, %parallel_loop3A_611] {strides = array<i32>} : memref<16x1024xf32, #tpu.memory_space<vmem>>, vector<1x16xf32>,
      %parallel_loop3A_613 = vector.shape_cast %parallel_loop3A_612 : vector<1x16xf32> to vector<16xf32>
      %parallel_loop3A_614 = arith.addf %parallel_loop3A_609, %parallel_loop3A_613 : vector<16xf32>
      %parallel_loop3A_615 = arith.index_cast %parallel_loop3A_602 : i32 to index
      %parallel_loop3A_616 = arith.index_cast %parallel_loop3A_605 : i32 to index
      %parallel_loop3A_617 = tpu.vector_load %arg9[%parallel_loop3A_615, %parallel_loop3A_616] {strides = array<i32>} : memref<16x1024xf32, #tpu.memory_space<vmem>>, vector<1x16xf32>,
      %parallel_loop3A_618 = vector.shape_cast %parallel_loop3A_617 : vector<1x16xf32> to vector<16xf32>
      %parallel_loop3A_619 = vector.shape_cast %parallel_loop3A_614 : vector<16xf32> to vector<1x16xf32>
      tpu.vector_store %arg9[%parallel_loop3A_615, %parallel_loop3A_616], %parallel_loop3A_619 {strides = array<i32>} : memref<16x1024xf32, #tpu.memory_space<vmem>>, vector<1x16xf32>,
    } {sc.loop_unroll_factor = 16 : i64, sc.parallel_access}
    %add3A_518 = arith.constant 48 : i32
    %add3A_519 = arith.addi %mul3A_2, %add3A_518 : i32
    %dma_start3A_520 = arith.constant 1 : i32
    %dma_start3A_521 = arith.constant 0 : i32
    %dma_start3A_522 = tpu.memref_slice %arg4[%dma_start3A_520, %add3A_519, %dma_start3A_521] : memref<4x2048x1024xf32, #tpu.memory_space<hbm>> -> memref<1x16x1024xf32, #tpu.memory_space<hbm>>
    %dma_start3A_523 = tpu.memref_squeeze %dma_start3A_522 : memref<1x16x1024xf32, #tpu.memory_space<hbm>> -> memref<16x1024xf32, #tpu.memory_space<hbm>>
    %dma_start3A_524 = arith.constant 0 : i32
    %dma_start3A_525 = tpu.memref_slice %arg4[%dma_start3A_520, %add3A_519, %dma_start3A_524] : memref<4x2048x1024xf32, #tpu.memory_space<hbm>> -> memref<1x16x1024xf32, #tpu.memory_space<hbm>>
    %dma_start3A_526 = tpu.memref_squeeze %dma_start3A_525 : memref<1x16x1024xf32, #tpu.memory_space<hbm>> -> memref<16x1024xf32, #tpu.memory_space<hbm>>
    tpu.enqueue_dma source(%arg9 : memref<16x1024xf32, #tpu.memory_space<vmem>>) target(%dma_start3A_526 : memref<16x1024xf32, #tpu.memory_space<hbm>>) target_semaphore(%arg17 : memref<!tpu.dma_semaphore, #tpu.memory_space<semaphore_mem>>)
    %dma_wait3A_527 = arith.constant 2 : i32
    %dma_wait3A_528 = arith.constant 0 : i32
    %dma_wait3A_529 = tpu.memref_slice %arg2[%dma_wait3A_527, %add3A_454, %dma_wait3A_528] : memref<4x2048x1024xf32, #tpu.memory_space<hbm>> -> memref<1x16x1024xf32, #tpu.memory_space<hbm>>
    %dma_wait3A_530 = tpu.memref_squeeze %dma_wait3A_529 : memref<1x16x1024xf32, #tpu.memory_space<hbm>> -> memref<16x1024xf32, #tpu.memory_space<hbm>>
    %dma_wait3A_531 = arith.constant 0 : i32
    %dma_wait3A_532 = tpu.memref_slice %arg2[%dma_wait3A_527, %add3A_454, %dma_wait3A_531] : memref<4x2048x1024xf32, #tpu.memory_space<hbm>> -> memref<1x16x1024xf32, #tpu.memory_space<hbm>>
    %dma_wait3A_533 = tpu.memref_squeeze %dma_wait3A_532 : memref<1x16x1024xf32, #tpu.memory_space<hbm>> -> memref<16x1024xf32, #tpu.memory_space<hbm>>
    tpu.wait_dma2 semaphore(%arg15 : memref<!tpu.dma_semaphore, #tpu.memory_space<semaphore_mem>>) src(%dma_wait3A_533 : memref<16x1024xf32, #tpu.memory_space<hbm>>) dst(%arg7 : memref<16x1024xf32, #tpu.memory_space<vmem>>)
    %dma_wait3A_534 = arith.constant 3 : i32
    %dma_wait3A_535 = arith.constant 0 : i32
    %dma_wait3A_536 = tpu.memref_slice %arg4[%dma_wait3A_534, %add3A_445, %dma_wait3A_535] : memref<4x2048x1024xf32, #tpu.memory_space<hbm>> -> memref<1x16x1024xf32, #tpu.memory_space<hbm>>
    %dma_wait3A_537 = tpu.memref_squeeze %dma_wait3A_536 : memref<1x16x1024xf32, #tpu.memory_space<hbm>> -> memref<16x1024xf32, #tpu.memory_space<hbm>>
    %dma_wait3A_538 = arith.constant 0 : i32
    %dma_wait3A_539 = tpu.memref_slice %arg4[%dma_wait3A_534, %add3A_445, %dma_wait3A_538] : memref<4x2048x1024xf32, #tpu.memory_space<hbm>> -> memref<1x16x1024xf32, #tpu.memory_space<hbm>>
    %dma_wait3A_540 = tpu.memref_squeeze %dma_wait3A_539 : memref<1x16x1024xf32, #tpu.memory_space<hbm>> -> memref<16x1024xf32, #tpu.memory_space<hbm>>
    tpu.wait_dma2 semaphore(%arg18 : memref<!tpu.dma_semaphore, #tpu.memory_space<semaphore_mem>>) src(%arg10 : memref<16x1024xf32, #tpu.memory_space<vmem>>) dst(%dma_wait3A_540 : memref<16x1024xf32, #tpu.memory_space<hbm>>)
    %parallel_loop3A_541 = arith.constant 0 : i32
    %parallel_loop3A_542 = arith.constant 16384 : i32
    %parallel_loop3A_543 = arith.constant 16 : i32
    scf.for %parallel_loop3A_600 = %parallel_loop3A_541 to %parallel_loop3A_542 step %parallel_loop3A_543  : i32 {
      %parallel_loop3A_601 = arith.constant 10 : i32
      %parallel_loop3A_602 = arith.shrui %parallel_loop3A_600, %parallel_loop3A_601 : i32
      %parallel_loop3A_603 = arith.constant 1023 : i32
      %parallel_loop3A_604 = arith.andi %parallel_loop3A_600, %parallel_loop3A_603 : i32
      %parallel_loop3A_605 = tpu.assume_multiple %parallel_loop3A_604, 16 : i32
      %parallel_loop3A_606 = arith.index_cast %parallel_loop3A_602 : i32 to index
      %parallel_loop3A_607 = arith.index_cast %parallel_loop3A_605 : i32 to index
      %parallel_loop3A_608 = tpu.vector_load %arg7[%parallel_loop3A_606, %parallel_loop3A_607] {strides = array<i32>} : memref<16x1024xf32, #tpu.memory_space<vmem>>, vector<1x16xf32>,
      %parallel_loop3A_609 = vector.shape_cast %parallel_loop3A_608 : vector<1x16xf32> to vector<16xf32>
      %parallel_loop3A_610 = arith.index_cast %parallel_loop3A_602 : i32 to index
      %parallel_loop3A_611 = arith.index_cast %parallel_loop3A_605 : i32 to index
      %parallel_loop3A_612 = tpu.vector_load %arg12[%parallel_loop3A_610, %parallel_loop3A_611] {strides = array<i32>} : memref<16x1024xf32, #tpu.memory_space<vmem>>, vector<1x16xf32>,
      %parallel_loop3A_613 = vector.shape_cast %parallel_loop3A_612 : vector<1x16xf32> to vector<16xf32>
      %parallel_loop3A_614 = arith.addf %parallel_loop3A_609, %parallel_loop3A_613 : vector<16xf32>
      %parallel_loop3A_615 = arith.index_cast %parallel_loop3A_602 : i32 to index
      %parallel_loop3A_616 = arith.index_cast %parallel_loop3A_605 : i32 to index
      %parallel_loop3A_617 = tpu.vector_load %arg10[%parallel_loop3A_615, %parallel_loop3A_616] {strides = array<i32>} : memref<16x1024xf32, #tpu.memory_space<vmem>>, vector<1x16xf32>,
      %parallel_loop3A_618 = vector.shape_cast %parallel_loop3A_617 : vector<1x16xf32> to vector<16xf32>
      %parallel_loop3A_619 = vector.shape_cast %parallel_loop3A_614 : vector<16xf32> to vector<1x16xf32>
      tpu.vector_store %arg10[%parallel_loop3A_615, %parallel_loop3A_616], %parallel_loop3A_619 {strides = array<i32>} : memref<16x1024xf32, #tpu.memory_space<vmem>>, vector<1x16xf32>,
    } {sc.loop_unroll_factor = 16 : i64, sc.parallel_access}
    %add3A_544 = arith.constant 48 : i32
    %add3A_545 = arith.addi %mul3A_2, %add3A_544 : i32
    %dma_start3A_546 = arith.constant 2 : i32
    %dma_start3A_547 = arith.constant 0 : i32
    %dma_start3A_548 = tpu.memref_slice %arg4[%dma_start3A_546, %add3A_545, %dma_start3A_547] : memref<4x2048x1024xf32, #tpu.memory_space<hbm>> -> memref<1x16x1024xf32, #tpu.memory_space<hbm>>
    %dma_start3A_549 = tpu.memref_squeeze %dma_start3A_548 : memref<1x16x1024xf32, #tpu.memory_space<hbm>> -> memref<16x1024xf32, #tpu.memory_space<hbm>>
    %dma_start3A_550 = arith.constant 0 : i32
    %dma_start3A_551 = tpu.memref_slice %arg4[%dma_start3A_546, %add3A_545, %dma_start3A_550] : memref<4x2048x1024xf32, #tpu.memory_space<hbm>> -> memref<1x16x1024xf32, #tpu.memory_space<hbm>>
    %dma_start3A_552 = tpu.memref_squeeze %dma_start3A_551 : memref<1x16x1024xf32, #tpu.memory_space<hbm>> -> memref<16x1024xf32, #tpu.memory_space<hbm>>
    tpu.enqueue_dma source(%arg10 : memref<16x1024xf32, #tpu.memory_space<vmem>>) target(%dma_start3A_552 : memref<16x1024xf32, #tpu.memory_space<hbm>>) target_semaphore(%arg18 : memref<!tpu.dma_semaphore, #tpu.memory_space<semaphore_mem>>)
    %dma_wait3A_553 = arith.constant 3 : i32
    %dma_wait3A_554 = arith.constant 0 : i32
    %dma_wait3A_555 = tpu.memref_slice %arg2[%dma_wait3A_553, %add3A_493, %dma_wait3A_554] : memref<4x2048x1024xf32, #tpu.memory_space<hbm>> -> memref<1x16x1024xf32, #tpu.memory_space<hbm>>
    %dma_wait3A_556 = tpu.memref_squeeze %dma_wait3A_555 : memref<1x16x1024xf32, #tpu.memory_space<hbm>> -> memref<16x1024xf32, #tpu.memory_space<hbm>>
    %dma_wait3A_557 = arith.constant 0 : i32
    %dma_wait3A_558 = tpu.memref_slice %arg2[%dma_wait3A_553, %add3A_493, %dma_wait3A_557] : memref<4x2048x1024xf32, #tpu.memory_space<hbm>> -> memref<1x16x1024xf32, #tpu.memory_space<hbm>>
    %dma_wait3A_559 = tpu.memref_squeeze %dma_wait3A_558 : memref<1x16x1024xf32, #tpu.memory_space<hbm>> -> memref<16x1024xf32, #tpu.memory_space<hbm>>
    tpu.wait_dma2 semaphore(%arg13 : memref<!tpu.dma_semaphore, #tpu.memory_space<semaphore_mem>>) src(%dma_wait3A_559 : memref<16x1024xf32, #tpu.memory_space<hbm>>) dst(%arg5 : memref<16x1024xf32, #tpu.memory_space<vmem>>)
    %dma_wait3A_560 = arith.constant 0 : i32
    %dma_wait3A_561 = arith.constant 0 : i32
    %dma_wait3A_562 = tpu.memref_slice %arg4[%dma_wait3A_560, %add3A_484, %dma_wait3A_561] : memref<4x2048x1024xf32, #tpu.memory_space<hbm>> -> memref<1x16x1024xf32, #tpu.memory_space<hbm>>
    %dma_wait3A_563 = tpu.memref_squeeze %dma_wait3A_562 : memref<1x16x1024xf32, #tpu.memory_space<hbm>> -> memref<16x1024xf32, #tpu.memory_space<hbm>>
    %dma_wait3A_564 = arith.constant 0 : i32
    %dma_wait3A_565 = tpu.memref_slice %arg4[%dma_wait3A_560, %add3A_484, %dma_wait3A_564] : memref<4x2048x1024xf32, #tpu.memory_space<hbm>> -> memref<1x16x1024xf32, #tpu.memory_space<hbm>>
    %dma_wait3A_566 = tpu.memref_squeeze %dma_wait3A_565 : memref<1x16x1024xf32, #tpu.memory_space<hbm>> -> memref<16x1024xf32, #tpu.memory_space<hbm>>
    tpu.wait_dma2 semaphore(%arg16 : memref<!tpu.dma_semaphore, #tpu.memory_space<semaphore_mem>>) src(%arg8 : memref<16x1024xf32, #tpu.memory_space<vmem>>) dst(%dma_wait3A_566 : memref<16x1024xf32, #tpu.memory_space<hbm>>)
    %parallel_loop3A_567 = arith.constant 0 : i32
    %parallel_loop3A_568 = arith.constant 16384 : i32
    %parallel_loop3A_569 = arith.constant 16 : i32
    scf.for %parallel_loop3A_600 = %parallel_loop3A_567 to %parallel_loop3A_568 step %parallel_loop3A_569  : i32 {
      %parallel_loop3A_601 = arith.constant 10 : i32
      %parallel_loop3A_602 = arith.shrui %parallel_loop3A_600, %parallel_loop3A_601 : i32
      %parallel_loop3A_603 = arith.constant 1023 : i32
      %parallel_loop3A_604 = arith.andi %parallel_loop3A_600, %parallel_loop3A_603 : i32
      %parallel_loop3A_605 = tpu.assume_multiple %parallel_loop3A_604, 16 : i32
      %parallel_loop3A_606 = arith.index_cast %parallel_loop3A_602 : i32 to index
      %parallel_loop3A_607 = arith.index_cast %parallel_loop3A_605 : i32 to index
      %parallel_loop3A_608 = tpu.vector_load %arg5[%parallel_loop3A_606, %parallel_loop3A_607] {strides = array<i32>} : memref<16x1024xf32, #tpu.memory_space<vmem>>, vector<1x16xf32>,
      %parallel_loop3A_609 = vector.shape_cast %parallel_loop3A_608 : vector<1x16xf32> to vector<16xf32>
      %parallel_loop3A_610 = arith.index_cast %parallel_loop3A_602 : i32 to index
      %parallel_loop3A_611 = arith.index_cast %parallel_loop3A_605 : i32 to index
      %parallel_loop3A_612 = tpu.vector_load %arg12[%parallel_loop3A_610, %parallel_loop3A_611] {strides = array<i32>} : memref<16x1024xf32, #tpu.memory_space<vmem>>, vector<1x16xf32>,
      %parallel_loop3A_613 = vector.shape_cast %parallel_loop3A_612 : vector<1x16xf32> to vector<16xf32>
      %parallel_loop3A_614 = arith.addf %parallel_loop3A_609, %parallel_loop3A_613 : vector<16xf32>
      %parallel_loop3A_615 = arith.index_cast %parallel_loop3A_602 : i32 to index
      %parallel_loop3A_616 = arith.index_cast %parallel_loop3A_605 : i32 to index
      %parallel_loop3A_617 = tpu.vector_load %arg8[%parallel_loop3A_615, %parallel_loop3A_616] {strides = array<i32>} : memref<16x1024xf32, #tpu.memory_space<vmem>>, vector<1x16xf32>,
      %parallel_loop3A_618 = vector.shape_cast %parallel_loop3A_617 : vector<1x16xf32> to vector<16xf32>
      %parallel_loop3A_619 = vector.shape_cast %parallel_loop3A_614 : vector<16xf32> to vector<1x16xf32>
      tpu.vector_store %arg8[%parallel_loop3A_615, %parallel_loop3A_616], %parallel_loop3A_619 {strides = array<i32>} : memref<16x1024xf32, #tpu.memory_space<vmem>>, vector<1x16xf32>,
    } {sc.loop_unroll_factor = 16 : i64, sc.parallel_access}
    %add3A_570 = arith.constant 48 : i32
    %add3A_571 = arith.addi %mul3A_2, %add3A_570 : i32
    %dma_start3A_572 = arith.constant 3 : i32
    %dma_start3A_573 = arith.constant 0 : i32
    %dma_start3A_574 = tpu.memref_slice %arg4[%dma_start3A_572, %add3A_571, %dma_start3A_573] : memref<4x2048x1024xf32, #tpu.memory_space<hbm>> -> memref<1x16x1024xf32, #tpu.memory_space<hbm>>
    %dma_start3A_575 = tpu.memref_squeeze %dma_start3A_574 : memref<1x16x1024xf32, #tpu.memory_space<hbm>> -> memref<16x1024xf32, #tpu.memory_space<hbm>>
    %dma_start3A_576 = arith.constant 0 : i32
    %dma_start3A_577 = tpu.memref_slice %arg4[%dma_start3A_572, %add3A_571, %dma_start3A_576] : memref<4x2048x1024xf32, #tpu.memory_space<hbm>> -> memref<1x16x1024xf32, #tpu.memory_space<hbm>>
    %dma_start3A_578 = tpu.memref_squeeze %dma_start3A_577 : memref<1x16x1024xf32, #tpu.memory_space<hbm>> -> memref<16x1024xf32, #tpu.memory_space<hbm>>
    tpu.enqueue_dma source(%arg8 : memref<16x1024xf32, #tpu.memory_space<vmem>>) target(%dma_start3A_578 : memref<16x1024xf32, #tpu.memory_space<hbm>>) target_semaphore(%arg16 : memref<!tpu.dma_semaphore, #tpu.memory_space<semaphore_mem>>)
    %dma_wait3A_579 = arith.constant 3 : i32
    %dma_wait3A_580 = arith.constant 0 : i32
    %dma_wait3A_581 = tpu.memref_slice %arg4[%dma_wait3A_579, %add3A_571, %dma_wait3A_580] : memref<4x2048x1024xf32, #tpu.memory_space<hbm>> -> memref<1x16x1024xf32, #tpu.memory_space<hbm>>
    %dma_wait3A_582 = tpu.memref_squeeze %dma_wait3A_581 : memref<1x16x1024xf32, #tpu.memory_space<hbm>> -> memref<16x1024xf32, #tpu.memory_space<hbm>>
    %dma_wait3A_583 = arith.constant 0 : i32
    %dma_wait3A_584 = tpu.memref_slice %arg4[%dma_wait3A_579, %add3A_571, %dma_wait3A_583] : memref<4x2048x1024xf32, #tpu.memory_space<hbm>> -> memref<1x16x1024xf32, #tpu.memory_space<hbm>>
    %dma_wait3A_585 = tpu.memref_squeeze %dma_wait3A_584 : memref<1x16x1024xf32, #tpu.memory_space<hbm>> -> memref<16x1024xf32, #tpu.memory_space<hbm>>
    tpu.wait_dma2 semaphore(%arg16 : memref<!tpu.dma_semaphore, #tpu.memory_space<semaphore_mem>>) src(%arg8 : memref<16x1024xf32, #tpu.memory_space<vmem>>) dst(%dma_wait3A_585 : memref<16x1024xf32, #tpu.memory_space<hbm>>)
    %dma_wait3A_586 = arith.constant 1 : i32
    %dma_wait3A_587 = arith.constant 0 : i32
    %dma_wait3A_588 = tpu.memref_slice %arg4[%dma_wait3A_586, %add3A_519, %dma_wait3A_587] : memref<4x2048x1024xf32, #tpu.memory_space<hbm>> -> memref<1x16x1024xf32, #tpu.memory_space<hbm>>
    %dma_wait3A_589 = tpu.memref_squeeze %dma_wait3A_588 : memref<1x16x1024xf32, #tpu.memory_space<hbm>> -> memref<16x1024xf32, #tpu.memory_space<hbm>>
    %dma_wait3A_590 = arith.constant 0 : i32
    %dma_wait3A_591 = tpu.memref_slice %arg4[%dma_wait3A_586, %add3A_519, %dma_wait3A_590] : memref<4x2048x1024xf32, #tpu.memory_space<hbm>> -> memref<1x16x1024xf32, #tpu.memory_space<hbm>>
    %dma_wait3A_592 = tpu.memref_squeeze %dma_wait3A_591 : memref<1x16x1024xf32, #tpu.memory_space<hbm>> -> memref<16x1024xf32, #tpu.memory_space<hbm>>
    tpu.wait_dma2 semaphore(%arg17 : memref<!tpu.dma_semaphore, #tpu.memory_space<semaphore_mem>>) src(%arg9 : memref<16x1024xf32, #tpu.memory_space<vmem>>) dst(%dma_wait3A_592 : memref<16x1024xf32, #tpu.memory_space<hbm>>)
    %dma_wait3A_593 = arith.constant 2 : i32
    %dma_wait3A_594 = arith.constant 0 : i32
    %dma_wait3A_595 = tpu.memref_slice %arg4[%dma_wait3A_593, %add3A_545, %dma_wait3A_594] : memref<4x2048x1024xf32, #tpu.memory_space<hbm>> -> memref<1x16x1024xf32, #tpu.memory_space<hbm>>
    %dma_wait3A_596 = tpu.memref_squeeze %dma_wait3A_595 : memref<1x16x1024xf32, #tpu.memory_space<hbm>> -> memref<16x1024xf32, #tpu.memory_space<hbm>>
    %dma_wait3A_597 = arith.constant 0 : i32
    %dma_wait3A_598 = tpu.memref_slice %arg4[%dma_wait3A_593, %add3A_545, %dma_wait3A_597] : memref<4x2048x1024xf32, #tpu.memory_space<hbm>> -> memref<1x16x1024xf32, #tpu.memory_space<hbm>>
    %dma_wait3A_599 = tpu.memref_squeeze %dma_wait3A_598 : memref<1x16x1024xf32, #tpu.memory_space<hbm>> -> memref<16x1024xf32, #tpu.memory_space<hbm>>
    tpu.wait_dma2 semaphore(%arg18 : memref<!tpu.dma_semaphore, #tpu.memory_space<semaphore_mem>>) src(%arg10 : memref<16x1024xf32, #tpu.memory_space<vmem>>) dst(%dma_wait3A_599 : memref<16x1024xf32, #tpu.memory_space<hbm>>)
    return
  }
}

</mosaic_0001>

<sc_bundles>
// kernel: kernel.3.cloned.1.call-start
scs
__scs_entry_jumppad:
0x0: {  	(pc) =	sbr.rel $0x88, $3  }
0x1: {  	(tag) =	ssettag $0x0;
	lr =	simm.s32 $0x1  }
0x2: {  	[smem:$0x3F9F] =	sst lr;
	_ =	strace $0xD0000000  }
0x3: {  	_ = 	snop  }
0x4: {  	_ = 	snop  }
0x5: {  	_ = 	snop  }
0x6: {  	_ = 	snop  }
0x7: {  	_ = 	snop  }
__scs_overlays_trampoline_lowered:
0x8: {  	[smem:$0x3FAE] =	sst s0  }
0x9: {  	[smem:$0x3FAF] =	sst s1  }
0xa: {  	[smem:$0x3FB0] =	sst s2  }
0xb: {  	[smem:$0x3FB1] =	sst s3  }
0xc: {  	[smem:$0x3FB2] =	sst s4  }
0xd: {  	[smem:$0x3FB3] =	sst s5  }
0xe: {  	[smem:$0x3FB4] =	sst s6  }
0xf: {  	[smem:$0x3FB5] =	sst s7  }
0x10: {  	[smem:$0x3FB6] =	sst s8  }
0x11: {  	[smem:$0x3FB7] =	sst s9;
	s0 =	simm.s32 @!p0 $0x0  }
0x12: {  	s1 =	sld [smem:$0x3F9D];
	s0 =	simm.s32 @p0 $0x1  }
0x13: {  	[smem:$0x3FB8] =	sst s0;
	s0 =	simm.s32 @!p1 $0x0  }
0x14: {  	s2 =	sld [smem:$0x3F9C];
	s0 =	simm.s32 @p1 $0x1  }
0x15: {  	[smem:$0x3FB9] =	sst s0;
	s0 =	simm.s32 @!p2 $0x0  }
0x16: {  	s3 =	sld [smem:$0x3FDB];
	s0 =	simm.s32 @p2 $0x1  }
0x17: {  	s4 =	simm.s32 $0x1BF5;
	[smem:$0x3FBB] =	sst s0  }
0x18: {  	s0 =	sld [smem:$0x3F9E];
	_ =	swait.ge [sflag:s4], $0x0  }
0x19: {  	s7 =	sld [smem:$0x3F9F]  }
0x1a: {  	s8 =	sadd.s32 $0xFFFFE003, lr  }
0x1b: {  	s9 =	sadd.s32 $0xFFFFFEF7, lr;
	s5 =	simm.s32 $0xFFFFFFFF;
	p2 =	slt.u32 s8, $0xFFFFF086  }
0x1c: {  	p1 =	slt.u32 s9, $0xF7A;
	s5 =	simm.s32 @!p2 $0x0  }
0x1d: {  	s5 =	simm.s32 @p1 $0x1;
	p0 =	seq.s32 s7, s2  }
0x1e: {  	s7 =	smul.u32 @!p0 $0xF7A, s2;
	p2 =	seq.s32 @!p0 s5, $0x0  }
0x1f: {  	s9 =	smul.u32 $0xF7A, s1;
	s8 =	simm.s32 @!p0 $0x1BF5;
	p2 =	por !p2, p0  }
0x20: {  	[sflag:s8] =	ssyncset.s32 @!p0 $0xFFFFF086;
	s6 =	sadd.s32 @!p0 s3, s7;
	s7 =	simm.s32 @!p0 $0x108  }
0x21: {  	s3 =	sadd.s32 s3, s9;
	s6 =	sadd.s32 @!p0 $0x88, s6;
	s7 =	simm.s32 @p2 $0x1082  }
0x22: {  	[simem:s7], [sflag:s8] =	dma.local @!p0 [hbm:s6], $0xF7A  }
0x23: {  	s9 =	sor.u32 $0xD0000000, s2;
	s6 =	simm.s32 $0x108;
	_ =	swait.ge @!p0 [sflag:s8], $0x0  }
0x24: {  	s3 =	sadd.s32 $0x88, s3;
	s6 =	simm.s32 @!p1 $0x1082;
	[sflag:s4] =	ssyncset.s32 $0xFFFFF086  }
0x25: {  	[simem:s6], [sflag:s4] =	dma.local [hbm:s3], $0xF7A  }
0x26: {  	[smem:$0x3F9F] =	sst s1;
	(tag) =	ssettag s2;
	_ =	strace s9  }
0x27: {  	s1 =	sld [smem:$0x3FAF]  }
0x28: {  	s2 =	sld [smem:$0x3FB0]  }
0x29: {  	s4 =	sld [smem:$0x3FB2]  }
0x2a: {  	p0 =	seq.s32 s5, $0x0;
	s5 =	sld [smem:$0x3FB3]  }
0x2b: {  	s6 =	sld [smem:$0x3FB4]  }
0x2c: {  	s7 =	sld [smem:$0x3FB5]  }
0x2d: {  	s3 =	simm.s32 $0x108;
	s8 =	sld [smem:$0x3FB6]  }
0x2e: {  	s3 =	simm.s32 @!p0 $0x1082;
	s9 =	sld [smem:$0x3FB7]  }
0x2f: {  	lr =	sadd.s32 s0, s3;
	s0 =	sld [smem:$0x3FAE]  }
0x30: {  	s3 =	sld [smem:$0x3FB1]  }
0x31: {  	[smem:$0x3FBA] =	sst s10  }
0x32: {  	s10 =	sld [smem:$0x3FB8];
	_ =	sdelay $0x3  }
0x33: {  	p0 =	seq.s32 s10, $0x1;
	s10 =	sld [smem:$0x3FBA];
	_ =	sdelay $0x3  }
0x34: {  	[smem:$0x3FBA] =	sst s10  }
0x35: {  	s10 =	sld [smem:$0x3FB9];
	_ =	sdelay $0x3  }
0x36: {  	p1 =	seq.s32 s10, $0x1;
	s10 =	sld [smem:$0x3FBA];
	_ =	sdelay $0x3  }
0x37: {  	[smem:$0x3FBA] =	sst s10  }
0x38: {  	s10 =	sld [smem:$0x3FBB]  }
0x39: {  	_ = 	snop;
	(pc) =	sbr.ind lr, $3  }
0x3a: {  	_ = 	snop  }
0x3b: {  	_ = 	snop  }
0x3c: {  	p2 =	seq.s32 s10, $0x1;
	s10 =	sld [smem:$0x3FBA]  }
0x3d: {  	_ =	shalt  }
0x3e: {  	_ =	shalt  }
0x3f: {  	_ =	shalt  }
0x40: {  	_ =	shalt  }
0x41: {  	_ =	shalt  }
0x42: {  	_ =	shalt  }
0x43: {  	_ =	shalt  }
0x44: {  	_ =	shalt  }
0x45: {  	_ =	shalt  }
0x46: {  	_ =	shalt  }
0x47: {  	_ =	shalt  }
0x48: {  	_ =	shalt  }
0x49: {  	_ =	shalt  }
0x4a: {  	_ =	shalt  }
0x4b: {  	_ =	shalt  }
0x4c: {  	_ =	shalt  }
0x4d: {  	_ =	shalt  }
0x4e: {  	_ =	shalt  }
0x4f: {  	_ =	shalt  }
0x50: {  	_ =	shalt  }
0x51: {  	_ =	shalt  }
0x52: {  	_ =	shalt  }
0x53: {  	_ =	shalt  }
0x54: {  	_ =	shalt  }
0x55: {  	_ =	shalt  }
0x56: {  	_ =	shalt  }
0x57: {  	_ =	shalt  }
0x58: {  	_ =	shalt  }
0x59: {  	_ =	shalt  }
0x5a: {  	_ =	shalt  }
0x5b: {  	_ =	shalt  }
0x5c: {  	_ =	shalt  }
0x5d: {  	_ =	shalt  }
0x5e: {  	_ =	shalt  }
0x5f: {  	_ =	shalt  }
0x60: {  	_ =	shalt  }
0x61: {  	_ =	shalt  }
0x62: {  	_ =	shalt  }
0x63: {  	_ =	shalt  }
0x64: {  	_ =	shalt  }
0x65: {  	_ =	shalt  }
0x66: {  	_ =	shalt  }
0x67: {  	_ =	shalt  }
0x68: {  	_ =	shalt  }
0x69: {  	_ =	shalt  }
0x6a: {  	_ =	shalt  }
0x6b: {  	_ =	shalt  }
0x6c: {  	_ =	shalt  }
0x6d: {  	_ =	shalt  }
0x6e: {  	_ =	shalt  }
0x6f: {  	_ =	shalt  }
0x70: {  	_ =	shalt  }
0x71: {  	_ =	shalt  }
0x72: {  	_ =	shalt  }
0x73: {  	_ =	shalt  }
0x74: {  	_ =	shalt  }
0x75: {  	_ =	shalt  }
0x76: {  	_ =	shalt  }
0x77: {  	_ =	shalt  }
0x78: {  	_ =	shalt  }
0x79: {  	_ =	shalt  }
0x7a: {  	_ =	shalt  }
0x7b: {  	_ =	shalt  }
0x7c: {  	_ =	shalt  }
0x7d: {  	_ =	shalt  }
0x7e: {  	_ =	shalt  }
0x7f: {  	_ =	shalt  }
0x80: {  	_ =	shalt  }
0x81: {  	_ =	shalt  }
0x82: {  	_ =	shalt  }
0x83: {  	_ =	shalt  }
0x84: {  	_ =	shalt  }
0x85: {  	_ =	shalt  }
0x86: {  	_ =	shalt  }
0x87: {  	_ =	shalt  }
.Lfunc_end0:
.L_simem_size_0:
called_computation_lowered:
.L_overlay_start_0:
0x88: {  	s2 =	sld [smem:$0x3FD9]  }
0x89: {  	s3 =	sld [smem:$0x3FFE];
	_ =	sdelay $0x1  }
0x8a: {  	s1 =	srdreg.scid  }
0x8b: {  	s0 =	sand.u32 $0x1, s1  }
0x8c: {  	s18 =	sshll.u32 s0, $0xA;
	s2 =	sadd.s32 s3, s2  }
0x8d: {  	s2 =	sadd.s32 s2, s18  }
0x8e: {  	[smem:$0x3FC6] =	sst s2  }
0x8f: {  	_ = 	snop  }
0x90: {  	s2 =	sld [smem:$0x3FC9]  }
0x91: {  	s19 =	sld [smem:$0x3FC8]  }
0x92: {  	s4 =	sld [smem:$0x3FD0];
	(tm) =	ssettm $0x1  }
0x93: {  	s5 =	sld [smem:$0x3FFB];
	_ =	sdelay $0x3  }
0x94: {  	_ =	strace s5  }
0x95: {  	s5 =	sld [smem:$0x3FFC];
	_ =	sdelay $0x3  }
0x96: {  	_ =	strace s5  }
0x97: {  	s5 =	sld [smem:$0x3FFD];
	_ =	sdelay $0x3  }
0x98: {  	_ =	strace s5  }
0x99: {  	_ =	strace $0x8FFFFFFF  }
0x9a: {  	s20 =	sld [smem:$0x3FDB];
	_ =	sdelay $0x1  }
0x9b: {  	s6 =	simm.s32 $_scs_section_size  }
0x9c: {  	s7 =	simm.s32 $_size__tile_overlayer_lowered;
	s8 =	simm.s32 $_tile_overlayer_lowered  }
0x9d: {  	s23 =	simm.s32 $0x1BFF;
	s22 =	sshll.u32 s8, $0x1;
	s5 =	sadd.s32 s6, s20  }
0x9e: {  	s9 =	simm.s32 $0x0;
	s21 =	sshll.u32 s7, $0x1;
	s7 =	sadd.s32 s22, s5  }
0x9f: {  	[timem:s9], [sflag:s23] =	dma.local [hbm:s7], s21  }
0xa0: {  	_ =	swait.ge [sflag:s23], s21  }
0xa1: {  	s6 =	ssub.s32 $0x0, s21;
	[sflag:s23] =	ssyncset.done $0x0  }
0xa2: {  	[sflag:s23] =	ssyncadd.s32 s6;
	_ =	sdelay $0x1  }
0xa3: {  	s24 =	simm.s32 $0x1B8B  }
0xa4: {  	_ =	swait.ge [sflag:s24], $0x1  }
0xa5: {  	[sflag:s24] =	ssyncset.done $0x0  }
0xa6: {  	s25 =	simm.s32 $0x1B8E;
	[sflag:s24] =	ssyncadd.s32 $0xFFFFFFFF  }
0xa7: {  	s26 =	simm.s32 $execute0_lowered;
	[smem:$0x3FD2] =	sst s25  }
0xa8: {  	s6 =	sshll.u32 s26, $0x1;
	_ =	strace $0x80000046;
	[dreg:$0x1] =	wrdreg $0xFFFFFFFF  }
0xa9: {  	s28 =	simm.s32 $_size_execute0_lowered;
	s5 =	sadd.s32 s5, s6;
	[dreg:$0x0] =	wrdreg $0x0  }
0xaa: {  	s6 =	sshll.u32 s28, $0x1;
	[dreg:$0x2] =	wrdreg s5  }
0xab: {  	[dreg:$0x3] =	wrdreg s6  }
0xac: {  	[dreg:$0x4] =	wrdreg $0xC0  }
0xad: {  	_ =	task [dreg:s9], $0x5FFFF  }
0xae: {  	[dreg:$0x1] =	wrdreg $0xFFFFFFFF  }
0xaf: {  	[dreg:$0x0] =	wrdreg $0x60  }
0xb0: {  	[dreg:$0x2] =	wrdreg s2  }
0xb1: {  	[dreg:$0x3] =	wrdreg s19  }
0xb2: {  	[dreg:$0x4] =	wrdreg s4  }
0xb3: {  	[dreg:$0x5] =	wrdreg $0x9  }
0xb4: {  	_ =	task.clear_ibuf [dreg:s9], $0x6FFFF;
	_ =	strace $0x90000046  }
0xb5: {  	s29 =	simm.s32 $0x9;
	_ =	strace $0x80000048  }
0xb6: {  	_ =	swait.ge [sflag:s29], $0x1  }
0xb7: {  	[sflag:s29] =	ssyncadd.s32 $0xFFFFFFFF  }
0xb8: {  	_ =	strace $0x90000048  }
0xb9: {  	_ =	sfence  }
0xba: {  	s30 =	sld [smem:$0x0];
	_ =	sdelay $0x2  }
0xbb: {  	s31 =	sshll.u32 s1, $0xD;
	s1 =	sshrl.u32 s1, $0x2  }
0xbc: {  	s3 =	sand.u32 $0x4000, s31;
	s1 =	sadd.s32 s1, s30  }
0xbd: {  	s0 =	sor.u32 s3, s0;
	s1 =	sshll.u32 s1, $0x11  }
0xbe: {  	s0 =	sor.u32 s1, s0  }
0xbf: {  	s0 =	sadd.s32 $0x8F2B, s0  }
0xc0: {  	[sflag:s0] =	ssyncadd.remote.s32 $0x1  }
0xc1: {  	_ =	sfence.sel $0xFFFF  }
0xc2: {  	[dreg:$0x0] =	wrdreg $0xFFFFFFFF;
	(pc) =	sbr.abs _section_cstart, $3  }
0xc3: {  	[dreg:$0x1] =	wrdreg $0xFFFFFFFF  }
0xc4: {  	_ =	task.clear_ibuf [dreg:s9], $0x2FFFF;
	_ =	strace $0x9FFFFFFF  }
0xc5: {  	(tm) =	ssettm $0x7FFFFFFF  }
tec
execute0_lowered:
.L_overlay_start_1:
0x0: {  	(tag) =	ssettag $0x1  }
0x1: {  	s4 =	rddreg [dreg:$0x0]  }
0x2: {  	s0 =	rddreg [dreg:$0x1];
	s1 =	srdreg.scid  }
0x3: {  	s7 =	rddreg [dreg:$0x2];
	s3 =	stileid.u32;
	s1 =	sand.u32 $0x1, s1  }
0x4: {  	s3 =	sshll.u32 s3, $0xE;
	s2 =	ssub.s32 $0x2, s1;
	s5 =	sshll.u32 s1, $0xD  }
0x5: {  	s1 =	simm.s32 $0x0;
	s6 =	sshrl.u32 s2, $0x1;
	s3 =	sor.u32 s5, s3  }
0x6: {  	[smem:$0x7FF] =	sst s1;
	s14 =	sor.u32 $0x40000, s3;
	s5 =	sadd.s32 s0, s3  }
0x7: {  	s16 =	sor.u32 $0x80000, s3;
	[dreg:$0x4] =	wrdreg s5;
	s15 =	sadd.s32 s4, s14  }
0x8: {  	s18 =	sor.u32 $0x800, s3;
	s17 =	sadd.s32 s4, s16;
	[dreg:$0x5] =	wrdreg s15  }
0x9: {  	s9 =	sor.u32 $0xC0000, s3;
	s10 =	sadd.s32 s0, s18;
	[dreg:$0x6] =	wrdreg s17  }
0xa: {  	s8 =	ssub.s32 s2, s6;
	s19 =	sadd.s32 s4, s9;
	[dreg:$0x7] =	wrdreg s10  }
0xb: {  	s22 =	sor.u32 $0x40800, s3;
	s2 =	sadd.s32 s7, s14;
	[dreg:$0x8] =	wrdreg s19  }
0xc: {  	s25 =	sor.u32 $0x80800, s3;
	s20 =	sadd.s32 s4, s18;
	[dreg:$0x9] =	wrdreg s2  }
0xd: {  	s28 =	sor.u32 $0x1000, s3;
	s21 =	sadd.s32 s7, s16;
	[dreg:$0xa] =	wrdreg s20  }
0xe: {  	s29 =	sor.u32 $0xC0800, s3;
	s23 =	sadd.s32 s4, s22;
	[dreg:$0xb] =	wrdreg s21  }
0xf: {  	s31 =	sadd.s32 s4, s3;
	s24 =	sadd.s32 s7, s9;
	[dreg:$0xc] =	wrdreg s23  }
0x10: {  	s26 =	sadd.s32 s4, s25;
	s11 =	sadd.s32 s0, s28;
	[dreg:$0xd] =	wrdreg s24  }
0x11: {  	s6 =	sadd.s32 s7, s18;
	s12 =	sadd.s32 s4, s29;
	[dreg:$0xe] =	wrdreg s26  }
0x12: {  	s13 =	sadd.s32 s7, s25;
	s14 =	sor.u32 $0x1800, s3;
	[dreg:$0xf] =	wrdreg s11  }
0x13: {  	s16 =	sor.u32 $0x41000, s3;
	s18 =	sadd.s32 s7, s28;
	[dreg:$0x10] =	wrdreg s6  }
0x14: {  	s8 =	smax.u32 s8, $0x1;
	s9 =	simm.s32 $0x4000;
	[dreg:$0x11] =	wrdreg s12  }
0x15: {  	s2 =	sadd.s32 s7, s22;
	[dreg:$0x13] =	wrdreg s13;
	s15 =	sadd.s32 s7, s29  }
0x16: {  	s0 =	sadd.s32 s0, s14;
	s17 =	sadd.s32 s4, s28;
	[dreg:$0x17] =	wrdreg s18  }
0x17: {  	s19 =	sadd.s32 s4, s16;
	s20 =	sor.u32 $0x81000, s3;
	s21 =	sor.u32 $0xC1000, s3  }
0x18: {  	s25 =	sadd.s32 s4, s14;
	s30 =	sadd.s32 s7, s14;
	s26 =	sor.u32 $0x41800, s3  }
0x19: {  	s28 =	sor.u32 $0x81800, s3;
	s29 =	sor.u32 $0xC1800, s3;
	[dreg:$0x12] =	wrdreg s2  }
0x1a: {  	s10 =	simm.s32 $0x8000;
	s11 =	simm.s32 $0x7;
	[dreg:$0x14] =	wrdreg s15  }
0x1b: {  	s12 =	simm.s32 $0x1;
	s13 =	simm.s32 $0xC000;
	[dreg:$0x15] =	wrdreg s0  }
0x1c: {  	s14 =	simm.s32 $0x2;
	s18 =	simm.s32 $0x4;
	[dreg:$0x16] =	wrdreg s17  }
0x1d: {  	[dreg:$0x18] =	wrdreg s19;
	s0 =	sadd.s32 s7, s16;
	s22 =	sadd.s32 s4, s20  }
0x1e: {  	s23 =	sadd.s32 s4, s21;
	s24 =	sadd.s32 s7, s21;
	[dreg:$0x1e] =	wrdreg s25  }
0x1f: {  	s2 =	sadd.s32 s4, s26;
	s5 =	sadd.s32 s7, s26;
	s6 =	sadd.s32 s7, s28  }
0x20: {  	s15 =	simm.s32 $0x10000;
	s16 =	simm.s32 $0x3;
	[dreg:$0x19] =	wrdreg s0  }
0x21: {  	s17 =	simm.s32 $0x14000;
	s19 =	simm.s32 $0x8;
	[dreg:$0x1a] =	wrdreg s22  }
0x22: {  	s21 =	simm.s32 $0x6;
	s0 =	sadd.s32 s7, s20;
	[dreg:$0x1c] =	wrdreg s23  }
0x23: {  	[dreg:$0x1d] =	wrdreg s24;
	s20 =	simm.s32 $0x5;
	s22 =	simm.s32 $0x0  }
0x24: {  	[dreg:$0x1b] =	wrdreg s0;
	s0 =	sadd.s32 s7, s3;
	s3 =	sadd.s32 s4, s28  }
0x25: {  	s4 =	sadd.s32 s4, s29;
	s7 =	sadd.s32 s7, s29;
	_ =	strace $0x80000047  }
.LBB2_1:
0x26: {  	s23 =	rddreg [dreg:$0x4];
	s24 =	simm.s32 $0x18000  }
0x27: {  	[tilespmem:s24], [sflag:$0x7] =	stream.linear.gather [hbm4b:s23+s1], $0x4000, $0x38;
	v63 =	vld [tilespmem:$0x0]  }
0x28: {  	_ = 	snop  }
0x29: {  	[tilespmem:s1], [sflag:$0x1] =	stream.linear.gather [hbm4b:s31+s1], $0x4000, $0x38;
	v63 =	vld [tilespmem:$0x0]  }
0x2a: {  	s29 =	rddreg [dreg:$0x5]  }
0x2b: {  	[tilespmem:s9], [sflag:$0x2] =	stream.linear.gather [hbm4b:s29+s1], $0x4000, $0x38;
	v63 =	vld [tilespmem:$0x0]  }
0x2c: {  	s24 =	rddreg [dreg:$0x6]  }
0x2d: {  	[tilespmem:s10], [sflag:$0x3] =	stream.linear.gather [hbm4b:s24+s1], $0x4000, $0x38;
	v63 =	vld [tilespmem:$0x0]  }
0x2e: {  	_ =	swait.ge [sflag:s11], $0x4000  }
0x2f: {  	s26 =	simm.s32 $0x1C000;
	[sflag:s11] =	ssyncset.done $0x0  }
0x30: {  	s24 =	simm.s32 $0x0;
	s25 =	rddreg [dreg:$0x7];
	[sflag:s11] =	ssyncadd.s32 $0xFFFFC000  }
0x31: {  	[tilespmem:s26], [sflag:$0x8] =	stream.linear.gather [hbm4b:s25+s1], $0x4000, $0x38;
	v63 =	vld [tilespmem:$0x0]  }
0x32: {  	s28 =	sand.u32 $0x2000, s24;
	s25 =	sand.u32 $0x1800, s1;
	_ =	swait.ge [sflag:s12], $0x4000  }
0x33: {  	s29 =	sand.u32 $0x380, s1;
	s23 =	sor.u32 s28, s25;
	[sflag:s12] =	ssyncset.done $0x0  }
0x34: {  	s23 =	sor.u32 s29, s23;
	[sflag:s12] =	ssyncadd.s32 $0xFFFFC000  }
0x35: {  	v0 =	vld [tilespmem:s23+$0x470]  }
0x36: {  	v1 =	vld [tilespmem:s23+$0x18470]  }
0x37: {  	v2 =	vld [tilespmem:s23+$0x0]  }
0x38: {  	v3 =	vld [tilespmem:s23+$0x18000]  }
0x39: {  	v4 =	vld [tilespmem:s23+$0x10]  }
0x3a: {  	v5 =	vld [tilespmem:s23+$0x18010]  }
0x3b: {  	v6 =	vld [tilespmem:s23+$0x20]  }
0x3c: {  	v7 =	vld [tilespmem:s23+$0x18020]  }
0x3d: {  	v8 =	vld [tilespmem:s23+$0x30]  }
0x3e: {  	v9 =	vld [tilespmem:s23+$0x18030]  }
0x3f: {  	v10 =	vld [tilespmem:s23+$0x40]  }
0x40: {  	v11 =	vld [tilespmem:s23+$0x18040]  }
0x41: {  	v12 =	vld [tilespmem:s23+$0x50]  }
0x42: {  	v13 =	vld [tilespmem:s23+$0x18050]  }
0x43: {  	v14 =	vld [tilespmem:s23+$0x60]  }
0x44: {  	v15 =	vld [tilespmem:s23+$0x18060]  }
0x45: {  	v0 =	vadd.f32 v1, v0;
	v1 =	vld [tilespmem:s23+$0x70]  }
0x46: {  	v2 =	vadd.f32 v3, v2;
	v3 =	vld [tilespmem:s23+$0x18070]  }
0x47: {  	[tilespmem:s23+$0xC470] =	vst v0;
	v0 =	vadd.f32 v5, v4;
	v4 =	vld [tilespmem:s23+$0x400]  }
0x48: {  	[tilespmem:s23+$0xC000] =	vst v2;
	v2 =	vadd.f32 v7, v6;
	v6 =	vld [tilespmem:s23+$0x18400]  }
0x49: {  	v7 =	vld [tilespmem:s23+$0x410];
	v5 =	vadd.f32 v11, v10;
	[tilespmem:s23+$0xC010] =	vst v0  }
0x4a: {  	v0 =	vadd.f32 v9, v8;
	[tilespmem:s23+$0xC020] =	vst v2;
	v8 =	vld [tilespmem:s23+$0x18410]  }
0x4b: {  	v62 =	vadd.f32 v15, v14;
	v2 =	vld [tilespmem:s23+$0x420];
	[tilespmem:s23+$0xC040] =	vst v5  }
0x4c: {  	v5 =	vld [tilespmem:s23+$0x18420];
	[tilespmem:s23+$0xC030] =	vst v0;
	v0 =	vadd.f32 v13, v12  }
0x4d: {  	[tilespmem:s23+$0xC060] =	vst v62;
	v1 =	vadd.f32 v3, v1;
	v3 =	vld [tilespmem:s23+$0x18430]  }
0x4e: {  	v4 =	vadd.f32 v6, v4;
	[tilespmem:s23+$0xC050] =	vst v0;
	v0 =	vld [tilespmem:s23+$0x430]  }
0x4f: {  	[tilespmem:s23+$0xC070] =	vst v1;
	v1 =	vld [tilespmem:s23+$0x440];
	v6 =	vadd.f32 v8, v7  }
0x50: {  	s26 =	simm.s32 $0x0;
	s25 =	simm.s32 $0x0;
	[tilespmem:s23+$0xC400] =	vst v4;
	v4 =	vld [tilespmem:s23+$0x18440]  }
.LBB2_2:
0x51: {  	s24 =	sadd.s32 $0x100, s24;
	[tilespmem:s23+$0xC410] =	vst v6;
	v2 =	vadd.f32 v5, v2;
	v5 =	vld [tilespmem:s23+$0x450];
	s25 =	sadd.s32 $0x800, s25  }
0x52: {  	s26 =	sadd.s32 $0x20, s26;
	s28 =	sand.u32 $0x2000, s24;
	s29 =	sand.u32 $0x1800, s25;
	v6 =	vld [tilespmem:s23+$0x18450]  }
0x53: {  	p0 =	slt.u32 s24, $0x3F00;
	s28 =	sor.u32 s28, s29;
	s29 =	sand.u32 $0x380, s26;
	[tilespmem:s23+$0xC420] =	vst v2;
	v0 =	vadd.f32 v3, v0;
	v2 =	vld [tilespmem:s23+$0x460]  }
0x54: {  	s28 =	sor.u32 s29, s28;
	v3 =	vld [tilespmem:s23+$0x18460]  }
0x55: {  	v7 =	vld [tilespmem:s28+$0x470];
	[tilespmem:s23+$0xC430] =	vst v0;
	v0 =	vadd.f32 v4, v1  }
0x56: {  	v1 =	vld [tilespmem:s28+$0x18470]  }
0x57: {  	v4 =	vld [tilespmem:s28+$0x0];
	[tilespmem:s23+$0xC440] =	vst v0;
	v0 =	vadd.f32 v6, v5  }
0x58: {  	v5 =	vld [tilespmem:s28+$0x18000]  }
0x59: {  	v6 =	vld [tilespmem:s28+$0x10];
	[tilespmem:s23+$0xC450] =	vst v0;
	v0 =	vadd.f32 v3, v2  }
0x5a: {  	v2 =	vld [tilespmem:s28+$0x18010]  }
0x5b: {  	v3 =	vld [tilespmem:s28+$0x20];
	v1 =	vadd.f32 v1, v7;
	[tilespmem:s23+$0xC460] =	vst v0;
	s23 =	smov.u32 s28  }
0x5c: {  	v0 =	vld [tilespmem:s23+$0x18020]  }
0x5d: {  	v4 =	vadd.f32 v5, v4;
	v5 =	vld [tilespmem:s23+$0x30];
	[tilespmem:s23+$0xC470] =	vst v1  }
0x5e: {  	v1 =	vld [tilespmem:s23+$0x18030]  }
0x5f: {  	[tilespmem:s23+$0xC000] =	vst v4;
	v2 =	vadd.f32 v2, v6;
	v4 =	vld [tilespmem:s23+$0x40]  }
0x60: {  	v6 =	vld [tilespmem:s23+$0x18040]  }
0x61: {  	[tilespmem:s23+$0xC010] =	vst v2;
	v0 =	vadd.f32 v0, v3;
	v2 =	vld [tilespmem:s23+$0x50]  }
0x62: {  	v3 =	vld [tilespmem:s23+$0x18050]  }
0x63: {  	[tilespmem:s23+$0xC020] =	vst v0;
	v0 =	vadd.f32 v1, v5;
	v1 =	vld [tilespmem:s23+$0x60]  }
0x64: {  	v5 =	vld [tilespmem:s23+$0x18060]  }
0x65: {  	[tilespmem:s23+$0xC030] =	vst v0;
	v0 =	vadd.f32 v6, v4;
	v4 =	vld [tilespmem:s23+$0x70]  }
0x66: {  	v6 =	vld [tilespmem:s23+$0x18070]  }
0x67: {  	[tilespmem:s23+$0xC040] =	vst v0;
	v0 =	vadd.f32 v3, v2;
	v3 =	vld [tilespmem:s23+$0x400]  }
0x68: {  	v7 =	vld [tilespmem:s23+$0x18400]  }
0x69: {  	[tilespmem:s23+$0xC050] =	vst v0;
	v0 =	vadd.f32 v5, v1;
	v1 =	vld [tilespmem:s23+$0x410]  }
0x6a: {  	v8 =	vld [tilespmem:s23+$0x18410]  }
0x6b: {  	[tilespmem:s23+$0xC060] =	vst v0;
	v0 =	vadd.f32 v6, v4;
	v2 =	vld [tilespmem:s23+$0x420]  }
.Ltmp0:
0x6c: {  	v5 =	vld [tilespmem:s23+$0x18420];
	(pc) =	sbr.rel @p0 .LBB2_2-.Ltmp0, $4  }
0x6d: {  	[tilespmem:s23+$0xC070] =	vst v0;
	v4 =	vadd.f32 v7, v3;
	v0 =	vld [tilespmem:s23+$0x430]  }
0x6e: {  	v3 =	vld [tilespmem:s23+$0x18430]  }
0x6f: {  	[tilespmem:s23+$0xC400] =	vst v4;
	v6 =	vadd.f32 v8, v1;
	v1 =	vld [tilespmem:s23+$0x440]  }
0x70: {  	v4 =	vld [tilespmem:s23+$0x18440]  }
0x71: {  	v7 =	vld [tilespmem:s23+$0x450]  }
0x72: {  	v8 =	vld [tilespmem:s23+$0x18450]  }
0x73: {  	v9 =	vld [tilespmem:s23+$0x460]  }
0x74: {  	v10 =	vld [tilespmem:s23+$0x18460]  }
0x75: {  	v2 =	vadd.f32 v5, v2  }
0x76: {  	[tilespmem:s23+$0xC410] =	vst v6;
	v0 =	vadd.f32 v3, v0  }
0x77: {  	[tilespmem:s23+$0xC420] =	vst v2;
	v1 =	vadd.f32 v4, v1  }
0x78: {  	[tilespmem:s23+$0xC430] =	vst v0;
	v0 =	vadd.f32 v8, v7  }
0x79: {  	[tilespmem:s23+$0xC440] =	vst v1;
	v1 =	vadd.f32 v10, v9  }
0x7a: {  	[tilespmem:s23+$0xC450] =	vst v0  }
0x7b: {  	s24 =	simm.s32 $0x0;
	[tilespmem:s23+$0xC460] =	vst v1  }
0x7c: {  	[hbm4b:s0+s24] =	stream.linear.scatter [tilespmem:s13], [sflag:$0x4], $0x4000, $0x38;
	v63 =	vld [tilespmem:$0x0]  }
0x7d: {  	s25 =	simm.s32 $0x0;
	s23 =	rddreg [dreg:$0x8]  }
0x7e: {  	[tilespmem:s24], [sflag:$0x1] =	stream.linear.gather [hbm4b:s23+s24], $0x4000, $0x38;
	v63 =	vld [tilespmem:$0x0]  }
0x7f: {  	s28 =	sand.u32 $0x2000, s25;
	s26 =	sand.u32 $0x1800, s24;
	_ =	swait.ge [sflag:s14], $0x4000  }
0x80: {  	s29 =	sand.u32 $0x380, s24;
	s23 =	sor.u32 s28, s26;
	[sflag:s14] =	ssyncset.done $0x0  }
0x81: {  	s23 =	sor.u32 s29, s23;
	[sflag:s14] =	ssyncadd.s32 $0xFFFFC000  }
0x82: {  	v0 =	vld [tilespmem:s23+$0x4470]  }
0x83: {  	v1 =	vld [tilespmem:s23+$0x18470]  }
0x84: {  	v2 =	vld [tilespmem:s23+$0x4000]  }
0x85: {  	v3 =	vld [tilespmem:s23+$0x18000]  }
0x86: {  	v4 =	vld [tilespmem:s23+$0x4010]  }
0x87: {  	v5 =	vld [tilespmem:s23+$0x18010]  }
0x88: {  	v6 =	vld [tilespmem:s23+$0x4020]  }
0x89: {  	v7 =	vld [tilespmem:s23+$0x18020]  }
0x8a: {  	v8 =	vld [tilespmem:s23+$0x4030]  }
0x8b: {  	v60 =	vld [tilespmem:s23+$0x18030]  }
0x8c: {  	v61 =	vld [tilespmem:s23+$0x4040]  }
0x8d: {  	v11 =	vld [tilespmem:s23+$0x18040]  }
0x8e: {  	v12 =	vld [tilespmem:s23+$0x4050]  }
0x8f: {  	v13 =	vld [tilespmem:s23+$0x18050]  }
0x90: {  	v14 =	vld [tilespmem:s23+$0x4060]  }
0x91: {  	v15 =	vld [tilespmem:s23+$0x18060]  }
0x92: {  	v0 =	vadd.f32 v1, v0;
	v1 =	vld [tilespmem:s23+$0x4070]  }
0x93: {  	v2 =	vadd.f32 v3, v2;
	v3 =	vld [tilespmem:s23+$0x18070]  }
0x94: {  	[tilespmem:s23+$0x10470] =	vst v0;
	v0 =	vadd.f32 v5, v4;
	v4 =	vld [tilespmem:s23+$0x4400]  }
0x95: {  	[tilespmem:s23+$0x10000] =	vst v2;
	v2 =	vadd.f32 v7, v6;
	v6 =	vld [tilespmem:s23+$0x18400]  }
0x96: {  	v7 =	vld [tilespmem:s23+$0x4410];
	v5 =	vadd.f32 v11, v61;
	[tilespmem:s23+$0x10010] =	vst v0  }
0x97: {  	v0 =	vadd.f32 v60, v8;
	[tilespmem:s23+$0x10020] =	vst v2;
	v8 =	vld [tilespmem:s23+$0x18410]  }
0x98: {  	v62 =	vadd.f32 v15, v14;
	v2 =	vld [tilespmem:s23+$0x4420];
	[tilespmem:s23+$0x10040] =	vst v5  }
0x99: {  	v5 =	vld [tilespmem:s23+$0x18420];
	[tilespmem:s23+$0x10030] =	vst v0;
	v0 =	vadd.f32 v13, v12  }
0x9a: {  	[tilespmem:s23+$0x10060] =	vst v62;
	v1 =	vadd.f32 v3, v1;
	v3 =	vld [tilespmem:s23+$0x18430]  }
0x9b: {  	v4 =	vadd.f32 v6, v4;
	[tilespmem:s23+$0x10050] =	vst v0;
	v0 =	vld [tilespmem:s23+$0x4430]  }
0x9c: {  	[tilespmem:s23+$0x10070] =	vst v1;
	v1 =	vld [tilespmem:s23+$0x4440];
	v6 =	vadd.f32 v8, v7  }
0x9d: {  	s26 =	simm.s32 $0x0;
	[tilespmem:s23+$0x10400] =	vst v4;
	v4 =	vld [tilespmem:s23+$0x18440]  }
.LBB2_4:
0x9e: {  	s25 =	sadd.s32 $0x100, s25;
	[tilespmem:s23+$0x10410] =	vst v6;
	v2 =	vadd.f32 v5, v2;
	v5 =	vld [tilespmem:s23+$0x4450];
	s24 =	sadd.s32 $0x800, s24  }
0x9f: {  	s26 =	sadd.s32 $0x20, s26;
	s28 =	sand.u32 $0x2000, s25;
	s29 =	sand.u32 $0x1800, s24;
	v6 =	vld [tilespmem:s23+$0x18450]  }
0xa0: {  	p0 =	slt.u32 s25, $0x3F00;
	s28 =	sor.u32 s28, s29;
	s29 =	sand.u32 $0x380, s26;
	[tilespmem:s23+$0x10420] =	vst v2;
	v0 =	vadd.f32 v3, v0;
	v2 =	vld [tilespmem:s23+$0x4460]  }
0xa1: {  	s28 =	sor.u32 s29, s28;
	v3 =	vld [tilespmem:s23+$0x18460]  }
0xa2: {  	v7 =	vld [tilespmem:s28+$0x4470];
	[tilespmem:s23+$0x10430] =	vst v0;
	v0 =	vadd.f32 v4, v1  }
0xa3: {  	v1 =	vld [tilespmem:s28+$0x18470]  }
0xa4: {  	v4 =	vld [tilespmem:s28+$0x4000];
	[tilespmem:s23+$0x10440] =	vst v0;
	v0 =	vadd.f32 v6, v5  }
0xa5: {  	v5 =	vld [tilespmem:s28+$0x18000]  }
0xa6: {  	v6 =	vld [tilespmem:s28+$0x4010];
	[tilespmem:s23+$0x10450] =	vst v0;
	v0 =	vadd.f32 v3, v2  }
0xa7: {  	v2 =	vld [tilespmem:s28+$0x18010]  }
0xa8: {  	v3 =	vld [tilespmem:s28+$0x4020];
	v1 =	vadd.f32 v1, v7;
	[tilespmem:s23+$0x10460] =	vst v0;
	s23 =	smov.u32 s28  }
0xa9: {  	v0 =	vld [tilespmem:s23+$0x18020]  }
0xaa: {  	v4 =	vadd.f32 v5, v4;
	v5 =	vld [tilespmem:s23+$0x4030];
	[tilespmem:s23+$0x10470] =	vst v1  }
0xab: {  	v1 =	vld [tilespmem:s23+$0x18030]  }
0xac: {  	[tilespmem:s23+$0x10000] =	vst v4;
	v2 =	vadd.f32 v2, v6;
	v4 =	vld [tilespmem:s23+$0x4040]  }
0xad: {  	v6 =	vld [tilespmem:s23+$0x18040]  }
0xae: {  	[tilespmem:s23+$0x10010] =	vst v2;
	v0 =	vadd.f32 v0, v3;
	v2 =	vld [tilespmem:s23+$0x4050]  }
0xaf: {  	v3 =	vld [tilespmem:s23+$0x18050]  }
0xb0: {  	[tilespmem:s23+$0x10020] =	vst v0;
	v0 =	vadd.f32 v1, v5;
	v1 =	vld [tilespmem:s23+$0x4060]  }
0xb1: {  	v5 =	vld [tilespmem:s23+$0x18060]  }
0xb2: {  	[tilespmem:s23+$0x10030] =	vst v0;
	v0 =	vadd.f32 v6, v4;
	v4 =	vld [tilespmem:s23+$0x4070]  }
0xb3: {  	v6 =	vld [tilespmem:s23+$0x18070]  }
0xb4: {  	[tilespmem:s23+$0x10040] =	vst v0;
	v0 =	vadd.f32 v3, v2;
	v3 =	vld [tilespmem:s23+$0x4400]  }
0xb5: {  	v7 =	vld [tilespmem:s23+$0x18400]  }
0xb6: {  	[tilespmem:s23+$0x10050] =	vst v0;
	v0 =	vadd.f32 v5, v1;
	v1 =	vld [tilespmem:s23+$0x4410]  }
0xb7: {  	v8 =	vld [tilespmem:s23+$0x18410]  }
0xb8: {  	[tilespmem:s23+$0x10060] =	vst v0;
	v0 =	vadd.f32 v6, v4;
	v2 =	vld [tilespmem:s23+$0x4420]  }
.Ltmp1:
0xb9: {  	v5 =	vld [tilespmem:s23+$0x18420];
	(pc) =	sbr.rel @p0 .LBB2_4-.Ltmp1, $4  }
0xba: {  	[tilespmem:s23+$0x10070] =	vst v0;
	v4 =	vadd.f32 v7, v3;
	v0 =	vld [tilespmem:s23+$0x4430]  }
0xbb: {  	v3 =	vld [tilespmem:s23+$0x18430]  }
0xbc: {  	[tilespmem:s23+$0x10400] =	vst v4;
	v6 =	vadd.f32 v8, v1;
	v1 =	vld [tilespmem:s23+$0x4440]  }
0xbd: {  	v4 =	vld [tilespmem:s23+$0x18440]  }
0xbe: {  	v7 =	vld [tilespmem:s23+$0x4450]  }
0xbf: {  	v8 =	vld [tilespmem:s23+$0x18450]  }
0xc0: {  	v9 =	vld [tilespmem:s23+$0x4460]  }
0xc1: {  	v10 =	vld [tilespmem:s23+$0x18460]  }
0xc2: {  	v2 =	vadd.f32 v5, v2  }
0xc3: {  	[tilespmem:s23+$0x10410] =	vst v6;
	v0 =	vadd.f32 v3, v0  }
0xc4: {  	[tilespmem:s23+$0x10420] =	vst v2;
	v1 =	vadd.f32 v4, v1  }
0xc5: {  	[tilespmem:s23+$0x10430] =	vst v0;
	v0 =	vadd.f32 v8, v7  }
0xc6: {  	[tilespmem:s23+$0x10440] =	vst v1;
	v1 =	vadd.f32 v10, v9  }
0xc7: {  	[tilespmem:s23+$0x10450] =	vst v0  }
0xc8: {  	[tilespmem:s23+$0x10460] =	vst v1  }
0xc9: {  	s24 =	simm.s32 $0x0;
	s23 =	rddreg [dreg:$0x9]  }
0xca: {  	[hbm4b:s23+s24] =	stream.linear.scatter [tilespmem:s15], [sflag:$0x5], $0x4000, $0x38;
	v63 =	vld [tilespmem:$0x0]  }
0xcb: {  	s25 =	simm.s32 $0x0;
	s26 =	rddreg [dreg:$0xa]  }
0xcc: {  	[tilespmem:s9], [sflag:$0x2] =	stream.linear.gather [hbm4b:s26+s24], $0x4000, $0x38;
	v63 =	vld [tilespmem:$0x0]  }
0xcd: {  	s28 =	sand.u32 $0x2000, s25;
	s26 =	sand.u32 $0x1800, s24;
	_ =	swait.ge [sflag:s16], $0x4000  }
0xce: {  	s29 =	sand.u32 $0x380, s24;
	s23 =	sor.u32 s28, s26;
	[sflag:s16] =	ssyncset.done $0x0  }
0xcf: {  	s23 =	sor.u32 s29, s23;
	[sflag:s16] =	ssyncadd.s32 $0xFFFFC000  }
0xd0: {  	v0 =	vld [tilespmem:s23+$0x8470]  }
0xd1: {  	v1 =	vld [tilespmem:s23+$0x18470]  }
0xd2: {  	v2 =	vld [tilespmem:s23+$0x8000]  }
0xd3: {  	v3 =	vld [tilespmem:s23+$0x18000]  }
0xd4: {  	v4 =	vld [tilespmem:s23+$0x8010]  }
0xd5: {  	v5 =	vld [tilespmem:s23+$0x18010]  }
0xd6: {  	v6 =	vld [tilespmem:s23+$0x8020]  }
0xd7: {  	v7 =	vld [tilespmem:s23+$0x18020]  }
0xd8: {  	v8 =	vld [tilespmem:s23+$0x8030]  }
0xd9: {  	v60 =	vld [tilespmem:s23+$0x18030]  }
0xda: {  	v61 =	vld [tilespmem:s23+$0x8040]  }
0xdb: {  	v11 =	vld [tilespmem:s23+$0x18040]  }
0xdc: {  	v12 =	vld [tilespmem:s23+$0x8050]  }
0xdd: {  	v13 =	vld [tilespmem:s23+$0x18050]  }
0xde: {  	v14 =	vld [tilespmem:s23+$0x8060]  }
0xdf: {  	v15 =	vld [tilespmem:s23+$0x18060]  }
0xe0: {  	v0 =	vadd.f32 v1, v0;
	v1 =	vld [tilespmem:s23+$0x8070]  }
0xe1: {  	v2 =	vadd.f32 v3, v2;
	v3 =	vld [tilespmem:s23+$0x18070]  }
0xe2: {  	[tilespmem:s23+$0x14470] =	vst v0;
	v0 =	vadd.f32 v5, v4;
	v4 =	vld [tilespmem:s23+$0x8400]  }
0xe3: {  	[tilespmem:s23+$0x14000] =	vst v2;
	v2 =	vadd.f32 v7, v6;
	v6 =	vld [tilespmem:s23+$0x18400]  }
0xe4: {  	v7 =	vld [tilespmem:s23+$0x8410];
	v5 =	vadd.f32 v11, v61;
	[tilespmem:s23+$0x14010] =	vst v0  }
0xe5: {  	v0 =	vadd.f32 v60, v8;
	[tilespmem:s23+$0x14020] =	vst v2;
	v8 =	vld [tilespmem:s23+$0x18410]  }
0xe6: {  	v62 =	vadd.f32 v15, v14;
	v2 =	vld [tilespmem:s23+$0x8420];
	[tilespmem:s23+$0x14040] =	vst v5  }
0xe7: {  	v5 =	vld [tilespmem:s23+$0x18420];
	[tilespmem:s23+$0x14030] =	vst v0;
	v0 =	vadd.f32 v13, v12  }
0xe8: {  	[tilespmem:s23+$0x14060] =	vst v62;
	v1 =	vadd.f32 v3, v1;
	v3 =	vld [tilespmem:s23+$0x18430]  }
0xe9: {  	v4 =	vadd.f32 v6, v4;
	[tilespmem:s23+$0x14050] =	vst v0;
	v0 =	vld [tilespmem:s23+$0x8430]  }
0xea: {  	[tilespmem:s23+$0x14070] =	vst v1;
	v1 =	vld [tilespmem:s23+$0x8440];
	v6 =	vadd.f32 v8, v7  }
0xeb: {  	s26 =	simm.s32 $0x0;
	[tilespmem:s23+$0x14400] =	vst v4;
	v4 =	vld [tilespmem:s23+$0x18440]  }
.LBB2_6:
0xec: {  	s25 =	sadd.s32 $0x100, s25;
	[tilespmem:s23+$0x14410] =	vst v6;
	v2 =	vadd.f32 v5, v2;
	v5 =	vld [tilespmem:s23+$0x8450];
	s24 =	sadd.s32 $0x800, s24  }
0xed: {  	s26 =	sadd.s32 $0x20, s26;
	s28 =	sand.u32 $0x2000, s25;
	s29 =	sand.u32 $0x1800, s24;
	v6 =	vld [tilespmem:s23+$0x18450]  }
0xee: {  	p0 =	slt.u32 s25, $0x3F00;
	s28 =	sor.u32 s28, s29;
	s29 =	sand.u32 $0x380, s26;
	[tilespmem:s23+$0x14420] =	vst v2;
	v0 =	vadd.f32 v3, v0;
	v2 =	vld [tilespmem:s23+$0x8460]  }
0xef: {  	s28 =	sor.u32 s29, s28;
	v3 =	vld [tilespmem:s23+$0x18460]  }
0xf0: {  	v7 =	vld [tilespmem:s28+$0x8470];
	[tilespmem:s23+$0x14430] =	vst v0;
	v0 =	vadd.f32 v4, v1  }
0xf1: {  	v1 =	vld [tilespmem:s28+$0x18470]  }
0xf2: {  	v4 =	vld [tilespmem:s28+$0x8000];
	[tilespmem:s23+$0x14440] =	vst v0;
	v0 =	vadd.f32 v6, v5  }
0xf3: {  	v5 =	vld [tilespmem:s28+$0x18000]  }
0xf4: {  	v6 =	vld [tilespmem:s28+$0x8010];
	[tilespmem:s23+$0x14450] =	vst v0;
	v0 =	vadd.f32 v3, v2  }
0xf5: {  	v2 =	vld [tilespmem:s28+$0x18010]  }
0xf6: {  	v3 =	vld [tilespmem:s28+$0x8020];
	v1 =	vadd.f32 v1, v7;
	[tilespmem:s23+$0x14460] =	vst v0;
	s23 =	smov.u32 s28  }
0xf7: {  	v0 =	vld [tilespmem:s23+$0x18020]  }
0xf8: {  	v4 =	vadd.f32 v5, v4;
	v5 =	vld [tilespmem:s23+$0x8030];
	[tilespmem:s23+$0x14470] =	vst v1  }
0xf9: {  	v1 =	vld [tilespmem:s23+$0x18030]  }
0xfa: {  	[tilespmem:s23+$0x14000] =	vst v4;
	v2 =	vadd.f32 v2, v6;
	v4 =	vld [tilespmem:s23+$0x8040]  }
0xfb: {  	v6 =	vld [tilespmem:s23+$0x18040]  }
0xfc: {  	[tilespmem:s23+$0x14010] =	vst v2;
	v0 =	vadd.f32 v0, v3;
	v2 =	vld [tilespmem:s23+$0x8050]  }
0xfd: {  	v3 =	vld [tilespmem:s23+$0x18050]  }
0xfe: {  	[tilespmem:s23+$0x14020] =	vst v0;
	v0 =	vadd.f32 v1, v5;
	v1 =	vld [tilespmem:s23+$0x8060]  }
0xff: {  	v5 =	vld [tilespmem:s23+$0x18060]  }
0x100: {  	[tilespmem:s23+$0x14030] =	vst v0;
	v0 =	vadd.f32 v6, v4;
	v4 =	vld [tilespmem:s23+$0x8070]  }
0x101: {  	v6 =	vld [tilespmem:s23+$0x18070]  }
0x102: {  	[tilespmem:s23+$0x14040] =	vst v0;
	v0 =	vadd.f32 v3, v2;
	v3 =	vld [tilespmem:s23+$0x8400]  }
0x103: {  	v7 =	vld [tilespmem:s23+$0x18400]  }
0x104: {  	[tilespmem:s23+$0x14050] =	vst v0;
	v0 =	vadd.f32 v5, v1;
	v1 =	vld [tilespmem:s23+$0x8410]  }
0x105: {  	v8 =	vld [tilespmem:s23+$0x18410]  }
0x106: {  	[tilespmem:s23+$0x14060] =	vst v0;
	v0 =	vadd.f32 v6, v4;
	v2 =	vld [tilespmem:s23+$0x8420]  }
.Ltmp2:
0x107: {  	v5 =	vld [tilespmem:s23+$0x18420];
	(pc) =	sbr.rel @p0 .LBB2_6-.Ltmp2, $4  }
0x108: {  	[tilespmem:s23+$0x14070] =	vst v0;
	v4 =	vadd.f32 v7, v3;
	v0 =	vld [tilespmem:s23+$0x8430]  }
0x109: {  	v3 =	vld [tilespmem:s23+$0x18430]  }
0x10a: {  	[tilespmem:s23+$0x14400] =	vst v4;
	v6 =	vadd.f32 v8, v1;
	v1 =	vld [tilespmem:s23+$0x8440]  }
0x10b: {  	v4 =	vld [tilespmem:s23+$0x18440]  }
0x10c: {  	v7 =	vld [tilespmem:s23+$0x8450]  }
0x10d: {  	v8 =	vld [tilespmem:s23+$0x18450]  }
0x10e: {  	v9 =	vld [tilespmem:s23+$0x8460]  }
0x10f: {  	v10 =	vld [tilespmem:s23+$0x18460]  }
0x110: {  	v2 =	vadd.f32 v5, v2  }
0x111: {  	[tilespmem:s23+$0x14410] =	vst v6;
	v0 =	vadd.f32 v3, v0  }
0x112: {  	[tilespmem:s23+$0x14420] =	vst v2;
	v1 =	vadd.f32 v4, v1  }
0x113: {  	[tilespmem:s23+$0x14430] =	vst v0;
	v0 =	vadd.f32 v8, v7  }
0x114: {  	[tilespmem:s23+$0x14440] =	vst v1;
	v1 =	vadd.f32 v10, v9  }
0x115: {  	[tilespmem:s23+$0x14450] =	vst v0  }
0x116: {  	[tilespmem:s23+$0x14460] =	vst v1  }
0x117: {  	s24 =	simm.s32 $0x0;
	s23 =	rddreg [dreg:$0xb]  }
0x118: {  	[hbm4b:s23+s24] =	stream.linear.scatter [tilespmem:s17], [sflag:$0x6], $0x4000, $0x38;
	v63 =	vld [tilespmem:$0x0]  }
0x119: {  	s26 =	rddreg [dreg:$0xc]  }
0x11a: {  	[tilespmem:s10], [sflag:$0x3] =	stream.linear.gather [hbm4b:s26+s24], $0x4000, $0x38;
	v63 =	vld [tilespmem:$0x0]  }
0x11b: {  	_ =	swait.ge [sflag:s12], $0x4000  }
0x11c: {  	[sflag:s12] =	ssyncset.done $0x0  }
0x11d: {  	s25 =	simm.s32 $0x0;
	[sflag:s12] =	ssyncadd.s32 $0xFFFFC000  }
0x11e: {  	s28 =	sand.u32 $0x2000, s25;
	s26 =	sand.u32 $0x1800, s24;
	_ =	swait.ge [sflag:s18], $0x4000  }
0x11f: {  	s29 =	sand.u32 $0x380, s24;
	s23 =	sor.u32 s28, s26;
	[sflag:s18] =	ssyncset.done $0x0  }
0x120: {  	s23 =	sor.u32 s29, s23;
	[sflag:s18] =	ssyncadd.s32 $0xFFFFC000  }
0x121: {  	v0 =	vld [tilespmem:s23+$0x470]  }
0x122: {  	v1 =	vld [tilespmem:s23+$0x18470]  }
0x123: {  	v2 =	vld [tilespmem:s23+$0x0]  }
0x124: {  	v3 =	vld [tilespmem:s23+$0x18000]  }
0x125: {  	v4 =	vld [tilespmem:s23+$0x10]  }
0x126: {  	v5 =	vld [tilespmem:s23+$0x18010]  }
0x127: {  	v6 =	vld [tilespmem:s23+$0x20]  }
0x128: {  	v7 =	vld [tilespmem:s23+$0x18020]  }
0x129: {  	v8 =	vld [tilespmem:s23+$0x30]  }
0x12a: {  	v60 =	vld [tilespmem:s23+$0x18030]  }
0x12b: {  	v61 =	vld [tilespmem:s23+$0x40]  }
0x12c: {  	v11 =	vld [tilespmem:s23+$0x18040]  }
0x12d: {  	v12 =	vld [tilespmem:s23+$0x50]  }
0x12e: {  	v13 =	vld [tilespmem:s23+$0x18050]  }
0x12f: {  	v14 =	vld [tilespmem:s23+$0x60]  }
0x130: {  	v15 =	vld [tilespmem:s23+$0x18060]  }
0x131: {  	v0 =	vadd.f32 v1, v0;
	v1 =	vld [tilespmem:s23+$0x70]  }
0x132: {  	v2 =	vadd.f32 v3, v2;
	v3 =	vld [tilespmem:s23+$0x18070]  }
0x133: {  	[tilespmem:s23+$0xC470] =	vst v0;
	v0 =	vadd.f32 v5, v4;
	v4 =	vld [tilespmem:s23+$0x400]  }
0x134: {  	[tilespmem:s23+$0xC000] =	vst v2;
	v2 =	vadd.f32 v7, v6;
	v6 =	vld [tilespmem:s23+$0x18400]  }
0x135: {  	v7 =	vld [tilespmem:s23+$0x410];
	v5 =	vadd.f32 v11, v61;
	[tilespmem:s23+$0xC010] =	vst v0  }
0x136: {  	v0 =	vadd.f32 v60, v8;
	[tilespmem:s23+$0xC020] =	vst v2;
	v8 =	vld [tilespmem:s23+$0x18410]  }
0x137: {  	v62 =	vadd.f32 v15, v14;
	v2 =	vld [tilespmem:s23+$0x420];
	[tilespmem:s23+$0xC040] =	vst v5  }
0x138: {  	v5 =	vld [tilespmem:s23+$0x18420];
	[tilespmem:s23+$0xC030] =	vst v0;
	v0 =	vadd.f32 v13, v12  }
0x139: {  	[tilespmem:s23+$0xC060] =	vst v62;
	v1 =	vadd.f32 v3, v1;
	v3 =	vld [tilespmem:s23+$0x18430]  }
0x13a: {  	v4 =	vadd.f32 v6, v4;
	[tilespmem:s23+$0xC050] =	vst v0;
	v0 =	vld [tilespmem:s23+$0x430]  }
0x13b: {  	[tilespmem:s23+$0xC070] =	vst v1;
	v1 =	vld [tilespmem:s23+$0x440];
	v6 =	vadd.f32 v8, v7  }
0x13c: {  	s26 =	simm.s32 $0x0;
	[tilespmem:s23+$0xC400] =	vst v4;
	v4 =	vld [tilespmem:s23+$0x18440]  }
.LBB2_8:
0x13d: {  	s25 =	sadd.s32 $0x100, s25;
	[tilespmem:s23+$0xC410] =	vst v6;
	v2 =	vadd.f32 v5, v2;
	v5 =	vld [tilespmem:s23+$0x450];
	s24 =	sadd.s32 $0x800, s24  }
0x13e: {  	s26 =	sadd.s32 $0x20, s26;
	s28 =	sand.u32 $0x2000, s25;
	s29 =	sand.u32 $0x1800, s24;
	v6 =	vld [tilespmem:s23+$0x18450]  }
0x13f: {  	p0 =	slt.u32 s25, $0x3F00;
	s28 =	sor.u32 s28, s29;
	s29 =	sand.u32 $0x380, s26;
	[tilespmem:s23+$0xC420] =	vst v2;
	v0 =	vadd.f32 v3, v0;
	v2 =	vld [tilespmem:s23+$0x460]  }
0x140: {  	s28 =	sor.u32 s29, s28;
	v3 =	vld [tilespmem:s23+$0x18460]  }
0x141: {  	v7 =	vld [tilespmem:s28+$0x470];
	[tilespmem:s23+$0xC430] =	vst v0;
	v0 =	vadd.f32 v4, v1  }
0x142: {  	v1 =	vld [tilespmem:s28+$0x18470]  }
0x143: {  	v4 =	vld [tilespmem:s28+$0x0];
	[tilespmem:s23+$0xC440] =	vst v0;
	v0 =	vadd.f32 v6, v5  }
0x144: {  	v5 =	vld [tilespmem:s28+$0x18000]  }
0x145: {  	v6 =	vld [tilespmem:s28+$0x10];
	[tilespmem:s23+$0xC450] =	vst v0;
	v0 =	vadd.f32 v3, v2  }
0x146: {  	v2 =	vld [tilespmem:s28+$0x18010]  }
0x147: {  	v3 =	vld [tilespmem:s28+$0x20];
	v1 =	vadd.f32 v1, v7;
	[tilespmem:s23+$0xC460] =	vst v0;
	s23 =	smov.u32 s28  }
0x148: {  	v0 =	vld [tilespmem:s23+$0x18020]  }
0x149: {  	v4 =	vadd.f32 v5, v4;
	v5 =	vld [tilespmem:s23+$0x30];
	[tilespmem:s23+$0xC470] =	vst v1  }
0x14a: {  	v1 =	vld [tilespmem:s23+$0x18030]  }
0x14b: {  	[tilespmem:s23+$0xC000] =	vst v4;
	v2 =	vadd.f32 v2, v6;
	v4 =	vld [tilespmem:s23+$0x40]  }
0x14c: {  	v6 =	vld [tilespmem:s23+$0x18040]  }
0x14d: {  	[tilespmem:s23+$0xC010] =	vst v2;
	v0 =	vadd.f32 v0, v3;
	v2 =	vld [tilespmem:s23+$0x50]  }
0x14e: {  	v3 =	vld [tilespmem:s23+$0x18050]  }
0x14f: {  	[tilespmem:s23+$0xC020] =	vst v0;
	v0 =	vadd.f32 v1, v5;
	v1 =	vld [tilespmem:s23+$0x60]  }
0x150: {  	v5 =	vld [tilespmem:s23+$0x18060]  }
0x151: {  	[tilespmem:s23+$0xC030] =	vst v0;
	v0 =	vadd.f32 v6, v4;
	v4 =	vld [tilespmem:s23+$0x70]  }
0x152: {  	v6 =	vld [tilespmem:s23+$0x18070]  }
0x153: {  	[tilespmem:s23+$0xC040] =	vst v0;
	v0 =	vadd.f32 v3, v2;
	v3 =	vld [tilespmem:s23+$0x400]  }
0x154: {  	v7 =	vld [tilespmem:s23+$0x18400]  }
0x155: {  	[tilespmem:s23+$0xC050] =	vst v0;
	v0 =	vadd.f32 v5, v1;
	v1 =	vld [tilespmem:s23+$0x410]  }
0x156: {  	v8 =	vld [tilespmem:s23+$0x18410]  }
0x157: {  	[tilespmem:s23+$0xC060] =	vst v0;
	v0 =	vadd.f32 v6, v4;
	v2 =	vld [tilespmem:s23+$0x420]  }
.Ltmp3:
0x158: {  	v5 =	vld [tilespmem:s23+$0x18420];
	(pc) =	sbr.rel @p0 .LBB2_8-.Ltmp3, $4  }
0x159: {  	[tilespmem:s23+$0xC070] =	vst v0;
	v4 =	vadd.f32 v7, v3;
	v0 =	vld [tilespmem:s23+$0x430]  }
0x15a: {  	v3 =	vld [tilespmem:s23+$0x18430]  }
0x15b: {  	[tilespmem:s23+$0xC400] =	vst v4;
	v6 =	vadd.f32 v8, v1;
	v1 =	vld [tilespmem:s23+$0x440]  }
0x15c: {  	v4 =	vld [tilespmem:s23+$0x18440]  }
0x15d: {  	v7 =	vld [tilespmem:s23+$0x450]  }
0x15e: {  	v8 =	vld [tilespmem:s23+$0x18450]  }
0x15f: {  	v9 =	vld [tilespmem:s23+$0x460]  }
0x160: {  	v10 =	vld [tilespmem:s23+$0x18460]  }
0x161: {  	v2 =	vadd.f32 v5, v2  }
0x162: {  	[tilespmem:s23+$0xC410] =	vst v6;
	v0 =	vadd.f32 v3, v0  }
0x163: {  	[tilespmem:s23+$0xC420] =	vst v2;
	v1 =	vadd.f32 v4, v1  }
0x164: {  	[tilespmem:s23+$0xC430] =	vst v0;
	v0 =	vadd.f32 v8, v7  }
0x165: {  	[tilespmem:s23+$0xC440] =	vst v1;
	v1 =	vadd.f32 v10, v9  }
0x166: {  	[tilespmem:s23+$0xC450] =	vst v0  }
0x167: {  	[tilespmem:s23+$0xC460] =	vst v1  }
0x168: {  	s23 =	simm.s32 $0x0;
	s24 =	rddreg [dreg:$0xd]  }
0x169: {  	[hbm4b:s24+s23] =	stream.linear.scatter [tilespmem:s13], [sflag:$0x4], $0x4000, $0x38;
	v63 =	vld [tilespmem:$0x0]  }
0x16a: {  	s25 =	rddreg [dreg:$0xe]  }
0x16b: {  	[tilespmem:s23], [sflag:$0x1] =	stream.linear.gather [hbm4b:s25+s23], $0x4000, $0x38;
	v63 =	vld [tilespmem:$0x0]  }
0x16c: {  	_ =	swait.ge [sflag:s19], $0x4000  }
0x16d: {  	[sflag:s19] =	ssyncset.done $0x0  }
0x16e: {  	s25 =	simm.s32 $0x18000;
	s26 =	rddreg [dreg:$0xf];
	[sflag:s19] =	ssyncadd.s32 $0xFFFFC000  }
0x16f: {  	[tilespmem:s25], [sflag:$0x7] =	stream.linear.gather [hbm4b:s26+s23], $0x4000, $0x38;
	v63 =	vld [tilespmem:$0x0]  }
0x170: {  	_ =	swait.ge [sflag:s14], $0x4000  }
0x171: {  	[sflag:s14] =	ssyncset.done $0x0  }
0x172: {  	s25 =	simm.s32 $0x0;
	[sflag:s14] =	ssyncadd.s32 $0xFFFFC000  }
0x173: {  	s26 =	sand.u32 $0x1800, s23;
	s28 =	sand.u32 $0x2000, s25;
	_ =	swait.ge [sflag:s20], $0x4000  }
0x174: {  	s29 =	sand.u32 $0x380, s23;
	s24 =	sor.u32 s28, s26;
	[sflag:s20] =	ssyncset.done $0x0  }
0x175: {  	s24 =	sor.u32 s29, s24;
	[sflag:s20] =	ssyncadd.s32 $0xFFFFC000  }
0x176: {  	v0 =	vld [tilespmem:s24+$0x4470]  }
0x177: {  	v1 =	vld [tilespmem:s24+$0x1C470]  }
0x178: {  	v2 =	vld [tilespmem:s24+$0x4000]  }
0x179: {  	v3 =	vld [tilespmem:s24+$0x1C000]  }
0x17a: {  	v4 =	vld [tilespmem:s24+$0x4010]  }
0x17b: {  	v5 =	vld [tilespmem:s24+$0x1C010]  }
0x17c: {  	v6 =	vld [tilespmem:s24+$0x4020]  }
0x17d: {  	v7 =	vld [tilespmem:s24+$0x1C020]  }
0x17e: {  	v8 =	vld [tilespmem:s24+$0x4030]  }
0x17f: {  	v60 =	vld [tilespmem:s24+$0x1C030]  }
0x180: {  	v61 =	vld [tilespmem:s24+$0x4040]  }
0x181: {  	v11 =	vld [tilespmem:s24+$0x1C040]  }
0x182: {  	v12 =	vld [tilespmem:s24+$0x4050]  }
0x183: {  	v13 =	vld [tilespmem:s24+$0x1C050]  }
0x184: {  	v14 =	vld [tilespmem:s24+$0x4060]  }
0x185: {  	v15 =	vld [tilespmem:s24+$0x1C060]  }
0x186: {  	v0 =	vadd.f32 v1, v0;
	v1 =	vld [tilespmem:s24+$0x4070]  }
0x187: {  	v2 =	vadd.f32 v3, v2;
	v3 =	vld [tilespmem:s24+$0x1C070]  }
0x188: {  	[tilespmem:s24+$0x10470] =	vst v0;
	v0 =	vadd.f32 v5, v4;
	v4 =	vld [tilespmem:s24+$0x4400]  }
0x189: {  	[tilespmem:s24+$0x10000] =	vst v2;
	v2 =	vadd.f32 v7, v6;
	v6 =	vld [tilespmem:s24+$0x1C400]  }
0x18a: {  	v7 =	vld [tilespmem:s24+$0x4410];
	v5 =	vadd.f32 v11, v61;
	[tilespmem:s24+$0x10010] =	vst v0  }
0x18b: {  	v0 =	vadd.f32 v60, v8;
	[tilespmem:s24+$0x10020] =	vst v2;
	v8 =	vld [tilespmem:s24+$0x1C410]  }
0x18c: {  	v62 =	vadd.f32 v15, v14;
	v2 =	vld [tilespmem:s24+$0x4420];
	[tilespmem:s24+$0x10040] =	vst v5  }
0x18d: {  	v5 =	vld [tilespmem:s24+$0x1C420];
	[tilespmem:s24+$0x10030] =	vst v0;
	v0 =	vadd.f32 v13, v12  }
0x18e: {  	[tilespmem:s24+$0x10060] =	vst v62;
	v1 =	vadd.f32 v3, v1;
	v3 =	vld [tilespmem:s24+$0x1C430]  }
0x18f: {  	v4 =	vadd.f32 v6, v4;
	[tilespmem:s24+$0x10050] =	vst v0;
	v0 =	vld [tilespmem:s24+$0x4430]  }
0x190: {  	[tilespmem:s24+$0x10070] =	vst v1;
	v1 =	vld [tilespmem:s24+$0x4440];
	v6 =	vadd.f32 v8, v7  }
0x191: {  	s26 =	simm.s32 $0x0;
	[tilespmem:s24+$0x10400] =	vst v4;
	v4 =	vld [tilespmem:s24+$0x1C440]  }
.LBB2_10:
0x192: {  	s25 =	sadd.s32 $0x100, s25;
	[tilespmem:s24+$0x10410] =	vst v6;
	v2 =	vadd.f32 v5, v2;
	v5 =	vld [tilespmem:s24+$0x4450];
	s23 =	sadd.s32 $0x800, s23  }
0x193: {  	s26 =	sadd.s32 $0x20, s26;
	s28 =	sand.u32 $0x2000, s25;
	s29 =	sand.u32 $0x1800, s23;
	v6 =	vld [tilespmem:s24+$0x1C450]  }
0x194: {  	p0 =	slt.u32 s25, $0x3F00;
	s28 =	sor.u32 s28, s29;
	s29 =	sand.u32 $0x380, s26;
	[tilespmem:s24+$0x10420] =	vst v2;
	v0 =	vadd.f32 v3, v0;
	v2 =	vld [tilespmem:s24+$0x4460]  }
0x195: {  	s28 =	sor.u32 s29, s28;
	v3 =	vld [tilespmem:s24+$0x1C460]  }
0x196: {  	v7 =	vld [tilespmem:s28+$0x4470];
	[tilespmem:s24+$0x10430] =	vst v0;
	v0 =	vadd.f32 v4, v1  }
0x197: {  	v1 =	vld [tilespmem:s28+$0x1C470]  }
0x198: {  	v4 =	vld [tilespmem:s28+$0x4000];
	[tilespmem:s24+$0x10440] =	vst v0;
	v0 =	vadd.f32 v6, v5  }
0x199: {  	v5 =	vld [tilespmem:s28+$0x1C000]  }
0x19a: {  	v6 =	vld [tilespmem:s28+$0x4010];
	[tilespmem:s24+$0x10450] =	vst v0;
	v0 =	vadd.f32 v3, v2  }
0x19b: {  	v2 =	vld [tilespmem:s28+$0x1C010]  }
0x19c: {  	v3 =	vld [tilespmem:s28+$0x4020];
	v1 =	vadd.f32 v1, v7;
	[tilespmem:s24+$0x10460] =	vst v0;
	s24 =	smov.u32 s28  }
0x19d: {  	v0 =	vld [tilespmem:s24+$0x1C020]  }
0x19e: {  	v4 =	vadd.f32 v5, v4;
	v5 =	vld [tilespmem:s24+$0x4030];
	[tilespmem:s24+$0x10470] =	vst v1  }
0x19f: {  	v1 =	vld [tilespmem:s24+$0x1C030]  }
0x1a0: {  	[tilespmem:s24+$0x10000] =	vst v4;
	v2 =	vadd.f32 v2, v6;
	v4 =	vld [tilespmem:s24+$0x4040]  }
0x1a1: {  	v6 =	vld [tilespmem:s24+$0x1C040]  }
0x1a2: {  	[tilespmem:s24+$0x10010] =	vst v2;
	v0 =	vadd.f32 v0, v3;
	v2 =	vld [tilespmem:s24+$0x4050]  }
0x1a3: {  	v3 =	vld [tilespmem:s24+$0x1C050]  }
0x1a4: {  	[tilespmem:s24+$0x10020] =	vst v0;
	v0 =	vadd.f32 v1, v5;
	v1 =	vld [tilespmem:s24+$0x4060]  }
0x1a5: {  	v5 =	vld [tilespmem:s24+$0x1C060]  }
0x1a6: {  	[tilespmem:s24+$0x10030] =	vst v0;
	v0 =	vadd.f32 v6, v4;
	v4 =	vld [tilespmem:s24+$0x4070]  }
0x1a7: {  	v6 =	vld [tilespmem:s24+$0x1C070]  }
0x1a8: {  	[tilespmem:s24+$0x10040] =	vst v0;
	v0 =	vadd.f32 v3, v2;
	v3 =	vld [tilespmem:s24+$0x4400]  }
0x1a9: {  	v7 =	vld [tilespmem:s24+$0x1C400]  }
0x1aa: {  	[tilespmem:s24+$0x10050] =	vst v0;
	v0 =	vadd.f32 v5, v1;
	v1 =	vld [tilespmem:s24+$0x4410]  }
0x1ab: {  	v8 =	vld [tilespmem:s24+$0x1C410]  }
0x1ac: {  	[tilespmem:s24+$0x10060] =	vst v0;
	v0 =	vadd.f32 v6, v4;
	v2 =	vld [tilespmem:s24+$0x4420]  }
.Ltmp4:
0x1ad: {  	v5 =	vld [tilespmem:s24+$0x1C420];
	(pc) =	sbr.rel @p0 .LBB2_10-.Ltmp4, $4  }
0x1ae: {  	[tilespmem:s24+$0x10070] =	vst v0;
	v4 =	vadd.f32 v7, v3;
	v0 =	vld [tilespmem:s24+$0x4430]  }
0x1af: {  	v3 =	vld [tilespmem:s24+$0x1C430]  }
0x1b0: {  	[tilespmem:s24+$0x10400] =	vst v4;
	v6 =	vadd.f32 v8, v1;
	v1 =	vld [tilespmem:s24+$0x4440]  }
0x1b1: {  	v4 =	vld [tilespmem:s24+$0x1C440]  }
0x1b2: {  	v7 =	vld [tilespmem:s24+$0x4450]  }
0x1b3: {  	v8 =	vld [tilespmem:s24+$0x1C450]  }
0x1b4: {  	v9 =	vld [tilespmem:s24+$0x4460]  }
0x1b5: {  	v10 =	vld [tilespmem:s24+$0x1C460]  }
0x1b6: {  	v2 =	vadd.f32 v5, v2  }
0x1b7: {  	[tilespmem:s24+$0x10410] =	vst v6;
	v0 =	vadd.f32 v3, v0  }
0x1b8: {  	[tilespmem:s24+$0x10420] =	vst v2;
	v1 =	vadd.f32 v4, v1  }
0x1b9: {  	[tilespmem:s24+$0x10430] =	vst v0;
	v0 =	vadd.f32 v8, v7  }
0x1ba: {  	[tilespmem:s24+$0x10440] =	vst v1;
	v1 =	vadd.f32 v10, v9  }
0x1bb: {  	[tilespmem:s24+$0x10450] =	vst v0  }
0x1bc: {  	[tilespmem:s24+$0x10460] =	vst v1  }
0x1bd: {  	s24 =	simm.s32 $0x0;
	s23 =	rddreg [dreg:$0x10]  }
0x1be: {  	[hbm4b:s23+s24] =	stream.linear.scatter [tilespmem:s15], [sflag:$0x5], $0x4000, $0x38;
	v63 =	vld [tilespmem:$0x0]  }
0x1bf: {  	s26 =	rddreg [dreg:$0x11]  }
0x1c0: {  	[tilespmem:s9], [sflag:$0x2] =	stream.linear.gather [hbm4b:s26+s24], $0x4000, $0x38;
	v63 =	vld [tilespmem:$0x0]  }
0x1c1: {  	_ =	swait.ge [sflag:s16], $0x4000  }
0x1c2: {  	[sflag:s16] =	ssyncset.done $0x0  }
0x1c3: {  	s25 =	simm.s32 $0x0;
	[sflag:s16] =	ssyncadd.s32 $0xFFFFC000  }
0x1c4: {  	s28 =	sand.u32 $0x2000, s25;
	s26 =	sand.u32 $0x1800, s24;
	_ =	swait.ge [sflag:s21], $0x4000  }
0x1c5: {  	s29 =	sand.u32 $0x380, s24;
	s23 =	sor.u32 s28, s26;
	[sflag:s21] =	ssyncset.done $0x0  }
0x1c6: {  	s23 =	sor.u32 s29, s23;
	[sflag:s21] =	ssyncadd.s32 $0xFFFFC000  }
0x1c7: {  	v0 =	vld [tilespmem:s23+$0x8470]  }
0x1c8: {  	v1 =	vld [tilespmem:s23+$0x1C470]  }
0x1c9: {  	v2 =	vld [tilespmem:s23+$0x8000]  }
0x1ca: {  	v3 =	vld [tilespmem:s23+$0x1C000]  }
0x1cb: {  	v4 =	vld [tilespmem:s23+$0x8010]  }
0x1cc: {  	v5 =	vld [tilespmem:s23+$0x1C010]  }
0x1cd: {  	v6 =	vld [tilespmem:s23+$0x8020]  }
0x1ce: {  	v7 =	vld [tilespmem:s23+$0x1C020]  }
0x1cf: {  	v8 =	vld [tilespmem:s23+$0x8030]  }
0x1d0: {  	v60 =	vld [tilespmem:s23+$0x1C030]  }
0x1d1: {  	v61 =	vld [tilespmem:s23+$0x8040]  }
0x1d2: {  	v11 =	vld [tilespmem:s23+$0x1C040]  }
0x1d3: {  	v12 =	vld [tilespmem:s23+$0x8050]  }
0x1d4: {  	v13 =	vld [tilespmem:s23+$0x1C050]  }
0x1d5: {  	v14 =	vld [tilespmem:s23+$0x8060]  }
0x1d6: {  	v15 =	vld [tilespmem:s23+$0x1C060]  }
0x1d7: {  	v0 =	vadd.f32 v1, v0;
	v1 =	vld [tilespmem:s23+$0x8070]  }
0x1d8: {  	v2 =	vadd.f32 v3, v2;
	v3 =	vld [tilespmem:s23+$0x1C070]  }
0x1d9: {  	[tilespmem:s23+$0x14470] =	vst v0;
	v0 =	vadd.f32 v5, v4;
	v4 =	vld [tilespmem:s23+$0x8400]  }
0x1da: {  	[tilespmem:s23+$0x14000] =	vst v2;
	v2 =	vadd.f32 v7, v6;
	v6 =	vld [tilespmem:s23+$0x1C400]  }
0x1db: {  	v7 =	vld [tilespmem:s23+$0x8410];
	v5 =	vadd.f32 v11, v61;
	[tilespmem:s23+$0x14010] =	vst v0  }
0x1dc: {  	v0 =	vadd.f32 v60, v8;
	[tilespmem:s23+$0x14020] =	vst v2;
	v8 =	vld [tilespmem:s23+$0x1C410]  }
0x1dd: {  	v62 =	vadd.f32 v15, v14;
	v2 =	vld [tilespmem:s23+$0x8420];
	[tilespmem:s23+$0x14040] =	vst v5  }
0x1de: {  	v5 =	vld [tilespmem:s23+$0x1C420];
	[tilespmem:s23+$0x14030] =	vst v0;
	v0 =	vadd.f32 v13, v12  }
0x1df: {  	[tilespmem:s23+$0x14060] =	vst v62;
	v1 =	vadd.f32 v3, v1;
	v3 =	vld [tilespmem:s23+$0x1C430]  }
0x1e0: {  	v4 =	vadd.f32 v6, v4;
	[tilespmem:s23+$0x14050] =	vst v0;
	v0 =	vld [tilespmem:s23+$0x8430]  }
0x1e1: {  	[tilespmem:s23+$0x14070] =	vst v1;
	v1 =	vld [tilespmem:s23+$0x8440];
	v6 =	vadd.f32 v8, v7  }
0x1e2: {  	s26 =	simm.s32 $0x0;
	[tilespmem:s23+$0x14400] =	vst v4;
	v4 =	vld [tilespmem:s23+$0x1C440]  }
.LBB2_12:
0x1e3: {  	s25 =	sadd.s32 $0x100, s25;
	[tilespmem:s23+$0x14410] =	vst v6;
	v2 =	vadd.f32 v5, v2;
	v5 =	vld [tilespmem:s23+$0x8450];
	s24 =	sadd.s32 $0x800, s24  }
0x1e4: {  	s26 =	sadd.s32 $0x20, s26;
	s28 =	sand.u32 $0x2000, s25;
	s29 =	sand.u32 $0x1800, s24;
	v6 =	vld [tilespmem:s23+$0x1C450]  }
0x1e5: {  	p0 =	slt.u32 s25, $0x3F00;
	s28 =	sor.u32 s28, s29;
	s29 =	sand.u32 $0x380, s26;
	[tilespmem:s23+$0x14420] =	vst v2;
	v0 =	vadd.f32 v3, v0;
	v2 =	vld [tilespmem:s23+$0x8460]  }
0x1e6: {  	s28 =	sor.u32 s29, s28;
	v3 =	vld [tilespmem:s23+$0x1C460]  }
0x1e7: {  	v7 =	vld [tilespmem:s28+$0x8470];
	[tilespmem:s23+$0x14430] =	vst v0;
	v0 =	vadd.f32 v4, v1  }
0x1e8: {  	v1 =	vld [tilespmem:s28+$0x1C470]  }
0x1e9: {  	v4 =	vld [tilespmem:s28+$0x8000];
	[tilespmem:s23+$0x14440] =	vst v0;
	v0 =	vadd.f32 v6, v5  }
0x1ea: {  	v5 =	vld [tilespmem:s28+$0x1C000]  }
0x1eb: {  	v6 =	vld [tilespmem:s28+$0x8010];
	[tilespmem:s23+$0x14450] =	vst v0;
	v0 =	vadd.f32 v3, v2  }
0x1ec: {  	v2 =	vld [tilespmem:s28+$0x1C010]  }
0x1ed: {  	v3 =	vld [tilespmem:s28+$0x8020];
	v1 =	vadd.f32 v1, v7;
	[tilespmem:s23+$0x14460] =	vst v0;
	s23 =	smov.u32 s28  }
0x1ee: {  	v0 =	vld [tilespmem:s23+$0x1C020]  }
0x1ef: {  	v4 =	vadd.f32 v5, v4;
	v5 =	vld [tilespmem:s23+$0x8030];
	[tilespmem:s23+$0x14470] =	vst v1  }
0x1f0: {  	v1 =	vld [tilespmem:s23+$0x1C030]  }
0x1f1: {  	[tilespmem:s23+$0x14000] =	vst v4;
	v2 =	vadd.f32 v2, v6;
	v4 =	vld [tilespmem:s23+$0x8040]  }
0x1f2: {  	v6 =	vld [tilespmem:s23+$0x1C040]  }
0x1f3: {  	[tilespmem:s23+$0x14010] =	vst v2;
	v0 =	vadd.f32 v0, v3;
	v2 =	vld [tilespmem:s23+$0x8050]  }
0x1f4: {  	v3 =	vld [tilespmem:s23+$0x1C050]  }
0x1f5: {  	[tilespmem:s23+$0x14020] =	vst v0;
	v0 =	vadd.f32 v1, v5;
	v1 =	vld [tilespmem:s23+$0x8060]  }
0x1f6: {  	v5 =	vld [tilespmem:s23+$0x1C060]  }
0x1f7: {  	[tilespmem:s23+$0x14030] =	vst v0;
	v0 =	vadd.f32 v6, v4;
	v4 =	vld [tilespmem:s23+$0x8070]  }
0x1f8: {  	v6 =	vld [tilespmem:s23+$0x1C070]  }
0x1f9: {  	[tilespmem:s23+$0x14040] =	vst v0;
	v0 =	vadd.f32 v3, v2;
	v3 =	vld [tilespmem:s23+$0x8400]  }
0x1fa: {  	v7 =	vld [tilespmem:s23+$0x1C400]  }
0x1fb: {  	[tilespmem:s23+$0x14050] =	vst v0;
	v0 =	vadd.f32 v5, v1;
	v1 =	vld [tilespmem:s23+$0x8410]  }
0x1fc: {  	v8 =	vld [tilespmem:s23+$0x1C410]  }
0x1fd: {  	[tilespmem:s23+$0x14060] =	vst v0;
	v0 =	vadd.f32 v6, v4;
	v2 =	vld [tilespmem:s23+$0x8420]  }
.Ltmp5:
0x1fe: {  	v5 =	vld [tilespmem:s23+$0x1C420];
	(pc) =	sbr.rel @p0 .LBB2_12-.Ltmp5, $4  }
0x1ff: {  	[tilespmem:s23+$0x14070] =	vst v0;
	v4 =	vadd.f32 v7, v3;
	v0 =	vld [tilespmem:s23+$0x8430]  }
0x200: {  	v3 =	vld [tilespmem:s23+$0x1C430]  }
0x201: {  	[tilespmem:s23+$0x14400] =	vst v4;
	v6 =	vadd.f32 v8, v1;
	v1 =	vld [tilespmem:s23+$0x8440]  }
0x202: {  	v4 =	vld [tilespmem:s23+$0x1C440]  }
0x203: {  	v7 =	vld [tilespmem:s23+$0x8450]  }
0x204: {  	v8 =	vld [tilespmem:s23+$0x1C450]  }
0x205: {  	v9 =	vld [tilespmem:s23+$0x8460]  }
0x206: {  	v10 =	vld [tilespmem:s23+$0x1C460]  }
0x207: {  	v2 =	vadd.f32 v5, v2  }
0x208: {  	[tilespmem:s23+$0x14410] =	vst v6;
	v0 =	vadd.f32 v3, v0  }
0x209: {  	[tilespmem:s23+$0x14420] =	vst v2;
	v1 =	vadd.f32 v4, v1  }
0x20a: {  	[tilespmem:s23+$0x14430] =	vst v0;
	v0 =	vadd.f32 v8, v7  }
0x20b: {  	[tilespmem:s23+$0x14440] =	vst v1;
	v1 =	vadd.f32 v10, v9  }
0x20c: {  	[tilespmem:s23+$0x14450] =	vst v0  }
0x20d: {  	[tilespmem:s23+$0x14460] =	vst v1  }
0x20e: {  	s24 =	simm.s32 $0x0;
	s23 =	rddreg [dreg:$0x12]  }
0x20f: {  	[hbm4b:s23+s24] =	stream.linear.scatter [tilespmem:s17], [sflag:$0x6], $0x4000, $0x38;
	v63 =	vld [tilespmem:$0x0]  }
0x210: {  	s26 =	rddreg [dreg:$0x16]  }
0x211: {  	[tilespmem:s10], [sflag:$0x3] =	stream.linear.gather [hbm4b:s26+s24], $0x4000, $0x38;
	v63 =	vld [tilespmem:$0x0]  }
0x212: {  	_ =	swait.ge [sflag:s12], $0x4000  }
0x213: {  	[sflag:s12] =	ssyncset.done $0x0  }
0x214: {  	s25 =	simm.s32 $0x0;
	[sflag:s12] =	ssyncadd.s32 $0xFFFFC000  }
0x215: {  	s28 =	sand.u32 $0x2000, s25;
	s26 =	sand.u32 $0x1800, s24;
	_ =	swait.ge [sflag:s18], $0x4000  }
0x216: {  	s29 =	sand.u32 $0x380, s24;
	s23 =	sor.u32 s28, s26;
	[sflag:s18] =	ssyncset.done $0x0  }
0x217: {  	s23 =	sor.u32 s29, s23;
	[sflag:s18] =	ssyncadd.s32 $0xFFFFC000  }
0x218: {  	v0 =	vld [tilespmem:s23+$0x470]  }
0x219: {  	v1 =	vld [tilespmem:s23+$0x1C470]  }
0x21a: {  	v2 =	vld [tilespmem:s23+$0x0]  }
0x21b: {  	v3 =	vld [tilespmem:s23+$0x1C000]  }
0x21c: {  	v4 =	vld [tilespmem:s23+$0x10]  }
0x21d: {  	v5 =	vld [tilespmem:s23+$0x1C010]  }
0x21e: {  	v6 =	vld [tilespmem:s23+$0x20]  }
0x21f: {  	v7 =	vld [tilespmem:s23+$0x1C020]  }
0x220: {  	v8 =	vld [tilespmem:s23+$0x30]  }
0x221: {  	v60 =	vld [tilespmem:s23+$0x1C030]  }
0x222: {  	v61 =	vld [tilespmem:s23+$0x40]  }
0x223: {  	v11 =	vld [tilespmem:s23+$0x1C040]  }
0x224: {  	v12 =	vld [tilespmem:s23+$0x50]  }
0x225: {  	v13 =	vld [tilespmem:s23+$0x1C050]  }
0x226: {  	v14 =	vld [tilespmem:s23+$0x60]  }
0x227: {  	v15 =	vld [tilespmem:s23+$0x1C060]  }
0x228: {  	v0 =	vadd.f32 v1, v0;
	v1 =	vld [tilespmem:s23+$0x70]  }
0x229: {  	v2 =	vadd.f32 v3, v2;
	v3 =	vld [tilespmem:s23+$0x1C070]  }
0x22a: {  	[tilespmem:s23+$0xC470] =	vst v0;
	v0 =	vadd.f32 v5, v4;
	v4 =	vld [tilespmem:s23+$0x400]  }
0x22b: {  	[tilespmem:s23+$0xC000] =	vst v2;
	v2 =	vadd.f32 v7, v6;
	v6 =	vld [tilespmem:s23+$0x1C400]  }
0x22c: {  	v7 =	vld [tilespmem:s23+$0x410];
	v5 =	vadd.f32 v11, v61;
	[tilespmem:s23+$0xC010] =	vst v0  }
0x22d: {  	v0 =	vadd.f32 v60, v8;
	[tilespmem:s23+$0xC020] =	vst v2;
	v8 =	vld [tilespmem:s23+$0x1C410]  }
0x22e: {  	v62 =	vadd.f32 v15, v14;
	v2 =	vld [tilespmem:s23+$0x420];
	[tilespmem:s23+$0xC040] =	vst v5  }
0x22f: {  	v5 =	vld [tilespmem:s23+$0x1C420];
	[tilespmem:s23+$0xC030] =	vst v0;
	v0 =	vadd.f32 v13, v12  }
0x230: {  	[tilespmem:s23+$0xC060] =	vst v62;
	v1 =	vadd.f32 v3, v1;
	v3 =	vld [tilespmem:s23+$0x1C430]  }
0x231: {  	v4 =	vadd.f32 v6, v4;
	[tilespmem:s23+$0xC050] =	vst v0;
	v0 =	vld [tilespmem:s23+$0x430]  }
0x232: {  	[tilespmem:s23+$0xC070] =	vst v1;
	v1 =	vld [tilespmem:s23+$0x440];
	v6 =	vadd.f32 v8, v7  }
0x233: {  	s26 =	simm.s32 $0x0;
	[tilespmem:s23+$0xC400] =	vst v4;
	v4 =	vld [tilespmem:s23+$0x1C440]  }
.LBB2_14:
0x234: {  	s25 =	sadd.s32 $0x100, s25;
	[tilespmem:s23+$0xC410] =	vst v6;
	v2 =	vadd.f32 v5, v2;
	v5 =	vld [tilespmem:s23+$0x450];
	s24 =	sadd.s32 $0x800, s24  }
0x235: {  	s26 =	sadd.s32 $0x20, s26;
	s28 =	sand.u32 $0x2000, s25;
	s29 =	sand.u32 $0x1800, s24;
	v6 =	vld [tilespmem:s23+$0x1C450]  }
0x236: {  	p0 =	slt.u32 s25, $0x3F00;
	s28 =	sor.u32 s28, s29;
	s29 =	sand.u32 $0x380, s26;
	[tilespmem:s23+$0xC420] =	vst v2;
	v0 =	vadd.f32 v3, v0;
	v2 =	vld [tilespmem:s23+$0x460]  }
0x237: {  	s28 =	sor.u32 s29, s28;
	v3 =	vld [tilespmem:s23+$0x1C460]  }
0x238: {  	v7 =	vld [tilespmem:s28+$0x470];
	[tilespmem:s23+$0xC430] =	vst v0;
	v0 =	vadd.f32 v4, v1  }
0x239: {  	v1 =	vld [tilespmem:s28+$0x1C470]  }
0x23a: {  	v4 =	vld [tilespmem:s28+$0x0];
	[tilespmem:s23+$0xC440] =	vst v0;
	v0 =	vadd.f32 v6, v5  }
0x23b: {  	v5 =	vld [tilespmem:s28+$0x1C000]  }
0x23c: {  	v6 =	vld [tilespmem:s28+$0x10];
	[tilespmem:s23+$0xC450] =	vst v0;
	v0 =	vadd.f32 v3, v2  }
0x23d: {  	v2 =	vld [tilespmem:s28+$0x1C010]  }
0x23e: {  	v3 =	vld [tilespmem:s28+$0x20];
	v1 =	vadd.f32 v1, v7;
	[tilespmem:s23+$0xC460] =	vst v0;
	s23 =	smov.u32 s28  }
0x23f: {  	v0 =	vld [tilespmem:s23+$0x1C020]  }
0x240: {  	v4 =	vadd.f32 v5, v4;
	v5 =	vld [tilespmem:s23+$0x30];
	[tilespmem:s23+$0xC470] =	vst v1  }
0x241: {  	v1 =	vld [tilespmem:s23+$0x1C030]  }
0x242: {  	[tilespmem:s23+$0xC000] =	vst v4;
	v2 =	vadd.f32 v2, v6;
	v4 =	vld [tilespmem:s23+$0x40]  }
0x243: {  	v6 =	vld [tilespmem:s23+$0x1C040]  }
0x244: {  	[tilespmem:s23+$0xC010] =	vst v2;
	v0 =	vadd.f32 v0, v3;
	v2 =	vld [tilespmem:s23+$0x50]  }
0x245: {  	v3 =	vld [tilespmem:s23+$0x1C050]  }
0x246: {  	[tilespmem:s23+$0xC020] =	vst v0;
	v0 =	vadd.f32 v1, v5;
	v1 =	vld [tilespmem:s23+$0x60]  }
0x247: {  	v5 =	vld [tilespmem:s23+$0x1C060]  }
0x248: {  	[tilespmem:s23+$0xC030] =	vst v0;
	v0 =	vadd.f32 v6, v4;
	v4 =	vld [tilespmem:s23+$0x70]  }
0x249: {  	v6 =	vld [tilespmem:s23+$0x1C070]  }
0x24a: {  	[tilespmem:s23+$0xC040] =	vst v0;
	v0 =	vadd.f32 v3, v2;
	v3 =	vld [tilespmem:s23+$0x400]  }
0x24b: {  	v7 =	vld [tilespmem:s23+$0x1C400]  }
0x24c: {  	[tilespmem:s23+$0xC050] =	vst v0;
	v0 =	vadd.f32 v5, v1;
	v1 =	vld [tilespmem:s23+$0x410]  }
0x24d: {  	v8 =	vld [tilespmem:s23+$0x1C410]  }
0x24e: {  	[tilespmem:s23+$0xC060] =	vst v0;
	v0 =	vadd.f32 v6, v4;
	v2 =	vld [tilespmem:s23+$0x420]  }
.Ltmp6:
0x24f: {  	v5 =	vld [tilespmem:s23+$0x1C420];
	(pc) =	sbr.rel @p0 .LBB2_14-.Ltmp6, $4  }
0x250: {  	[tilespmem:s23+$0xC070] =	vst v0;
	v4 =	vadd.f32 v7, v3;
	v0 =	vld [tilespmem:s23+$0x430]  }
0x251: {  	v3 =	vld [tilespmem:s23+$0x1C430]  }
0x252: {  	[tilespmem:s23+$0xC400] =	vst v4;
	v6 =	vadd.f32 v8, v1;
	v1 =	vld [tilespmem:s23+$0x440]  }
0x253: {  	v4 =	vld [tilespmem:s23+$0x1C440]  }
0x254: {  	v7 =	vld [tilespmem:s23+$0x450]  }
0x255: {  	v8 =	vld [tilespmem:s23+$0x1C450]  }
0x256: {  	v9 =	vld [tilespmem:s23+$0x460]  }
0x257: {  	v10 =	vld [tilespmem:s23+$0x1C460]  }
0x258: {  	v2 =	vadd.f32 v5, v2  }
0x259: {  	[tilespmem:s23+$0xC410] =	vst v6;
	v0 =	vadd.f32 v3, v0  }
0x25a: {  	[tilespmem:s23+$0xC420] =	vst v2;
	v1 =	vadd.f32 v4, v1  }
0x25b: {  	[tilespmem:s23+$0xC430] =	vst v0;
	v0 =	vadd.f32 v8, v7  }
0x25c: {  	[tilespmem:s23+$0xC440] =	vst v1;
	v1 =	vadd.f32 v10, v9  }
0x25d: {  	[tilespmem:s23+$0xC450] =	vst v0  }
0x25e: {  	[tilespmem:s23+$0xC460] =	vst v1  }
0x25f: {  	s24 =	simm.s32 $0x0;
	s23 =	rddreg [dreg:$0x13]  }
0x260: {  	[hbm4b:s23+s24] =	stream.linear.scatter [tilespmem:s13], [sflag:$0x4], $0x4000, $0x38;
	v63 =	vld [tilespmem:$0x0]  }
0x261: {  	s26 =	rddreg [dreg:$0x18]  }
0x262: {  	[tilespmem:s24], [sflag:$0x1] =	stream.linear.gather [hbm4b:s26+s24], $0x4000, $0x38;
	v63 =	vld [tilespmem:$0x0]  }
0x263: {  	_ =	swait.ge [sflag:s14], $0x4000  }
0x264: {  	[sflag:s14] =	ssyncset.done $0x0  }
0x265: {  	s25 =	simm.s32 $0x0;
	[sflag:s14] =	ssyncadd.s32 $0xFFFFC000  }
0x266: {  	s28 =	sand.u32 $0x2000, s25;
	s26 =	sand.u32 $0x1800, s24;
	_ =	swait.ge [sflag:s20], $0x4000  }
0x267: {  	s29 =	sand.u32 $0x380, s24;
	s23 =	sor.u32 s28, s26;
	[sflag:s20] =	ssyncset.done $0x0  }
0x268: {  	s23 =	sor.u32 s29, s23;
	[sflag:s20] =	ssyncadd.s32 $0xFFFFC000  }
0x269: {  	v0 =	vld [tilespmem:s23+$0x4470]  }
0x26a: {  	v1 =	vld [tilespmem:s23+$0x1C470]  }
0x26b: {  	v2 =	vld [tilespmem:s23+$0x4000]  }
0x26c: {  	v3 =	vld [tilespmem:s23+$0x1C000]  }
0x26d: {  	v4 =	vld [tilespmem:s23+$0x4010]  }
0x26e: {  	v5 =	vld [tilespmem:s23+$0x1C010]  }
0x26f: {  	v6 =	vld [tilespmem:s23+$0x4020]  }
0x270: {  	v7 =	vld [tilespmem:s23+$0x1C020]  }
0x271: {  	v8 =	vld [tilespmem:s23+$0x4030]  }
0x272: {  	v60 =	vld [tilespmem:s23+$0x1C030]  }
0x273: {  	v61 =	vld [tilespmem:s23+$0x4040]  }
0x274: {  	v11 =	vld [tilespmem:s23+$0x1C040]  }
0x275: {  	v12 =	vld [tilespmem:s23+$0x4050]  }
0x276: {  	v13 =	vld [tilespmem:s23+$0x1C050]  }
0x277: {  	v14 =	vld [tilespmem:s23+$0x4060]  }
0x278: {  	v15 =	vld [tilespmem:s23+$0x1C060]  }
0x279: {  	v0 =	vadd.f32 v1, v0;
	v1 =	vld [tilespmem:s23+$0x4070]  }
0x27a: {  	v2 =	vadd.f32 v3, v2;
	v3 =	vld [tilespmem:s23+$0x1C070]  }
0x27b: {  	[tilespmem:s23+$0x10470] =	vst v0;
	v0 =	vadd.f32 v5, v4;
	v4 =	vld [tilespmem:s23+$0x4400]  }
0x27c: {  	[tilespmem:s23+$0x10000] =	vst v2;
	v2 =	vadd.f32 v7, v6;
	v6 =	vld [tilespmem:s23+$0x1C400]  }
0x27d: {  	v7 =	vld [tilespmem:s23+$0x4410];
	v5 =	vadd.f32 v11, v61;
	[tilespmem:s23+$0x10010] =	vst v0  }
0x27e: {  	v0 =	vadd.f32 v60, v8;
	[tilespmem:s23+$0x10020] =	vst v2;
	v8 =	vld [tilespmem:s23+$0x1C410]  }
0x27f: {  	v62 =	vadd.f32 v15, v14;
	v2 =	vld [tilespmem:s23+$0x4420];
	[tilespmem:s23+$0x10040] =	vst v5  }
0x280: {  	v5 =	vld [tilespmem:s23+$0x1C420];
	[tilespmem:s23+$0x10030] =	vst v0;
	v0 =	vadd.f32 v13, v12  }
0x281: {  	[tilespmem:s23+$0x10060] =	vst v62;
	v1 =	vadd.f32 v3, v1;
	v3 =	vld [tilespmem:s23+$0x1C430]  }
0x282: {  	v4 =	vadd.f32 v6, v4;
	[tilespmem:s23+$0x10050] =	vst v0;
	v0 =	vld [tilespmem:s23+$0x4430]  }
0x283: {  	[tilespmem:s23+$0x10070] =	vst v1;
	v1 =	vld [tilespmem:s23+$0x4440];
	v6 =	vadd.f32 v8, v7  }
0x284: {  	s26 =	simm.s32 $0x0;
	[tilespmem:s23+$0x10400] =	vst v4;
	v4 =	vld [tilespmem:s23+$0x1C440]  }
.LBB2_16:
0x285: {  	s25 =	sadd.s32 $0x100, s25;
	[tilespmem:s23+$0x10410] =	vst v6;
	v2 =	vadd.f32 v5, v2;
	v5 =	vld [tilespmem:s23+$0x4450];
	s24 =	sadd.s32 $0x800, s24  }
0x286: {  	s26 =	sadd.s32 $0x20, s26;
	s28 =	sand.u32 $0x2000, s25;
	s29 =	sand.u32 $0x1800, s24;
	v6 =	vld [tilespmem:s23+$0x1C450]  }
0x287: {  	p0 =	slt.u32 s25, $0x3F00;
	s28 =	sor.u32 s28, s29;
	s29 =	sand.u32 $0x380, s26;
	[tilespmem:s23+$0x10420] =	vst v2;
	v0 =	vadd.f32 v3, v0;
	v2 =	vld [tilespmem:s23+$0x4460]  }
0x288: {  	s28 =	sor.u32 s29, s28;
	v3 =	vld [tilespmem:s23+$0x1C460]  }
0x289: {  	v7 =	vld [tilespmem:s28+$0x4470];
	[tilespmem:s23+$0x10430] =	vst v0;
	v0 =	vadd.f32 v4, v1  }
0x28a: {  	v1 =	vld [tilespmem:s28+$0x1C470]  }
0x28b: {  	v4 =	vld [tilespmem:s28+$0x4000];
	[tilespmem:s23+$0x10440] =	vst v0;
	v0 =	vadd.f32 v6, v5  }
0x28c: {  	v5 =	vld [tilespmem:s28+$0x1C000]  }
0x28d: {  	v6 =	vld [tilespmem:s28+$0x4010];
	[tilespmem:s23+$0x10450] =	vst v0;
	v0 =	vadd.f32 v3, v2  }
0x28e: {  	v2 =	vld [tilespmem:s28+$0x1C010]  }
0x28f: {  	v3 =	vld [tilespmem:s28+$0x4020];
	v1 =	vadd.f32 v1, v7;
	[tilespmem:s23+$0x10460] =	vst v0;
	s23 =	smov.u32 s28  }
0x290: {  	v0 =	vld [tilespmem:s23+$0x1C020]  }
0x291: {  	v4 =	vadd.f32 v5, v4;
	v5 =	vld [tilespmem:s23+$0x4030];
	[tilespmem:s23+$0x10470] =	vst v1  }
0x292: {  	v1 =	vld [tilespmem:s23+$0x1C030]  }
0x293: {  	[tilespmem:s23+$0x10000] =	vst v4;
	v2 =	vadd.f32 v2, v6;
	v4 =	vld [tilespmem:s23+$0x4040]  }
0x294: {  	v6 =	vld [tilespmem:s23+$0x1C040]  }
0x295: {  	[tilespmem:s23+$0x10010] =	vst v2;
	v0 =	vadd.f32 v0, v3;
	v2 =	vld [tilespmem:s23+$0x4050]  }
0x296: {  	v3 =	vld [tilespmem:s23+$0x1C050]  }
0x297: {  	[tilespmem:s23+$0x10020] =	vst v0;
	v0 =	vadd.f32 v1, v5;
	v1 =	vld [tilespmem:s23+$0x4060]  }
0x298: {  	v5 =	vld [tilespmem:s23+$0x1C060]  }
0x299: {  	[tilespmem:s23+$0x10030] =	vst v0;
	v0 =	vadd.f32 v6, v4;
	v4 =	vld [tilespmem:s23+$0x4070]  }
0x29a: {  	v6 =	vld [tilespmem:s23+$0x1C070]  }
0x29b: {  	[tilespmem:s23+$0x10040] =	vst v0;
	v0 =	vadd.f32 v3, v2;
	v3 =	vld [tilespmem:s23+$0x4400]  }
0x29c: {  	v7 =	vld [tilespmem:s23+$0x1C400]  }
0x29d: {  	[tilespmem:s23+$0x10050] =	vst v0;
	v0 =	vadd.f32 v5, v1;
	v1 =	vld [tilespmem:s23+$0x4410]  }
0x29e: {  	v8 =	vld [tilespmem:s23+$0x1C410]  }
0x29f: {  	[tilespmem:s23+$0x10060] =	vst v0;
	v0 =	vadd.f32 v6, v4;
	v2 =	vld [tilespmem:s23+$0x4420]  }
.Ltmp7:
0x2a0: {  	v5 =	vld [tilespmem:s23+$0x1C420];
	(pc) =	sbr.rel @p0 .LBB2_16-.Ltmp7, $4  }
0x2a1: {  	[tilespmem:s23+$0x10070] =	vst v0;
	v4 =	vadd.f32 v7, v3;
	v0 =	vld [tilespmem:s23+$0x4430]  }
0x2a2: {  	v3 =	vld [tilespmem:s23+$0x1C430]  }
0x2a3: {  	[tilespmem:s23+$0x10400] =	vst v4;
	v6 =	vadd.f32 v8, v1;
	v1 =	vld [tilespmem:s23+$0x4440]  }
0x2a4: {  	v4 =	vld [tilespmem:s23+$0x1C440]  }
0x2a5: {  	v7 =	vld [tilespmem:s23+$0x4450]  }
0x2a6: {  	v8 =	vld [tilespmem:s23+$0x1C450]  }
0x2a7: {  	v9 =	vld [tilespmem:s23+$0x4460]  }
0x2a8: {  	v10 =	vld [tilespmem:s23+$0x1C460]  }
0x2a9: {  	v2 =	vadd.f32 v5, v2  }
0x2aa: {  	[tilespmem:s23+$0x10410] =	vst v6;
	v0 =	vadd.f32 v3, v0  }
0x2ab: {  	[tilespmem:s23+$0x10420] =	vst v2;
	v1 =	vadd.f32 v4, v1  }
0x2ac: {  	[tilespmem:s23+$0x10430] =	vst v0;
	v0 =	vadd.f32 v8, v7  }
0x2ad: {  	[tilespmem:s23+$0x10440] =	vst v1;
	v1 =	vadd.f32 v10, v9  }
0x2ae: {  	[tilespmem:s23+$0x10450] =	vst v0  }
0x2af: {  	[tilespmem:s23+$0x10460] =	vst v1  }
0x2b0: {  	s23 =	simm.s32 $0x0;
	s24 =	rddreg [dreg:$0x14]  }
0x2b1: {  	[hbm4b:s24+s23] =	stream.linear.scatter [tilespmem:s15], [sflag:$0x5], $0x4000, $0x38;
	v63 =	vld [tilespmem:$0x0]  }
0x2b2: {  	s25 =	rddreg [dreg:$0x1a]  }
0x2b3: {  	[tilespmem:s9], [sflag:$0x2] =	stream.linear.gather [hbm4b:s25+s23], $0x4000, $0x38;
	v63 =	vld [tilespmem:$0x0]  }
0x2b4: {  	_ =	swait.ge [sflag:s11], $0x4000  }
0x2b5: {  	[sflag:s11] =	ssyncset.done $0x0  }
0x2b6: {  	s25 =	simm.s32 $0x1C000;
	s26 =	rddreg [dreg:$0x15];
	[sflag:s11] =	ssyncadd.s32 $0xFFFFC000  }
0x2b7: {  	[tilespmem:s25], [sflag:$0x8] =	stream.linear.gather [hbm4b:s26+s23], $0x4000, $0x38;
	v63 =	vld [tilespmem:$0x0]  }
0x2b8: {  	_ =	swait.ge [sflag:s16], $0x4000  }
0x2b9: {  	[sflag:s16] =	ssyncset.done $0x0  }
0x2ba: {  	s25 =	simm.s32 $0x0;
	[sflag:s16] =	ssyncadd.s32 $0xFFFFC000  }
0x2bb: {  	s26 =	sand.u32 $0x1800, s23;
	s28 =	sand.u32 $0x2000, s25;
	_ =	swait.ge [sflag:s21], $0x4000  }
0x2bc: {  	s29 =	sand.u32 $0x380, s23;
	s24 =	sor.u32 s28, s26;
	[sflag:s21] =	ssyncset.done $0x0  }
0x2bd: {  	s24 =	sor.u32 s29, s24;
	[sflag:s21] =	ssyncadd.s32 $0xFFFFC000  }
0x2be: {  	v0 =	vld [tilespmem:s24+$0x8470]  }
0x2bf: {  	v1 =	vld [tilespmem:s24+$0x18470]  }
0x2c0: {  	v2 =	vld [tilespmem:s24+$0x8000]  }
0x2c1: {  	v3 =	vld [tilespmem:s24+$0x18000]  }
0x2c2: {  	v4 =	vld [tilespmem:s24+$0x8010]  }
0x2c3: {  	v5 =	vld [tilespmem:s24+$0x18010]  }
0x2c4: {  	v6 =	vld [tilespmem:s24+$0x8020]  }
0x2c5: {  	v7 =	vld [tilespmem:s24+$0x18020]  }
0x2c6: {  	v8 =	vld [tilespmem:s24+$0x8030]  }
0x2c7: {  	v60 =	vld [tilespmem:s24+$0x18030]  }
0x2c8: {  	v61 =	vld [tilespmem:s24+$0x8040]  }
0x2c9: {  	v11 =	vld [tilespmem:s24+$0x18040]  }
0x2ca: {  	v12 =	vld [tilespmem:s24+$0x8050]  }
0x2cb: {  	v13 =	vld [tilespmem:s24+$0x18050]  }
0x2cc: {  	v14 =	vld [tilespmem:s24+$0x8060]  }
0x2cd: {  	v15 =	vld [tilespmem:s24+$0x18060]  }
0x2ce: {  	v0 =	vadd.f32 v1, v0;
	v1 =	vld [tilespmem:s24+$0x8070]  }
0x2cf: {  	v2 =	vadd.f32 v3, v2;
	v3 =	vld [tilespmem:s24+$0x18070]  }
0x2d0: {  	[tilespmem:s24+$0x14470] =	vst v0;
	v0 =	vadd.f32 v5, v4;
	v4 =	vld [tilespmem:s24+$0x8400]  }
0x2d1: {  	[tilespmem:s24+$0x14000] =	vst v2;
	v2 =	vadd.f32 v7, v6;
	v6 =	vld [tilespmem:s24+$0x18400]  }
0x2d2: {  	v7 =	vld [tilespmem:s24+$0x8410];
	v5 =	vadd.f32 v11, v61;
	[tilespmem:s24+$0x14010] =	vst v0  }
0x2d3: {  	v0 =	vadd.f32 v60, v8;
	[tilespmem:s24+$0x14020] =	vst v2;
	v8 =	vld [tilespmem:s24+$0x18410]  }
0x2d4: {  	v62 =	vadd.f32 v15, v14;
	v2 =	vld [tilespmem:s24+$0x8420];
	[tilespmem:s24+$0x14040] =	vst v5  }
0x2d5: {  	v5 =	vld [tilespmem:s24+$0x18420];
	[tilespmem:s24+$0x14030] =	vst v0;
	v0 =	vadd.f32 v13, v12  }
0x2d6: {  	[tilespmem:s24+$0x14060] =	vst v62;
	v1 =	vadd.f32 v3, v1;
	v3 =	vld [tilespmem:s24+$0x18430]  }
0x2d7: {  	v4 =	vadd.f32 v6, v4;
	[tilespmem:s24+$0x14050] =	vst v0;
	v0 =	vld [tilespmem:s24+$0x8430]  }
0x2d8: {  	[tilespmem:s24+$0x14070] =	vst v1;
	v1 =	vld [tilespmem:s24+$0x8440];
	v6 =	vadd.f32 v8, v7  }
0x2d9: {  	s26 =	simm.s32 $0x0;
	[tilespmem:s24+$0x14400] =	vst v4;
	v4 =	vld [tilespmem:s24+$0x18440]  }
.LBB2_18:
0x2da: {  	s25 =	sadd.s32 $0x100, s25;
	[tilespmem:s24+$0x14410] =	vst v6;
	v2 =	vadd.f32 v5, v2;
	v5 =	vld [tilespmem:s24+$0x8450];
	s23 =	sadd.s32 $0x800, s23  }
0x2db: {  	s26 =	sadd.s32 $0x20, s26;
	s28 =	sand.u32 $0x2000, s25;
	s29 =	sand.u32 $0x1800, s23;
	v6 =	vld [tilespmem:s24+$0x18450]  }
0x2dc: {  	p0 =	slt.u32 s25, $0x3F00;
	s28 =	sor.u32 s28, s29;
	s29 =	sand.u32 $0x380, s26;
	[tilespmem:s24+$0x14420] =	vst v2;
	v0 =	vadd.f32 v3, v0;
	v2 =	vld [tilespmem:s24+$0x8460]  }
0x2dd: {  	s28 =	sor.u32 s29, s28;
	v3 =	vld [tilespmem:s24+$0x18460]  }
0x2de: {  	v7 =	vld [tilespmem:s28+$0x8470];
	[tilespmem:s24+$0x14430] =	vst v0;
	v0 =	vadd.f32 v4, v1  }
0x2df: {  	v1 =	vld [tilespmem:s28+$0x18470]  }
0x2e0: {  	v4 =	vld [tilespmem:s28+$0x8000];
	[tilespmem:s24+$0x14440] =	vst v0;
	v0 =	vadd.f32 v6, v5  }
0x2e1: {  	v5 =	vld [tilespmem:s28+$0x18000]  }
0x2e2: {  	v6 =	vld [tilespmem:s28+$0x8010];
	[tilespmem:s24+$0x14450] =	vst v0;
	v0 =	vadd.f32 v3, v2  }
0x2e3: {  	v2 =	vld [tilespmem:s28+$0x18010]  }
0x2e4: {  	v3 =	vld [tilespmem:s28+$0x8020];
	v1 =	vadd.f32 v1, v7;
	[tilespmem:s24+$0x14460] =	vst v0;
	s24 =	smov.u32 s28  }
0x2e5: {  	v0 =	vld [tilespmem:s24+$0x18020]  }
0x2e6: {  	v4 =	vadd.f32 v5, v4;
	v5 =	vld [tilespmem:s24+$0x8030];
	[tilespmem:s24+$0x14470] =	vst v1  }
0x2e7: {  	v1 =	vld [tilespmem:s24+$0x18030]  }
0x2e8: {  	[tilespmem:s24+$0x14000] =	vst v4;
	v2 =	vadd.f32 v2, v6;
	v4 =	vld [tilespmem:s24+$0x8040]  }
0x2e9: {  	v6 =	vld [tilespmem:s24+$0x18040]  }
0x2ea: {  	[tilespmem:s24+$0x14010] =	vst v2;
	v0 =	vadd.f32 v0, v3;
	v2 =	vld [tilespmem:s24+$0x8050]  }
0x2eb: {  	v3 =	vld [tilespmem:s24+$0x18050]  }
0x2ec: {  	[tilespmem:s24+$0x14020] =	vst v0;
	v0 =	vadd.f32 v1, v5;
	v1 =	vld [tilespmem:s24+$0x8060]  }
0x2ed: {  	v5 =	vld [tilespmem:s24+$0x18060]  }
0x2ee: {  	[tilespmem:s24+$0x14030] =	vst v0;
	v0 =	vadd.f32 v6, v4;
	v4 =	vld [tilespmem:s24+$0x8070]  }
0x2ef: {  	v6 =	vld [tilespmem:s24+$0x18070]  }
0x2f0: {  	[tilespmem:s24+$0x14040] =	vst v0;
	v0 =	vadd.f32 v3, v2;
	v3 =	vld [tilespmem:s24+$0x8400]  }
0x2f1: {  	v7 =	vld [tilespmem:s24+$0x18400]  }
0x2f2: {  	[tilespmem:s24+$0x14050] =	vst v0;
	v0 =	vadd.f32 v5, v1;
	v1 =	vld [tilespmem:s24+$0x8410]  }
0x2f3: {  	v8 =	vld [tilespmem:s24+$0x18410]  }
0x2f4: {  	[tilespmem:s24+$0x14060] =	vst v0;
	v0 =	vadd.f32 v6, v4;
	v2 =	vld [tilespmem:s24+$0x8420]  }
.Ltmp8:
0x2f5: {  	v5 =	vld [tilespmem:s24+$0x18420];
	(pc) =	sbr.rel @p0 .LBB2_18-.Ltmp8, $4  }
0x2f6: {  	[tilespmem:s24+$0x14070] =	vst v0;
	v4 =	vadd.f32 v7, v3;
	v0 =	vld [tilespmem:s24+$0x8430]  }
0x2f7: {  	v3 =	vld [tilespmem:s24+$0x18430]  }
0x2f8: {  	[tilespmem:s24+$0x14400] =	vst v4;
	v6 =	vadd.f32 v8, v1;
	v1 =	vld [tilespmem:s24+$0x8440]  }
0x2f9: {  	v4 =	vld [tilespmem:s24+$0x18440]  }
0x2fa: {  	v7 =	vld [tilespmem:s24+$0x8450]  }
0x2fb: {  	v8 =	vld [tilespmem:s24+$0x18450]  }
0x2fc: {  	v9 =	vld [tilespmem:s24+$0x8460]  }
0x2fd: {  	v10 =	vld [tilespmem:s24+$0x18460]  }
0x2fe: {  	v2 =	vadd.f32 v5, v2  }
0x2ff: {  	[tilespmem:s24+$0x14410] =	vst v6;
	v0 =	vadd.f32 v3, v0  }
0x300: {  	[tilespmem:s24+$0x14420] =	vst v2;
	v1 =	vadd.f32 v4, v1  }
0x301: {  	[tilespmem:s24+$0x14430] =	vst v0;
	v0 =	vadd.f32 v8, v7  }
0x302: {  	[tilespmem:s24+$0x14440] =	vst v1;
	v1 =	vadd.f32 v10, v9  }
0x303: {  	[tilespmem:s24+$0x14450] =	vst v0  }
0x304: {  	[tilespmem:s24+$0x14460] =	vst v1  }
0x305: {  	s24 =	simm.s32 $0x0;
	s23 =	rddreg [dreg:$0x17]  }
0x306: {  	[hbm4b:s23+s24] =	stream.linear.scatter [tilespmem:s17], [sflag:$0x6], $0x4000, $0x38;
	v63 =	vld [tilespmem:$0x0]  }
0x307: {  	s26 =	rddreg [dreg:$0x1c]  }
0x308: {  	[tilespmem:s10], [sflag:$0x3] =	stream.linear.gather [hbm4b:s26+s24], $0x4000, $0x38;
	v63 =	vld [tilespmem:$0x0]  }
0x309: {  	_ =	swait.ge [sflag:s12], $0x4000  }
0x30a: {  	[sflag:s12] =	ssyncset.done $0x0  }
0x30b: {  	s25 =	simm.s32 $0x0;
	[sflag:s12] =	ssyncadd.s32 $0xFFFFC000  }
0x30c: {  	s28 =	sand.u32 $0x2000, s25;
	s26 =	sand.u32 $0x1800, s24;
	_ =	swait.ge [sflag:s18], $0x4000  }
0x30d: {  	s29 =	sand.u32 $0x380, s24;
	s23 =	sor.u32 s28, s26;
	[sflag:s18] =	ssyncset.done $0x0  }
0x30e: {  	s23 =	sor.u32 s29, s23;
	[sflag:s18] =	ssyncadd.s32 $0xFFFFC000  }
0x30f: {  	v0 =	vld [tilespmem:s23+$0x470]  }
0x310: {  	v1 =	vld [tilespmem:s23+$0x18470]  }
0x311: {  	v2 =	vld [tilespmem:s23+$0x0]  }
0x312: {  	v3 =	vld [tilespmem:s23+$0x18000]  }
0x313: {  	v4 =	vld [tilespmem:s23+$0x10]  }
0x314: {  	v5 =	vld [tilespmem:s23+$0x18010]  }
0x315: {  	v6 =	vld [tilespmem:s23+$0x20]  }
0x316: {  	v7 =	vld [tilespmem:s23+$0x18020]  }
0x317: {  	v8 =	vld [tilespmem:s23+$0x30]  }
0x318: {  	v60 =	vld [tilespmem:s23+$0x18030]  }
0x319: {  	v61 =	vld [tilespmem:s23+$0x40]  }
0x31a: {  	v11 =	vld [tilespmem:s23+$0x18040]  }
0x31b: {  	v12 =	vld [tilespmem:s23+$0x50]  }
0x31c: {  	v13 =	vld [tilespmem:s23+$0x18050]  }
0x31d: {  	v14 =	vld [tilespmem:s23+$0x60]  }
0x31e: {  	v15 =	vld [tilespmem:s23+$0x18060]  }
0x31f: {  	v0 =	vadd.f32 v1, v0;
	v1 =	vld [tilespmem:s23+$0x70]  }
0x320: {  	v2 =	vadd.f32 v3, v2;
	v3 =	vld [tilespmem:s23+$0x18070]  }
0x321: {  	[tilespmem:s23+$0xC470] =	vst v0;
	v0 =	vadd.f32 v5, v4;
	v4 =	vld [tilespmem:s23+$0x400]  }
0x322: {  	[tilespmem:s23+$0xC000] =	vst v2;
	v2 =	vadd.f32 v7, v6;
	v6 =	vld [tilespmem:s23+$0x18400]  }
0x323: {  	v7 =	vld [tilespmem:s23+$0x410];
	v5 =	vadd.f32 v11, v61;
	[tilespmem:s23+$0xC010] =	vst v0  }
0x324: {  	v0 =	vadd.f32 v60, v8;
	[tilespmem:s23+$0xC020] =	vst v2;
	v8 =	vld [tilespmem:s23+$0x18410]  }
0x325: {  	v62 =	vadd.f32 v15, v14;
	v2 =	vld [tilespmem:s23+$0x420];
	[tilespmem:s23+$0xC040] =	vst v5  }
0x326: {  	v5 =	vld [tilespmem:s23+$0x18420];
	[tilespmem:s23+$0xC030] =	vst v0;
	v0 =	vadd.f32 v13, v12  }
0x327: {  	[tilespmem:s23+$0xC060] =	vst v62;
	v1 =	vadd.f32 v3, v1;
	v3 =	vld [tilespmem:s23+$0x18430]  }
0x328: {  	v4 =	vadd.f32 v6, v4;
	[tilespmem:s23+$0xC050] =	vst v0;
	v0 =	vld [tilespmem:s23+$0x430]  }
0x329: {  	[tilespmem:s23+$0xC070] =	vst v1;
	v1 =	vld [tilespmem:s23+$0x440];
	v6 =	vadd.f32 v8, v7  }
0x32a: {  	s26 =	simm.s32 $0x0;
	[tilespmem:s23+$0xC400] =	vst v4;
	v4 =	vld [tilespmem:s23+$0x18440]  }
.LBB2_20:
0x32b: {  	s25 =	sadd.s32 $0x100, s25;
	[tilespmem:s23+$0xC410] =	vst v6;
	v2 =	vadd.f32 v5, v2;
	v5 =	vld [tilespmem:s23+$0x450];
	s24 =	sadd.s32 $0x800, s24  }
0x32c: {  	s26 =	sadd.s32 $0x20, s26;
	s28 =	sand.u32 $0x2000, s25;
	s29 =	sand.u32 $0x1800, s24;
	v6 =	vld [tilespmem:s23+$0x18450]  }
0x32d: {  	p0 =	slt.u32 s25, $0x3F00;
	s28 =	sor.u32 s28, s29;
	s29 =	sand.u32 $0x380, s26;
	[tilespmem:s23+$0xC420] =	vst v2;
	v0 =	vadd.f32 v3, v0;
	v2 =	vld [tilespmem:s23+$0x460]  }
0x32e: {  	s28 =	sor.u32 s29, s28;
	v3 =	vld [tilespmem:s23+$0x18460]  }
0x32f: {  	v7 =	vld [tilespmem:s28+$0x470];
	[tilespmem:s23+$0xC430] =	vst v0;
	v0 =	vadd.f32 v4, v1  }
0x330: {  	v1 =	vld [tilespmem:s28+$0x18470]  }
0x331: {  	v4 =	vld [tilespmem:s28+$0x0];
	[tilespmem:s23+$0xC440] =	vst v0;
	v0 =	vadd.f32 v6, v5  }
0x332: {  	v5 =	vld [tilespmem:s28+$0x18000]  }
0x333: {  	v6 =	vld [tilespmem:s28+$0x10];
	[tilespmem:s23+$0xC450] =	vst v0;
	v0 =	vadd.f32 v3, v2  }
0x334: {  	v2 =	vld [tilespmem:s28+$0x18010]  }
0x335: {  	v3 =	vld [tilespmem:s28+$0x20];
	v1 =	vadd.f32 v1, v7;
	[tilespmem:s23+$0xC460] =	vst v0;
	s23 =	smov.u32 s28  }
0x336: {  	v0 =	vld [tilespmem:s23+$0x18020]  }
0x337: {  	v4 =	vadd.f32 v5, v4;
	v5 =	vld [tilespmem:s23+$0x30];
	[tilespmem:s23+$0xC470] =	vst v1  }
0x338: {  	v1 =	vld [tilespmem:s23+$0x18030]  }
0x339: {  	[tilespmem:s23+$0xC000] =	vst v4;
	v2 =	vadd.f32 v2, v6;
	v4 =	vld [tilespmem:s23+$0x40]  }
0x33a: {  	v6 =	vld [tilespmem:s23+$0x18040]  }
0x33b: {  	[tilespmem:s23+$0xC010] =	vst v2;
	v0 =	vadd.f32 v0, v3;
	v2 =	vld [tilespmem:s23+$0x50]  }
0x33c: {  	v3 =	vld [tilespmem:s23+$0x18050]  }
0x33d: {  	[tilespmem:s23+$0xC020] =	vst v0;
	v0 =	vadd.f32 v1, v5;
	v1 =	vld [tilespmem:s23+$0x60]  }
0x33e: {  	v5 =	vld [tilespmem:s23+$0x18060]  }
0x33f: {  	[tilespmem:s23+$0xC030] =	vst v0;
	v0 =	vadd.f32 v6, v4;
	v4 =	vld [tilespmem:s23+$0x70]  }
0x340: {  	v6 =	vld [tilespmem:s23+$0x18070]  }
0x341: {  	[tilespmem:s23+$0xC040] =	vst v0;
	v0 =	vadd.f32 v3, v2;
	v3 =	vld [tilespmem:s23+$0x400]  }
0x342: {  	v7 =	vld [tilespmem:s23+$0x18400]  }
0x343: {  	[tilespmem:s23+$0xC050] =	vst v0;
	v0 =	vadd.f32 v5, v1;
	v1 =	vld [tilespmem:s23+$0x410]  }
0x344: {  	v8 =	vld [tilespmem:s23+$0x18410]  }
0x345: {  	[tilespmem:s23+$0xC060] =	vst v0;
	v0 =	vadd.f32 v6, v4;
	v2 =	vld [tilespmem:s23+$0x420]  }
.Ltmp9:
0x346: {  	v5 =	vld [tilespmem:s23+$0x18420];
	(pc) =	sbr.rel @p0 .LBB2_20-.Ltmp9, $4  }
0x347: {  	[tilespmem:s23+$0xC070] =	vst v0;
	v4 =	vadd.f32 v7, v3;
	v0 =	vld [tilespmem:s23+$0x430]  }
0x348: {  	v3 =	vld [tilespmem:s23+$0x18430]  }
0x349: {  	[tilespmem:s23+$0xC400] =	vst v4;
	v6 =	vadd.f32 v8, v1;
	v1 =	vld [tilespmem:s23+$0x440]  }
0x34a: {  	v4 =	vld [tilespmem:s23+$0x18440]  }
0x34b: {  	v7 =	vld [tilespmem:s23+$0x450]  }
0x34c: {  	v8 =	vld [tilespmem:s23+$0x18450]  }
0x34d: {  	v9 =	vld [tilespmem:s23+$0x460]  }
0x34e: {  	v10 =	vld [tilespmem:s23+$0x18460]  }
0x34f: {  	v2 =	vadd.f32 v5, v2  }
0x350: {  	[tilespmem:s23+$0xC410] =	vst v6;
	v0 =	vadd.f32 v3, v0  }
0x351: {  	[tilespmem:s23+$0xC420] =	vst v2;
	v1 =	vadd.f32 v4, v1  }
0x352: {  	[tilespmem:s23+$0xC430] =	vst v0;
	v0 =	vadd.f32 v8, v7  }
0x353: {  	[tilespmem:s23+$0xC440] =	vst v1;
	v1 =	vadd.f32 v10, v9  }
0x354: {  	[tilespmem:s23+$0xC450] =	vst v0  }
0x355: {  	[tilespmem:s23+$0xC460] =	vst v1  }
0x356: {  	s24 =	simm.s32 $0x0;
	s23 =	rddreg [dreg:$0x19]  }
0x357: {  	[hbm4b:s23+s24] =	stream.linear.scatter [tilespmem:s13], [sflag:$0x4], $0x4000, $0x38;
	v63 =	vld [tilespmem:$0x0]  }
0x358: {  	s26 =	rddreg [dreg:$0x1e]  }
0x359: {  	[tilespmem:s24], [sflag:$0x1] =	stream.linear.gather [hbm4b:s26+s24], $0x4000, $0x38;
	v63 =	vld [tilespmem:$0x0]  }
0x35a: {  	_ =	swait.ge [sflag:s14], $0x4000  }
0x35b: {  	[sflag:s14] =	ssyncset.done $0x0  }
0x35c: {  	s25 =	simm.s32 $0x0;
	[sflag:s14] =	ssyncadd.s32 $0xFFFFC000  }
0x35d: {  	s28 =	sand.u32 $0x2000, s25;
	s26 =	sand.u32 $0x1800, s24;
	_ =	swait.ge [sflag:s20], $0x4000  }
0x35e: {  	s29 =	sand.u32 $0x380, s24;
	s23 =	sor.u32 s28, s26;
	[sflag:s20] =	ssyncset.done $0x0  }
0x35f: {  	s23 =	sor.u32 s29, s23;
	[sflag:s20] =	ssyncadd.s32 $0xFFFFC000  }
0x360: {  	v0 =	vld [tilespmem:s23+$0x4470]  }
0x361: {  	v1 =	vld [tilespmem:s23+$0x18470]  }
0x362: {  	v2 =	vld [tilespmem:s23+$0x4000]  }
0x363: {  	v3 =	vld [tilespmem:s23+$0x18000]  }
0x364: {  	v4 =	vld [tilespmem:s23+$0x4010]  }
0x365: {  	v5 =	vld [tilespmem:s23+$0x18010]  }
0x366: {  	v6 =	vld [tilespmem:s23+$0x4020]  }
0x367: {  	v7 =	vld [tilespmem:s23+$0x18020]  }
0x368: {  	v8 =	vld [tilespmem:s23+$0x4030]  }
0x369: {  	v60 =	vld [tilespmem:s23+$0x18030]  }
0x36a: {  	v61 =	vld [tilespmem:s23+$0x4040]  }
0x36b: {  	v11 =	vld [tilespmem:s23+$0x18040]  }
0x36c: {  	v12 =	vld [tilespmem:s23+$0x4050]  }
0x36d: {  	v13 =	vld [tilespmem:s23+$0x18050]  }
0x36e: {  	v14 =	vld [tilespmem:s23+$0x4060]  }
0x36f: {  	v15 =	vld [tilespmem:s23+$0x18060]  }
0x370: {  	v0 =	vadd.f32 v1, v0;
	v1 =	vld [tilespmem:s23+$0x4070]  }
0x371: {  	v2 =	vadd.f32 v3, v2;
	v3 =	vld [tilespmem:s23+$0x18070]  }
0x372: {  	[tilespmem:s23+$0x10470] =	vst v0;
	v0 =	vadd.f32 v5, v4;
	v4 =	vld [tilespmem:s23+$0x4400]  }
0x373: {  	[tilespmem:s23+$0x10000] =	vst v2;
	v2 =	vadd.f32 v7, v6;
	v6 =	vld [tilespmem:s23+$0x18400]  }
0x374: {  	v7 =	vld [tilespmem:s23+$0x4410];
	v5 =	vadd.f32 v11, v61;
	[tilespmem:s23+$0x10010] =	vst v0  }
0x375: {  	v0 =	vadd.f32 v60, v8;
	[tilespmem:s23+$0x10020] =	vst v2;
	v8 =	vld [tilespmem:s23+$0x18410]  }
0x376: {  	v62 =	vadd.f32 v15, v14;
	v2 =	vld [tilespmem:s23+$0x4420];
	[tilespmem:s23+$0x10040] =	vst v5  }
0x377: {  	v5 =	vld [tilespmem:s23+$0x18420];
	[tilespmem:s23+$0x10030] =	vst v0;
	v0 =	vadd.f32 v13, v12  }
0x378: {  	[tilespmem:s23+$0x10060] =	vst v62;
	v1 =	vadd.f32 v3, v1;
	v3 =	vld [tilespmem:s23+$0x18430]  }
0x379: {  	v4 =	vadd.f32 v6, v4;
	[tilespmem:s23+$0x10050] =	vst v0;
	v0 =	vld [tilespmem:s23+$0x4430]  }
0x37a: {  	[tilespmem:s23+$0x10070] =	vst v1;
	v1 =	vld [tilespmem:s23+$0x4440];
	v6 =	vadd.f32 v8, v7  }
0x37b: {  	s26 =	simm.s32 $0x0;
	[tilespmem:s23+$0x10400] =	vst v4;
	v4 =	vld [tilespmem:s23+$0x18440]  }
.LBB2_22:
0x37c: {  	s25 =	sadd.s32 $0x100, s25;
	[tilespmem:s23+$0x10410] =	vst v6;
	v2 =	vadd.f32 v5, v2;
	v5 =	vld [tilespmem:s23+$0x4450];
	s24 =	sadd.s32 $0x800, s24  }
0x37d: {  	s26 =	sadd.s32 $0x20, s26;
	s28 =	sand.u32 $0x2000, s25;
	s29 =	sand.u32 $0x1800, s24;
	v6 =	vld [tilespmem:s23+$0x18450]  }
0x37e: {  	p0 =	slt.u32 s25, $0x3F00;
	s28 =	sor.u32 s28, s29;
	s29 =	sand.u32 $0x380, s26;
	[tilespmem:s23+$0x10420] =	vst v2;
	v0 =	vadd.f32 v3, v0;
	v2 =	vld [tilespmem:s23+$0x4460]  }
0x37f: {  	s28 =	sor.u32 s29, s28;
	v3 =	vld [tilespmem:s23+$0x18460]  }
0x380: {  	v7 =	vld [tilespmem:s28+$0x4470];
	[tilespmem:s23+$0x10430] =	vst v0;
	v0 =	vadd.f32 v4, v1  }
0x381: {  	v1 =	vld [tilespmem:s28+$0x18470]  }
0x382: {  	v4 =	vld [tilespmem:s28+$0x4000];
	[tilespmem:s23+$0x10440] =	vst v0;
	v0 =	vadd.f32 v6, v5  }
0x383: {  	v5 =	vld [tilespmem:s28+$0x18000]  }
0x384: {  	v6 =	vld [tilespmem:s28+$0x4010];
	[tilespmem:s23+$0x10450] =	vst v0;
	v0 =	vadd.f32 v3, v2  }
0x385: {  	v2 =	vld [tilespmem:s28+$0x18010]  }
0x386: {  	v3 =	vld [tilespmem:s28+$0x4020];
	v1 =	vadd.f32 v1, v7;
	[tilespmem:s23+$0x10460] =	vst v0;
	s23 =	smov.u32 s28  }
0x387: {  	v0 =	vld [tilespmem:s23+$0x18020]  }
0x388: {  	v4 =	vadd.f32 v5, v4;
	v5 =	vld [tilespmem:s23+$0x4030];
	[tilespmem:s23+$0x10470] =	vst v1  }
0x389: {  	v1 =	vld [tilespmem:s23+$0x18030]  }
0x38a: {  	[tilespmem:s23+$0x10000] =	vst v4;
	v2 =	vadd.f32 v2, v6;
	v4 =	vld [tilespmem:s23+$0x4040]  }
0x38b: {  	v6 =	vld [tilespmem:s23+$0x18040]  }
0x38c: {  	[tilespmem:s23+$0x10010] =	vst v2;
	v0 =	vadd.f32 v0, v3;
	v2 =	vld [tilespmem:s23+$0x4050]  }
0x38d: {  	v3 =	vld [tilespmem:s23+$0x18050]  }
0x38e: {  	[tilespmem:s23+$0x10020] =	vst v0;
	v0 =	vadd.f32 v1, v5;
	v1 =	vld [tilespmem:s23+$0x4060]  }
0x38f: {  	v5 =	vld [tilespmem:s23+$0x18060]  }
0x390: {  	[tilespmem:s23+$0x10030] =	vst v0;
	v0 =	vadd.f32 v6, v4;
	v4 =	vld [tilespmem:s23+$0x4070]  }
0x391: {  	v6 =	vld [tilespmem:s23+$0x18070]  }
0x392: {  	[tilespmem:s23+$0x10040] =	vst v0;
	v0 =	vadd.f32 v3, v2;
	v3 =	vld [tilespmem:s23+$0x4400]  }
0x393: {  	v7 =	vld [tilespmem:s23+$0x18400]  }
0x394: {  	[tilespmem:s23+$0x10050] =	vst v0;
	v0 =	vadd.f32 v5, v1;
	v1 =	vld [tilespmem:s23+$0x4410]  }
0x395: {  	v8 =	vld [tilespmem:s23+$0x18410]  }
0x396: {  	[tilespmem:s23+$0x10060] =	vst v0;
	v0 =	vadd.f32 v6, v4;
	v2 =	vld [tilespmem:s23+$0x4420]  }
.Ltmp10:
0x397: {  	v5 =	vld [tilespmem:s23+$0x18420];
	(pc) =	sbr.rel @p0 .LBB2_22-.Ltmp10, $4  }
0x398: {  	[tilespmem:s23+$0x10070] =	vst v0;
	v4 =	vadd.f32 v7, v3;
	v0 =	vld [tilespmem:s23+$0x4430]  }
0x399: {  	v3 =	vld [tilespmem:s23+$0x18430]  }
0x39a: {  	[tilespmem:s23+$0x10400] =	vst v4;
	v6 =	vadd.f32 v8, v1;
	v1 =	vld [tilespmem:s23+$0x4440]  }
0x39b: {  	v4 =	vld [tilespmem:s23+$0x18440]  }
0x39c: {  	v7 =	vld [tilespmem:s23+$0x4450]  }
0x39d: {  	v8 =	vld [tilespmem:s23+$0x18450]  }
0x39e: {  	v9 =	vld [tilespmem:s23+$0x4460]  }
0x39f: {  	v10 =	vld [tilespmem:s23+$0x18460]  }
0x3a0: {  	v2 =	vadd.f32 v5, v2  }
0x3a1: {  	[tilespmem:s23+$0x10410] =	vst v6;
	v0 =	vadd.f32 v3, v0  }
0x3a2: {  	[tilespmem:s23+$0x10420] =	vst v2;
	v1 =	vadd.f32 v4, v1  }
0x3a3: {  	[tilespmem:s23+$0x10430] =	vst v0;
	v0 =	vadd.f32 v8, v7  }
0x3a4: {  	[tilespmem:s23+$0x10440] =	vst v1;
	v1 =	vadd.f32 v10, v9  }
0x3a5: {  	[tilespmem:s23+$0x10450] =	vst v0  }
0x3a6: {  	[tilespmem:s23+$0x10460] =	vst v1  }
0x3a7: {  	s24 =	simm.s32 $0x0;
	s23 =	rddreg [dreg:$0x1b]  }
0x3a8: {  	[hbm4b:s23+s24] =	stream.linear.scatter [tilespmem:s15], [sflag:$0x5], $0x4000, $0x38;
	v63 =	vld [tilespmem:$0x0]  }
0x3a9: {  	_ = 	snop  }
0x3aa: {  	[tilespmem:s9], [sflag:$0x2] =	stream.linear.gather [hbm4b:s2+s24], $0x4000, $0x38;
	v63 =	vld [tilespmem:$0x0]  }
0x3ab: {  	_ =	swait.ge [sflag:s16], $0x4000  }
0x3ac: {  	[sflag:s16] =	ssyncset.done $0x0  }
0x3ad: {  	s25 =	simm.s32 $0x0;
	[sflag:s16] =	ssyncadd.s32 $0xFFFFC000  }
0x3ae: {  	s28 =	sand.u32 $0x2000, s25;
	s26 =	sand.u32 $0x1800, s24;
	_ =	swait.ge [sflag:s21], $0x4000  }
0x3af: {  	s29 =	sand.u32 $0x380, s24;
	s23 =	sor.u32 s28, s26;
	[sflag:s21] =	ssyncset.done $0x0  }
0x3b0: {  	s23 =	sor.u32 s29, s23;
	[sflag:s21] =	ssyncadd.s32 $0xFFFFC000  }
0x3b1: {  	v0 =	vld [tilespmem:s23+$0x8470]  }
0x3b2: {  	v1 =	vld [tilespmem:s23+$0x18470]  }
0x3b3: {  	v2 =	vld [tilespmem:s23+$0x8000]  }
0x3b4: {  	v3 =	vld [tilespmem:s23+$0x18000]  }
0x3b5: {  	v4 =	vld [tilespmem:s23+$0x8010]  }
0x3b6: {  	v5 =	vld [tilespmem:s23+$0x18010]  }
0x3b7: {  	v6 =	vld [tilespmem:s23+$0x8020]  }
0x3b8: {  	v7 =	vld [tilespmem:s23+$0x18020]  }
0x3b9: {  	v8 =	vld [tilespmem:s23+$0x8030]  }
0x3ba: {  	v60 =	vld [tilespmem:s23+$0x18030]  }
0x3bb: {  	v61 =	vld [tilespmem:s23+$0x8040]  }
0x3bc: {  	v11 =	vld [tilespmem:s23+$0x18040]  }
0x3bd: {  	v12 =	vld [tilespmem:s23+$0x8050]  }
0x3be: {  	v13 =	vld [tilespmem:s23+$0x18050]  }
0x3bf: {  	v14 =	vld [tilespmem:s23+$0x8060]  }
0x3c0: {  	v15 =	vld [tilespmem:s23+$0x18060]  }
0x3c1: {  	v0 =	vadd.f32 v1, v0;
	v1 =	vld [tilespmem:s23+$0x8070]  }
0x3c2: {  	v2 =	vadd.f32 v3, v2;
	v3 =	vld [tilespmem:s23+$0x18070]  }
0x3c3: {  	[tilespmem:s23+$0x14470] =	vst v0;
	v0 =	vadd.f32 v5, v4;
	v4 =	vld [tilespmem:s23+$0x8400]  }
0x3c4: {  	[tilespmem:s23+$0x14000] =	vst v2;
	v2 =	vadd.f32 v7, v6;
	v6 =	vld [tilespmem:s23+$0x18400]  }
0x3c5: {  	v7 =	vld [tilespmem:s23+$0x8410];
	v5 =	vadd.f32 v11, v61;
	[tilespmem:s23+$0x14010] =	vst v0  }
0x3c6: {  	v0 =	vadd.f32 v60, v8;
	[tilespmem:s23+$0x14020] =	vst v2;
	v8 =	vld [tilespmem:s23+$0x18410]  }
0x3c7: {  	v62 =	vadd.f32 v15, v14;
	v2 =	vld [tilespmem:s23+$0x8420];
	[tilespmem:s23+$0x14040] =	vst v5  }
0x3c8: {  	v5 =	vld [tilespmem:s23+$0x18420];
	[tilespmem:s23+$0x14030] =	vst v0;
	v0 =	vadd.f32 v13, v12  }
0x3c9: {  	[tilespmem:s23+$0x14060] =	vst v62;
	v1 =	vadd.f32 v3, v1;
	v3 =	vld [tilespmem:s23+$0x18430]  }
0x3ca: {  	v4 =	vadd.f32 v6, v4;
	[tilespmem:s23+$0x14050] =	vst v0;
	v0 =	vld [tilespmem:s23+$0x8430]  }
0x3cb: {  	[tilespmem:s23+$0x14070] =	vst v1;
	v1 =	vld [tilespmem:s23+$0x8440];
	v6 =	vadd.f32 v8, v7  }
0x3cc: {  	s26 =	simm.s32 $0x0;
	[tilespmem:s23+$0x14400] =	vst v4;
	v4 =	vld [tilespmem:s23+$0x18440]  }
.LBB2_24:
0x3cd: {  	s25 =	sadd.s32 $0x100, s25;
	[tilespmem:s23+$0x14410] =	vst v6;
	v2 =	vadd.f32 v5, v2;
	v5 =	vld [tilespmem:s23+$0x8450];
	s24 =	sadd.s32 $0x800, s24  }
0x3ce: {  	s26 =	sadd.s32 $0x20, s26;
	s28 =	sand.u32 $0x2000, s25;
	s29 =	sand.u32 $0x1800, s24;
	v6 =	vld [tilespmem:s23+$0x18450]  }
0x3cf: {  	p0 =	slt.u32 s25, $0x3F00;
	s28 =	sor.u32 s28, s29;
	s29 =	sand.u32 $0x380, s26;
	[tilespmem:s23+$0x14420] =	vst v2;
	v0 =	vadd.f32 v3, v0;
	v2 =	vld [tilespmem:s23+$0x8460]  }
0x3d0: {  	s28 =	sor.u32 s29, s28;
	v3 =	vld [tilespmem:s23+$0x18460]  }
0x3d1: {  	v7 =	vld [tilespmem:s28+$0x8470];
	[tilespmem:s23+$0x14430] =	vst v0;
	v0 =	vadd.f32 v4, v1  }
0x3d2: {  	v1 =	vld [tilespmem:s28+$0x18470]  }
0x3d3: {  	v4 =	vld [tilespmem:s28+$0x8000];
	[tilespmem:s23+$0x14440] =	vst v0;
	v0 =	vadd.f32 v6, v5  }
0x3d4: {  	v5 =	vld [tilespmem:s28+$0x18000]  }
0x3d5: {  	v6 =	vld [tilespmem:s28+$0x8010];
	[tilespmem:s23+$0x14450] =	vst v0;
	v0 =	vadd.f32 v3, v2  }
0x3d6: {  	v2 =	vld [tilespmem:s28+$0x18010]  }
0x3d7: {  	v3 =	vld [tilespmem:s28+$0x8020];
	v1 =	vadd.f32 v1, v7;
	[tilespmem:s23+$0x14460] =	vst v0;
	s23 =	smov.u32 s28  }
0x3d8: {  	v0 =	vld [tilespmem:s23+$0x18020]  }
0x3d9: {  	v4 =	vadd.f32 v5, v4;
	v5 =	vld [tilespmem:s23+$0x8030];
	[tilespmem:s23+$0x14470] =	vst v1  }
0x3da: {  	v1 =	vld [tilespmem:s23+$0x18030]  }
0x3db: {  	[tilespmem:s23+$0x14000] =	vst v4;
	v2 =	vadd.f32 v2, v6;
	v4 =	vld [tilespmem:s23+$0x8040]  }
0x3dc: {  	v6 =	vld [tilespmem:s23+$0x18040]  }
0x3dd: {  	[tilespmem:s23+$0x14010] =	vst v2;
	v0 =	vadd.f32 v0, v3;
	v2 =	vld [tilespmem:s23+$0x8050]  }
0x3de: {  	v3 =	vld [tilespmem:s23+$0x18050]  }
0x3df: {  	[tilespmem:s23+$0x14020] =	vst v0;
	v0 =	vadd.f32 v1, v5;
	v1 =	vld [tilespmem:s23+$0x8060]  }
0x3e0: {  	v5 =	vld [tilespmem:s23+$0x18060]  }
0x3e1: {  	[tilespmem:s23+$0x14030] =	vst v0;
	v0 =	vadd.f32 v6, v4;
	v4 =	vld [tilespmem:s23+$0x8070]  }
0x3e2: {  	v6 =	vld [tilespmem:s23+$0x18070]  }
0x3e3: {  	[tilespmem:s23+$0x14040] =	vst v0;
	v0 =	vadd.f32 v3, v2;
	v3 =	vld [tilespmem:s23+$0x8400]  }
0x3e4: {  	v7 =	vld [tilespmem:s23+$0x18400]  }
0x3e5: {  	[tilespmem:s23+$0x14050] =	vst v0;
	v0 =	vadd.f32 v5, v1;
	v1 =	vld [tilespmem:s23+$0x8410]  }
0x3e6: {  	v8 =	vld [tilespmem:s23+$0x18410]  }
0x3e7: {  	[tilespmem:s23+$0x14060] =	vst v0;
	v0 =	vadd.f32 v6, v4;
	v2 =	vld [tilespmem:s23+$0x8420]  }
.Ltmp11:
0x3e8: {  	v5 =	vld [tilespmem:s23+$0x18420];
	(pc) =	sbr.rel @p0 .LBB2_24-.Ltmp11, $4  }
0x3e9: {  	[tilespmem:s23+$0x14070] =	vst v0;
	v4 =	vadd.f32 v7, v3;
	v0 =	vld [tilespmem:s23+$0x8430]  }
0x3ea: {  	v3 =	vld [tilespmem:s23+$0x18430]  }
0x3eb: {  	[tilespmem:s23+$0x14400] =	vst v4;
	v6 =	vadd.f32 v8, v1;
	v1 =	vld [tilespmem:s23+$0x8440]  }
0x3ec: {  	v4 =	vld [tilespmem:s23+$0x18440]  }
0x3ed: {  	v7 =	vld [tilespmem:s23+$0x8450]  }
0x3ee: {  	v8 =	vld [tilespmem:s23+$0x18450]  }
0x3ef: {  	v9 =	vld [tilespmem:s23+$0x8460]  }
0x3f0: {  	v10 =	vld [tilespmem:s23+$0x18460]  }
0x3f1: {  	v2 =	vadd.f32 v5, v2  }
0x3f2: {  	[tilespmem:s23+$0x14410] =	vst v6;
	v0 =	vadd.f32 v3, v0  }
0x3f3: {  	[tilespmem:s23+$0x14420] =	vst v2;
	v1 =	vadd.f32 v4, v1  }
0x3f4: {  	[tilespmem:s23+$0x14430] =	vst v0;
	v0 =	vadd.f32 v8, v7  }
0x3f5: {  	[tilespmem:s23+$0x14440] =	vst v1;
	v1 =	vadd.f32 v10, v9  }
0x3f6: {  	[tilespmem:s23+$0x14450] =	vst v0  }
0x3f7: {  	[tilespmem:s23+$0x14460] =	vst v1  }
0x3f8: {  	s23 =	simm.s32 $0x0;
	s24 =	rddreg [dreg:$0x1d]  }
0x3f9: {  	[hbm4b:s24+s23] =	stream.linear.scatter [tilespmem:s17], [sflag:$0x6], $0x4000, $0x38;
	v63 =	vld [tilespmem:$0x0]  }
0x3fa: {  	_ = 	snop  }
0x3fb: {  	[tilespmem:s10], [sflag:$0x3] =	stream.linear.gather [hbm4b:s3+s23], $0x4000, $0x38;
	v63 =	vld [tilespmem:$0x0]  }
0x3fc: {  	_ =	swait.ge [sflag:s19], $0x4000  }
0x3fd: {  	[sflag:s19] =	ssyncset.done $0x0  }
0x3fe: {  	[sflag:s19] =	ssyncadd.s32 $0xFFFFC000  }
0x3ff: {  	_ =	swait.ge [sflag:s12], $0x4000  }
0x400: {  	[sflag:s12] =	ssyncset.done $0x0  }
0x401: {  	s25 =	simm.s32 $0x0;
	[sflag:s12] =	ssyncadd.s32 $0xFFFFC000  }
0x402: {  	s28 =	sand.u32 $0x2000, s25;
	s26 =	sand.u32 $0x1800, s23;
	_ =	swait.ge [sflag:s18], $0x4000  }
0x403: {  	s29 =	sand.u32 $0x380, s23;
	s24 =	sor.u32 s28, s26;
	[sflag:s18] =	ssyncset.done $0x0  }
0x404: {  	s24 =	sor.u32 s29, s24;
	[sflag:s18] =	ssyncadd.s32 $0xFFFFC000  }
0x405: {  	v0 =	vld [tilespmem:s24+$0x470]  }
0x406: {  	v1 =	vld [tilespmem:s24+$0x1C470]  }
0x407: {  	v2 =	vld [tilespmem:s24+$0x0]  }
0x408: {  	v3 =	vld [tilespmem:s24+$0x1C000]  }
0x409: {  	v4 =	vld [tilespmem:s24+$0x10]  }
0x40a: {  	v5 =	vld [tilespmem:s24+$0x1C010]  }
0x40b: {  	v6 =	vld [tilespmem:s24+$0x20]  }
0x40c: {  	v7 =	vld [tilespmem:s24+$0x1C020]  }
0x40d: {  	v8 =	vld [tilespmem:s24+$0x30]  }
0x40e: {  	v60 =	vld [tilespmem:s24+$0x1C030]  }
0x40f: {  	v61 =	vld [tilespmem:s24+$0x40]  }
0x410: {  	v11 =	vld [tilespmem:s24+$0x1C040]  }
0x411: {  	v12 =	vld [tilespmem:s24+$0x50]  }
0x412: {  	v13 =	vld [tilespmem:s24+$0x1C050]  }
0x413: {  	v14 =	vld [tilespmem:s24+$0x60]  }
0x414: {  	v15 =	vld [tilespmem:s24+$0x1C060]  }
0x415: {  	v0 =	vadd.f32 v1, v0;
	v1 =	vld [tilespmem:s24+$0x70]  }
0x416: {  	v2 =	vadd.f32 v3, v2;
	v3 =	vld [tilespmem:s24+$0x1C070]  }
0x417: {  	[tilespmem:s24+$0xC470] =	vst v0;
	v0 =	vadd.f32 v5, v4;
	v4 =	vld [tilespmem:s24+$0x400]  }
0x418: {  	[tilespmem:s24+$0xC000] =	vst v2;
	v2 =	vadd.f32 v7, v6;
	v6 =	vld [tilespmem:s24+$0x1C400]  }
0x419: {  	v7 =	vld [tilespmem:s24+$0x410];
	v5 =	vadd.f32 v11, v61;
	[tilespmem:s24+$0xC010] =	vst v0  }
0x41a: {  	v0 =	vadd.f32 v60, v8;
	[tilespmem:s24+$0xC020] =	vst v2;
	v8 =	vld [tilespmem:s24+$0x1C410]  }
0x41b: {  	v62 =	vadd.f32 v15, v14;
	v2 =	vld [tilespmem:s24+$0x420];
	[tilespmem:s24+$0xC040] =	vst v5  }
0x41c: {  	v5 =	vld [tilespmem:s24+$0x1C420];
	[tilespmem:s24+$0xC030] =	vst v0;
	v0 =	vadd.f32 v13, v12  }
0x41d: {  	[tilespmem:s24+$0xC060] =	vst v62;
	v1 =	vadd.f32 v3, v1;
	v3 =	vld [tilespmem:s24+$0x1C430]  }
0x41e: {  	v4 =	vadd.f32 v6, v4;
	[tilespmem:s24+$0xC050] =	vst v0;
	v0 =	vld [tilespmem:s24+$0x430]  }
0x41f: {  	[tilespmem:s24+$0xC070] =	vst v1;
	v1 =	vld [tilespmem:s24+$0x440];
	v6 =	vadd.f32 v8, v7  }
0x420: {  	s26 =	simm.s32 $0x0;
	[tilespmem:s24+$0xC400] =	vst v4;
	v4 =	vld [tilespmem:s24+$0x1C440]  }
.LBB2_26:
0x421: {  	s25 =	sadd.s32 $0x100, s25;
	[tilespmem:s24+$0xC410] =	vst v6;
	v2 =	vadd.f32 v5, v2;
	v5 =	vld [tilespmem:s24+$0x450];
	s23 =	sadd.s32 $0x800, s23  }
0x422: {  	s26 =	sadd.s32 $0x20, s26;
	s28 =	sand.u32 $0x2000, s25;
	s29 =	sand.u32 $0x1800, s23;
	v6 =	vld [tilespmem:s24+$0x1C450]  }
0x423: {  	p0 =	slt.u32 s25, $0x3F00;
	s28 =	sor.u32 s28, s29;
	s29 =	sand.u32 $0x380, s26;
	[tilespmem:s24+$0xC420] =	vst v2;
	v0 =	vadd.f32 v3, v0;
	v2 =	vld [tilespmem:s24+$0x460]  }
0x424: {  	s28 =	sor.u32 s29, s28;
	v3 =	vld [tilespmem:s24+$0x1C460]  }
0x425: {  	v7 =	vld [tilespmem:s28+$0x470];
	[tilespmem:s24+$0xC430] =	vst v0;
	v0 =	vadd.f32 v4, v1  }
0x426: {  	v1 =	vld [tilespmem:s28+$0x1C470]  }
0x427: {  	v4 =	vld [tilespmem:s28+$0x0];
	[tilespmem:s24+$0xC440] =	vst v0;
	v0 =	vadd.f32 v6, v5  }
0x428: {  	v5 =	vld [tilespmem:s28+$0x1C000]  }
0x429: {  	v6 =	vld [tilespmem:s28+$0x10];
	[tilespmem:s24+$0xC450] =	vst v0;
	v0 =	vadd.f32 v3, v2  }
0x42a: {  	v2 =	vld [tilespmem:s28+$0x1C010]  }
0x42b: {  	v3 =	vld [tilespmem:s28+$0x20];
	v1 =	vadd.f32 v1, v7;
	[tilespmem:s24+$0xC460] =	vst v0;
	s24 =	smov.u32 s28  }
0x42c: {  	v0 =	vld [tilespmem:s24+$0x1C020]  }
0x42d: {  	v4 =	vadd.f32 v5, v4;
	v5 =	vld [tilespmem:s24+$0x30];
	[tilespmem:s24+$0xC470] =	vst v1  }
0x42e: {  	v1 =	vld [tilespmem:s24+$0x1C030]  }
0x42f: {  	[tilespmem:s24+$0xC000] =	vst v4;
	v2 =	vadd.f32 v2, v6;
	v4 =	vld [tilespmem:s24+$0x40]  }
0x430: {  	v6 =	vld [tilespmem:s24+$0x1C040]  }
0x431: {  	[tilespmem:s24+$0xC010] =	vst v2;
	v0 =	vadd.f32 v0, v3;
	v2 =	vld [tilespmem:s24+$0x50]  }
0x432: {  	v3 =	vld [tilespmem:s24+$0x1C050]  }
0x433: {  	[tilespmem:s24+$0xC020] =	vst v0;
	v0 =	vadd.f32 v1, v5;
	v1 =	vld [tilespmem:s24+$0x60]  }
0x434: {  	v5 =	vld [tilespmem:s24+$0x1C060]  }
0x435: {  	[tilespmem:s24+$0xC030] =	vst v0;
	v0 =	vadd.f32 v6, v4;
	v4 =	vld [tilespmem:s24+$0x70]  }
0x436: {  	v6 =	vld [tilespmem:s24+$0x1C070]  }
0x437: {  	[tilespmem:s24+$0xC040] =	vst v0;
	v0 =	vadd.f32 v3, v2;
	v3 =	vld [tilespmem:s24+$0x400]  }
0x438: {  	v7 =	vld [tilespmem:s24+$0x1C400]  }
0x439: {  	[tilespmem:s24+$0xC050] =	vst v0;
	v0 =	vadd.f32 v5, v1;
	v1 =	vld [tilespmem:s24+$0x410]  }
0x43a: {  	v8 =	vld [tilespmem:s24+$0x1C410]  }
0x43b: {  	[tilespmem:s24+$0xC060] =	vst v0;
	v0 =	vadd.f32 v6, v4;
	v2 =	vld [tilespmem:s24+$0x420]  }
.Ltmp12:
0x43c: {  	v5 =	vld [tilespmem:s24+$0x1C420];
	(pc) =	sbr.rel @p0 .LBB2_26-.Ltmp12, $4  }
0x43d: {  	[tilespmem:s24+$0xC070] =	vst v0;
	v4 =	vadd.f32 v7, v3;
	v0 =	vld [tilespmem:s24+$0x430]  }
0x43e: {  	v3 =	vld [tilespmem:s24+$0x1C430]  }
0x43f: {  	[tilespmem:s24+$0xC400] =	vst v4;
	v6 =	vadd.f32 v8, v1;
	v1 =	vld [tilespmem:s24+$0x440]  }
0x440: {  	v4 =	vld [tilespmem:s24+$0x1C440]  }
0x441: {  	v7 =	vld [tilespmem:s24+$0x450]  }
0x442: {  	v8 =	vld [tilespmem:s24+$0x1C450]  }
0x443: {  	v9 =	vld [tilespmem:s24+$0x460]  }
0x444: {  	v10 =	vld [tilespmem:s24+$0x1C460]  }
0x445: {  	v2 =	vadd.f32 v5, v2  }
0x446: {  	[tilespmem:s24+$0xC410] =	vst v6;
	v0 =	vadd.f32 v3, v0  }
0x447: {  	[tilespmem:s24+$0xC420] =	vst v2;
	v1 =	vadd.f32 v4, v1  }
0x448: {  	[tilespmem:s24+$0xC430] =	vst v0;
	v0 =	vadd.f32 v8, v7  }
0x449: {  	[tilespmem:s24+$0xC440] =	vst v1;
	v1 =	vadd.f32 v10, v9  }
0x44a: {  	[tilespmem:s24+$0xC450] =	vst v0  }
0x44b: {  	[tilespmem:s24+$0xC460] =	vst v1;
	s24 =	simm.s32 $0x0  }
0x44c: {  	[hbm4b:s30+s24] =	stream.linear.scatter [tilespmem:s13], [sflag:$0x4], $0x4000, $0x38;
	v63 =	vld [tilespmem:$0x0]  }
0x44d: {  	_ = 	snop  }
0x44e: {  	[tilespmem:s24], [sflag:$0x1] =	stream.linear.gather [hbm4b:s4+s24], $0x4000, $0x38;
	v63 =	vld [tilespmem:$0x0]  }
0x44f: {  	_ =	swait.ge [sflag:s14], $0x4000  }
0x450: {  	[sflag:s14] =	ssyncset.done $0x0  }
0x451: {  	s25 =	simm.s32 $0x0;
	[sflag:s14] =	ssyncadd.s32 $0xFFFFC000  }
0x452: {  	s23 =	sand.u32 $0x2000, s25;
	s26 =	sand.u32 $0x1800, s24;
	_ =	swait.ge [sflag:s20], $0x4000  }
0x453: {  	s29 =	sand.u32 $0x380, s24;
	s23 =	sor.u32 s23, s26;
	[sflag:s20] =	ssyncset.done $0x0  }
0x454: {  	s23 =	sor.u32 s29, s23;
	[sflag:s20] =	ssyncadd.s32 $0xFFFFC000  }
0x455: {  	v0 =	vld [tilespmem:s23+$0x4470]  }
0x456: {  	v1 =	vld [tilespmem:s23+$0x1C470]  }
0x457: {  	v2 =	vld [tilespmem:s23+$0x4000]  }
0x458: {  	v3 =	vld [tilespmem:s23+$0x1C000]  }
0x459: {  	v4 =	vld [tilespmem:s23+$0x4010]  }
0x45a: {  	v5 =	vld [tilespmem:s23+$0x1C010]  }
0x45b: {  	v6 =	vld [tilespmem:s23+$0x4020]  }
0x45c: {  	v7 =	vld [tilespmem:s23+$0x1C020]  }
0x45d: {  	v8 =	vld [tilespmem:s23+$0x4030]  }
0x45e: {  	v60 =	vld [tilespmem:s23+$0x1C030]  }
0x45f: {  	v61 =	vld [tilespmem:s23+$0x4040]  }
0x460: {  	v11 =	vld [tilespmem:s23+$0x1C040]  }
0x461: {  	v12 =	vld [tilespmem:s23+$0x4050]  }
0x462: {  	v13 =	vld [tilespmem:s23+$0x1C050]  }
0x463: {  	v14 =	vld [tilespmem:s23+$0x4060]  }
0x464: {  	v15 =	vld [tilespmem:s23+$0x1C060]  }
0x465: {  	v0 =	vadd.f32 v1, v0;
	v1 =	vld [tilespmem:s23+$0x4070]  }
0x466: {  	v2 =	vadd.f32 v3, v2;
	v3 =	vld [tilespmem:s23+$0x1C070]  }
0x467: {  	[tilespmem:s23+$0x10470] =	vst v0;
	v0 =	vadd.f32 v5, v4;
	v4 =	vld [tilespmem:s23+$0x4400]  }
0x468: {  	[tilespmem:s23+$0x10000] =	vst v2;
	v2 =	vadd.f32 v7, v6;
	v6 =	vld [tilespmem:s23+$0x1C400]  }
0x469: {  	v7 =	vld [tilespmem:s23+$0x4410];
	v5 =	vadd.f32 v11, v61;
	[tilespmem:s23+$0x10010] =	vst v0  }
0x46a: {  	v0 =	vadd.f32 v60, v8;
	[tilespmem:s23+$0x10020] =	vst v2;
	v8 =	vld [tilespmem:s23+$0x1C410]  }
0x46b: {  	v62 =	vadd.f32 v15, v14;
	v2 =	vld [tilespmem:s23+$0x4420];
	[tilespmem:s23+$0x10040] =	vst v5  }
0x46c: {  	v5 =	vld [tilespmem:s23+$0x1C420];
	[tilespmem:s23+$0x10030] =	vst v0;
	v0 =	vadd.f32 v13, v12  }
0x46d: {  	[tilespmem:s23+$0x10060] =	vst v62;
	v1 =	vadd.f32 v3, v1;
	v3 =	vld [tilespmem:s23+$0x1C430]  }
0x46e: {  	v4 =	vadd.f32 v6, v4;
	[tilespmem:s23+$0x10050] =	vst v0;
	v0 =	vld [tilespmem:s23+$0x4430]  }
0x46f: {  	[tilespmem:s23+$0x10070] =	vst v1;
	v1 =	vld [tilespmem:s23+$0x4440];
	v6 =	vadd.f32 v8, v7  }
0x470: {  	s26 =	simm.s32 $0x0;
	[tilespmem:s23+$0x10400] =	vst v4;
	v4 =	vld [tilespmem:s23+$0x1C440]  }
.LBB2_28:
0x471: {  	s25 =	sadd.s32 $0x100, s25;
	[tilespmem:s23+$0x10410] =	vst v6;
	v2 =	vadd.f32 v5, v2;
	v5 =	vld [tilespmem:s23+$0x4450];
	s24 =	sadd.s32 $0x800, s24  }
0x472: {  	s26 =	sadd.s32 $0x20, s26;
	s28 =	sand.u32 $0x2000, s25;
	s29 =	sand.u32 $0x1800, s24;
	v6 =	vld [tilespmem:s23+$0x1C450]  }
0x473: {  	p0 =	slt.u32 s25, $0x3F00;
	s28 =	sor.u32 s28, s29;
	s29 =	sand.u32 $0x380, s26;
	[tilespmem:s23+$0x10420] =	vst v2;
	v0 =	vadd.f32 v3, v0;
	v2 =	vld [tilespmem:s23+$0x4460]  }
0x474: {  	s28 =	sor.u32 s29, s28;
	v3 =	vld [tilespmem:s23+$0x1C460]  }
0x475: {  	v7 =	vld [tilespmem:s28+$0x4470];
	[tilespmem:s23+$0x10430] =	vst v0;
	v0 =	vadd.f32 v4, v1  }
0x476: {  	v1 =	vld [tilespmem:s28+$0x1C470]  }
0x477: {  	v4 =	vld [tilespmem:s28+$0x4000];
	[tilespmem:s23+$0x10440] =	vst v0;
	v0 =	vadd.f32 v6, v5  }
0x478: {  	v5 =	vld [tilespmem:s28+$0x1C000]  }
0x479: {  	v6 =	vld [tilespmem:s28+$0x4010];
	[tilespmem:s23+$0x10450] =	vst v0;
	v0 =	vadd.f32 v3, v2  }
0x47a: {  	v2 =	vld [tilespmem:s28+$0x1C010]  }
0x47b: {  	v3 =	vld [tilespmem:s28+$0x4020];
	v1 =	vadd.f32 v1, v7;
	[tilespmem:s23+$0x10460] =	vst v0;
	s23 =	smov.u32 s28  }
0x47c: {  	v0 =	vld [tilespmem:s23+$0x1C020]  }
0x47d: {  	v4 =	vadd.f32 v5, v4;
	v5 =	vld [tilespmem:s23+$0x4030];
	[tilespmem:s23+$0x10470] =	vst v1  }
0x47e: {  	v1 =	vld [tilespmem:s23+$0x1C030]  }
0x47f: {  	[tilespmem:s23+$0x10000] =	vst v4;
	v2 =	vadd.f32 v2, v6;
	v4 =	vld [tilespmem:s23+$0x4040]  }
0x480: {  	v6 =	vld [tilespmem:s23+$0x1C040]  }
0x481: {  	[tilespmem:s23+$0x10010] =	vst v2;
	v0 =	vadd.f32 v0, v3;
	v2 =	vld [tilespmem:s23+$0x4050]  }
0x482: {  	v3 =	vld [tilespmem:s23+$0x1C050]  }
0x483: {  	[tilespmem:s23+$0x10020] =	vst v0;
	v0 =	vadd.f32 v1, v5;
	v1 =	vld [tilespmem:s23+$0x4060]  }
0x484: {  	v5 =	vld [tilespmem:s23+$0x1C060]  }
0x485: {  	[tilespmem:s23+$0x10030] =	vst v0;
	v0 =	vadd.f32 v6, v4;
	v4 =	vld [tilespmem:s23+$0x4070]  }
0x486: {  	v6 =	vld [tilespmem:s23+$0x1C070]  }
0x487: {  	[tilespmem:s23+$0x10040] =	vst v0;
	v0 =	vadd.f32 v3, v2;
	v3 =	vld [tilespmem:s23+$0x4400]  }
0x488: {  	v7 =	vld [tilespmem:s23+$0x1C400]  }
0x489: {  	[tilespmem:s23+$0x10050] =	vst v0;
	v0 =	vadd.f32 v5, v1;
	v1 =	vld [tilespmem:s23+$0x4410]  }
0x48a: {  	v8 =	vld [tilespmem:s23+$0x1C410]  }
0x48b: {  	[tilespmem:s23+$0x10060] =	vst v0;
	v0 =	vadd.f32 v6, v4;
	v2 =	vld [tilespmem:s23+$0x4420]  }
.Ltmp13:
0x48c: {  	v5 =	vld [tilespmem:s23+$0x1C420];
	(pc) =	sbr.rel @p0 .LBB2_28-.Ltmp13, $4  }
0x48d: {  	[tilespmem:s23+$0x10070] =	vst v0;
	v4 =	vadd.f32 v7, v3;
	v0 =	vld [tilespmem:s23+$0x4430]  }
0x48e: {  	v3 =	vld [tilespmem:s23+$0x1C430]  }
0x48f: {  	[tilespmem:s23+$0x10400] =	vst v4;
	v6 =	vadd.f32 v8, v1;
	v1 =	vld [tilespmem:s23+$0x4440]  }
0x490: {  	v4 =	vld [tilespmem:s23+$0x1C440]  }
0x491: {  	v7 =	vld [tilespmem:s23+$0x4450]  }
0x492: {  	v8 =	vld [tilespmem:s23+$0x1C450]  }
0x493: {  	v9 =	vld [tilespmem:s23+$0x4460]  }
0x494: {  	v10 =	vld [tilespmem:s23+$0x1C460]  }
0x495: {  	v2 =	vadd.f32 v5, v2  }
0x496: {  	[tilespmem:s23+$0x10410] =	vst v6;
	v0 =	vadd.f32 v3, v0  }
0x497: {  	[tilespmem:s23+$0x10420] =	vst v2;
	v1 =	vadd.f32 v4, v1  }
0x498: {  	[tilespmem:s23+$0x10430] =	vst v0;
	v0 =	vadd.f32 v8, v7  }
0x499: {  	[tilespmem:s23+$0x10440] =	vst v1;
	v1 =	vadd.f32 v10, v9  }
0x49a: {  	[tilespmem:s23+$0x10450] =	vst v0  }
0x49b: {  	s24 =	simm.s32 $0x0;
	[tilespmem:s23+$0x10460] =	vst v1  }
0x49c: {  	[hbm4b:s5+s24] =	stream.linear.scatter [tilespmem:s15], [sflag:$0x5], $0x4000, $0x38;
	v63 =	vld [tilespmem:$0x0]  }
0x49d: {  	_ =	swait.ge [sflag:s16], $0x4000  }
0x49e: {  	[sflag:s16] =	ssyncset.done $0x0  }
0x49f: {  	s25 =	simm.s32 $0x0;
	[sflag:s16] =	ssyncadd.s32 $0xFFFFC000  }
0x4a0: {  	s28 =	sand.u32 $0x2000, s25;
	s26 =	sand.u32 $0x1800, s24;
	_ =	swait.ge [sflag:s21], $0x4000  }
0x4a1: {  	s29 =	sand.u32 $0x380, s24;
	s23 =	sor.u32 s28, s26;
	[sflag:s21] =	ssyncset.done $0x0  }
0x4a2: {  	s23 =	sor.u32 s29, s23;
	[sflag:s21] =	ssyncadd.s32 $0xFFFFC000  }
0x4a3: {  	v0 =	vld [tilespmem:s23+$0x8470]  }
0x4a4: {  	v1 =	vld [tilespmem:s23+$0x1C470]  }
0x4a5: {  	v2 =	vld [tilespmem:s23+$0x8000]  }
0x4a6: {  	v3 =	vld [tilespmem:s23+$0x1C000]  }
0x4a7: {  	v4 =	vld [tilespmem:s23+$0x8010]  }
0x4a8: {  	v5 =	vld [tilespmem:s23+$0x1C010]  }
0x4a9: {  	v6 =	vld [tilespmem:s23+$0x8020]  }
0x4aa: {  	v7 =	vld [tilespmem:s23+$0x1C020]  }
0x4ab: {  	v8 =	vld [tilespmem:s23+$0x8030]  }
0x4ac: {  	v60 =	vld [tilespmem:s23+$0x1C030]  }
0x4ad: {  	v61 =	vld [tilespmem:s23+$0x8040]  }
0x4ae: {  	v11 =	vld [tilespmem:s23+$0x1C040]  }
0x4af: {  	v12 =	vld [tilespmem:s23+$0x8050]  }
0x4b0: {  	v13 =	vld [tilespmem:s23+$0x1C050]  }
0x4b1: {  	v14 =	vld [tilespmem:s23+$0x8060]  }
0x4b2: {  	v15 =	vld [tilespmem:s23+$0x1C060]  }
0x4b3: {  	v0 =	vadd.f32 v1, v0;
	v1 =	vld [tilespmem:s23+$0x8070]  }
0x4b4: {  	v2 =	vadd.f32 v3, v2;
	v3 =	vld [tilespmem:s23+$0x1C070]  }
0x4b5: {  	[tilespmem:s23+$0x14470] =	vst v0;
	v0 =	vadd.f32 v5, v4;
	v4 =	vld [tilespmem:s23+$0x8400]  }
0x4b6: {  	[tilespmem:s23+$0x14000] =	vst v2;
	v2 =	vadd.f32 v7, v6;
	v6 =	vld [tilespmem:s23+$0x1C400]  }
0x4b7: {  	v7 =	vld [tilespmem:s23+$0x8410];
	v5 =	vadd.f32 v11, v61;
	[tilespmem:s23+$0x14010] =	vst v0  }
0x4b8: {  	v0 =	vadd.f32 v60, v8;
	[tilespmem:s23+$0x14020] =	vst v2;
	v8 =	vld [tilespmem:s23+$0x1C410]  }
0x4b9: {  	v62 =	vadd.f32 v15, v14;
	v2 =	vld [tilespmem:s23+$0x8420];
	[tilespmem:s23+$0x14040] =	vst v5  }
0x4ba: {  	v5 =	vld [tilespmem:s23+$0x1C420];
	[tilespmem:s23+$0x14030] =	vst v0;
	v0 =	vadd.f32 v13, v12  }
0x4bb: {  	[tilespmem:s23+$0x14060] =	vst v62;
	v1 =	vadd.f32 v3, v1;
	v3 =	vld [tilespmem:s23+$0x1C430]  }
0x4bc: {  	v4 =	vadd.f32 v6, v4;
	[tilespmem:s23+$0x14050] =	vst v0;
	v0 =	vld [tilespmem:s23+$0x8430]  }
0x4bd: {  	[tilespmem:s23+$0x14070] =	vst v1;
	v1 =	vld [tilespmem:s23+$0x8440];
	v6 =	vadd.f32 v8, v7  }
0x4be: {  	s26 =	simm.s32 $0x0;
	[tilespmem:s23+$0x14400] =	vst v4;
	v4 =	vld [tilespmem:s23+$0x1C440]  }
.LBB2_30:
0x4bf: {  	s25 =	sadd.s32 $0x100, s25;
	[tilespmem:s23+$0x14410] =	vst v6;
	v2 =	vadd.f32 v5, v2;
	v5 =	vld [tilespmem:s23+$0x8450];
	s24 =	sadd.s32 $0x800, s24  }
0x4c0: {  	s26 =	sadd.s32 $0x20, s26;
	s28 =	sand.u32 $0x2000, s25;
	s29 =	sand.u32 $0x1800, s24;
	v6 =	vld [tilespmem:s23+$0x1C450]  }
0x4c1: {  	p0 =	slt.u32 s25, $0x3F00;
	s28 =	sor.u32 s28, s29;
	s29 =	sand.u32 $0x380, s26;
	[tilespmem:s23+$0x14420] =	vst v2;
	v0 =	vadd.f32 v3, v0;
	v2 =	vld [tilespmem:s23+$0x8460]  }
0x4c2: {  	s28 =	sor.u32 s29, s28;
	v3 =	vld [tilespmem:s23+$0x1C460]  }
0x4c3: {  	v7 =	vld [tilespmem:s28+$0x8470];
	[tilespmem:s23+$0x14430] =	vst v0;
	v0 =	vadd.f32 v4, v1  }
0x4c4: {  	v1 =	vld [tilespmem:s28+$0x1C470]  }
0x4c5: {  	v4 =	vld [tilespmem:s28+$0x8000];
	[tilespmem:s23+$0x14440] =	vst v0;
	v0 =	vadd.f32 v6, v5  }
0x4c6: {  	v5 =	vld [tilespmem:s28+$0x1C000]  }
0x4c7: {  	v6 =	vld [tilespmem:s28+$0x8010];
	[tilespmem:s23+$0x14450] =	vst v0;
	v0 =	vadd.f32 v3, v2  }
0x4c8: {  	v2 =	vld [tilespmem:s28+$0x1C010]  }
0x4c9: {  	v3 =	vld [tilespmem:s28+$0x8020];
	v1 =	vadd.f32 v1, v7;
	[tilespmem:s23+$0x14460] =	vst v0;
	s23 =	smov.u32 s28  }
0x4ca: {  	v0 =	vld [tilespmem:s23+$0x1C020]  }
0x4cb: {  	v4 =	vadd.f32 v5, v4;
	v5 =	vld [tilespmem:s23+$0x8030];
	[tilespmem:s23+$0x14470] =	vst v1  }
0x4cc: {  	v1 =	vld [tilespmem:s23+$0x1C030]  }
0x4cd: {  	[tilespmem:s23+$0x14000] =	vst v4;
	v2 =	vadd.f32 v2, v6;
	v4 =	vld [tilespmem:s23+$0x8040]  }
0x4ce: {  	v6 =	vld [tilespmem:s23+$0x1C040]  }
0x4cf: {  	[tilespmem:s23+$0x14010] =	vst v2;
	v0 =	vadd.f32 v0, v3;
	v2 =	vld [tilespmem:s23+$0x8050]  }
0x4d0: {  	v3 =	vld [tilespmem:s23+$0x1C050]  }
0x4d1: {  	[tilespmem:s23+$0x14020] =	vst v0;
	v0 =	vadd.f32 v1, v5;
	v1 =	vld [tilespmem:s23+$0x8060]  }
0x4d2: {  	v5 =	vld [tilespmem:s23+$0x1C060]  }
0x4d3: {  	[tilespmem:s23+$0x14030] =	vst v0;
	v0 =	vadd.f32 v6, v4;
	v4 =	vld [tilespmem:s23+$0x8070]  }
0x4d4: {  	v6 =	vld [tilespmem:s23+$0x1C070]  }
0x4d5: {  	[tilespmem:s23+$0x14040] =	vst v0;
	v0 =	vadd.f32 v3, v2;
	v3 =	vld [tilespmem:s23+$0x8400]  }
0x4d6: {  	v7 =	vld [tilespmem:s23+$0x1C400]  }
0x4d7: {  	[tilespmem:s23+$0x14050] =	vst v0;
	v0 =	vadd.f32 v5, v1;
	v1 =	vld [tilespmem:s23+$0x8410]  }
0x4d8: {  	v8 =	vld [tilespmem:s23+$0x1C410]  }
0x4d9: {  	[tilespmem:s23+$0x14060] =	vst v0;
	v0 =	vadd.f32 v6, v4;
	v2 =	vld [tilespmem:s23+$0x8420]  }
.Ltmp14:
0x4da: {  	v5 =	vld [tilespmem:s23+$0x1C420];
	(pc) =	sbr.rel @p0 .LBB2_30-.Ltmp14, $4  }
0x4db: {  	[tilespmem:s23+$0x14070] =	vst v0;
	v4 =	vadd.f32 v7, v3;
	v0 =	vld [tilespmem:s23+$0x8430]  }
0x4dc: {  	v3 =	vld [tilespmem:s23+$0x1C430]  }
0x4dd: {  	[tilespmem:s23+$0x14400] =	vst v4;
	v6 =	vadd.f32 v8, v1;
	v1 =	vld [tilespmem:s23+$0x8440]  }
0x4de: {  	v4 =	vld [tilespmem:s23+$0x1C440]  }
0x4df: {  	v7 =	vld [tilespmem:s23+$0x8450]  }
0x4e0: {  	v8 =	vld [tilespmem:s23+$0x1C450]  }
0x4e1: {  	v9 =	vld [tilespmem:s23+$0x8460]  }
0x4e2: {  	v10 =	vld [tilespmem:s23+$0x1C460]  }
0x4e3: {  	v2 =	vadd.f32 v5, v2  }
0x4e4: {  	[tilespmem:s23+$0x14410] =	vst v6;
	v0 =	vadd.f32 v3, v0  }
0x4e5: {  	[tilespmem:s23+$0x14420] =	vst v2;
	v1 =	vadd.f32 v4, v1  }
0x4e6: {  	[tilespmem:s23+$0x14430] =	vst v0;
	v0 =	vadd.f32 v8, v7  }
0x4e7: {  	[tilespmem:s23+$0x14440] =	vst v1;
	v1 =	vadd.f32 v10, v9  }
0x4e8: {  	[tilespmem:s23+$0x14450] =	vst v0  }
0x4e9: {  	s24 =	simm.s32 $0x0;
	[tilespmem:s23+$0x14460] =	vst v1  }
0x4ea: {  	[hbm4b:s6+s24] =	stream.linear.scatter [tilespmem:s17], [sflag:$0x6], $0x4000, $0x38;
	v63 =	vld [tilespmem:$0x0]  }
0x4eb: {  	_ =	swait.ge [sflag:s12], $0x4000  }
0x4ec: {  	[sflag:s12] =	ssyncset.done $0x0  }
0x4ed: {  	s25 =	simm.s32 $0x0;
	[sflag:s12] =	ssyncadd.s32 $0xFFFFC000  }
0x4ee: {  	s28 =	sand.u32 $0x2000, s25;
	s26 =	sand.u32 $0x1800, s24;
	_ =	swait.ge [sflag:s18], $0x4000  }
0x4ef: {  	s29 =	sand.u32 $0x380, s24;
	s23 =	sor.u32 s28, s26;
	[sflag:s18] =	ssyncset.done $0x0  }
0x4f0: {  	s23 =	sor.u32 s29, s23;
	[sflag:s18] =	ssyncadd.s32 $0xFFFFC000  }
0x4f1: {  	v0 =	vld [tilespmem:s23+$0x470]  }
0x4f2: {  	v1 =	vld [tilespmem:s23+$0x1C470]  }
0x4f3: {  	v2 =	vld [tilespmem:s23+$0x0]  }
0x4f4: {  	v3 =	vld [tilespmem:s23+$0x1C000]  }
0x4f5: {  	v4 =	vld [tilespmem:s23+$0x10]  }
0x4f6: {  	v5 =	vld [tilespmem:s23+$0x1C010]  }
0x4f7: {  	v6 =	vld [tilespmem:s23+$0x20]  }
0x4f8: {  	v7 =	vld [tilespmem:s23+$0x1C020]  }
0x4f9: {  	v8 =	vld [tilespmem:s23+$0x30]  }
0x4fa: {  	v60 =	vld [tilespmem:s23+$0x1C030]  }
0x4fb: {  	v61 =	vld [tilespmem:s23+$0x40]  }
0x4fc: {  	v11 =	vld [tilespmem:s23+$0x1C040]  }
0x4fd: {  	v12 =	vld [tilespmem:s23+$0x50]  }
0x4fe: {  	v13 =	vld [tilespmem:s23+$0x1C050]  }
0x4ff: {  	v14 =	vld [tilespmem:s23+$0x60]  }
0x500: {  	v15 =	vld [tilespmem:s23+$0x1C060]  }
0x501: {  	v0 =	vadd.f32 v1, v0;
	v1 =	vld [tilespmem:s23+$0x70]  }
0x502: {  	v2 =	vadd.f32 v3, v2;
	v3 =	vld [tilespmem:s23+$0x1C070]  }
0x503: {  	[tilespmem:s23+$0xC470] =	vst v0;
	v0 =	vadd.f32 v5, v4;
	v4 =	vld [tilespmem:s23+$0x400]  }
0x504: {  	[tilespmem:s23+$0xC000] =	vst v2;
	v2 =	vadd.f32 v7, v6;
	v6 =	vld [tilespmem:s23+$0x1C400]  }
0x505: {  	v7 =	vld [tilespmem:s23+$0x410];
	v5 =	vadd.f32 v11, v61;
	[tilespmem:s23+$0xC010] =	vst v0  }
0x506: {  	v0 =	vadd.f32 v60, v8;
	[tilespmem:s23+$0xC020] =	vst v2;
	v8 =	vld [tilespmem:s23+$0x1C410]  }
0x507: {  	v62 =	vadd.f32 v15, v14;
	v2 =	vld [tilespmem:s23+$0x420];
	[tilespmem:s23+$0xC040] =	vst v5  }
0x508: {  	v5 =	vld [tilespmem:s23+$0x1C420];
	[tilespmem:s23+$0xC030] =	vst v0;
	v0 =	vadd.f32 v13, v12  }
0x509: {  	[tilespmem:s23+$0xC060] =	vst v62;
	v1 =	vadd.f32 v3, v1;
	v3 =	vld [tilespmem:s23+$0x1C430]  }
0x50a: {  	v4 =	vadd.f32 v6, v4;
	[tilespmem:s23+$0xC050] =	vst v0;
	v0 =	vld [tilespmem:s23+$0x430]  }
0x50b: {  	[tilespmem:s23+$0xC070] =	vst v1;
	v1 =	vld [tilespmem:s23+$0x440];
	v6 =	vadd.f32 v8, v7  }
0x50c: {  	s26 =	simm.s32 $0x0;
	[tilespmem:s23+$0xC400] =	vst v4;
	v4 =	vld [tilespmem:s23+$0x1C440]  }
.LBB2_32:
0x50d: {  	s25 =	sadd.s32 $0x100, s25;
	[tilespmem:s23+$0xC410] =	vst v6;
	v2 =	vadd.f32 v5, v2;
	v5 =	vld [tilespmem:s23+$0x450];
	s24 =	sadd.s32 $0x800, s24  }
0x50e: {  	s26 =	sadd.s32 $0x20, s26;
	s28 =	sand.u32 $0x2000, s25;
	s29 =	sand.u32 $0x1800, s24;
	v6 =	vld [tilespmem:s23+$0x1C450]  }
0x50f: {  	p0 =	slt.u32 s25, $0x3F00;
	s28 =	sor.u32 s28, s29;
	s29 =	sand.u32 $0x380, s26;
	[tilespmem:s23+$0xC420] =	vst v2;
	v0 =	vadd.f32 v3, v0;
	v2 =	vld [tilespmem:s23+$0x460]  }
0x510: {  	s28 =	sor.u32 s29, s28;
	v3 =	vld [tilespmem:s23+$0x1C460]  }
0x511: {  	v7 =	vld [tilespmem:s28+$0x470];
	[tilespmem:s23+$0xC430] =	vst v0;
	v0 =	vadd.f32 v4, v1  }
0x512: {  	v1 =	vld [tilespmem:s28+$0x1C470]  }
0x513: {  	v4 =	vld [tilespmem:s28+$0x0];
	[tilespmem:s23+$0xC440] =	vst v0;
	v0 =	vadd.f32 v6, v5  }
0x514: {  	v5 =	vld [tilespmem:s28+$0x1C000]  }
0x515: {  	v6 =	vld [tilespmem:s28+$0x10];
	[tilespmem:s23+$0xC450] =	vst v0;
	v0 =	vadd.f32 v3, v2  }
0x516: {  	v2 =	vld [tilespmem:s28+$0x1C010]  }
0x517: {  	v3 =	vld [tilespmem:s28+$0x20];
	v1 =	vadd.f32 v1, v7;
	[tilespmem:s23+$0xC460] =	vst v0;
	s23 =	smov.u32 s28  }
0x518: {  	v0 =	vld [tilespmem:s23+$0x1C020]  }
0x519: {  	v4 =	vadd.f32 v5, v4;
	v5 =	vld [tilespmem:s23+$0x30];
	[tilespmem:s23+$0xC470] =	vst v1  }
0x51a: {  	v1 =	vld [tilespmem:s23+$0x1C030]  }
0x51b: {  	[tilespmem:s23+$0xC000] =	vst v4;
	v2 =	vadd.f32 v2, v6;
	v4 =	vld [tilespmem:s23+$0x40]  }
0x51c: {  	v6 =	vld [tilespmem:s23+$0x1C040]  }
0x51d: {  	[tilespmem:s23+$0xC010] =	vst v2;
	v0 =	vadd.f32 v0, v3;
	v2 =	vld [tilespmem:s23+$0x50]  }
0x51e: {  	v3 =	vld [tilespmem:s23+$0x1C050]  }
0x51f: {  	[tilespmem:s23+$0xC020] =	vst v0;
	v0 =	vadd.f32 v1, v5;
	v1 =	vld [tilespmem:s23+$0x60]  }
0x520: {  	v5 =	vld [tilespmem:s23+$0x1C060]  }
0x521: {  	[tilespmem:s23+$0xC030] =	vst v0;
	v0 =	vadd.f32 v6, v4;
	v4 =	vld [tilespmem:s23+$0x70]  }
0x522: {  	v6 =	vld [tilespmem:s23+$0x1C070]  }
0x523: {  	[tilespmem:s23+$0xC040] =	vst v0;
	v0 =	vadd.f32 v3, v2;
	v3 =	vld [tilespmem:s23+$0x400]  }
0x524: {  	v7 =	vld [tilespmem:s23+$0x1C400]  }
0x525: {  	[tilespmem:s23+$0xC050] =	vst v0;
	v0 =	vadd.f32 v5, v1;
	v1 =	vld [tilespmem:s23+$0x410]  }
0x526: {  	v8 =	vld [tilespmem:s23+$0x1C410]  }
0x527: {  	[tilespmem:s23+$0xC060] =	vst v0;
	v0 =	vadd.f32 v6, v4;
	v2 =	vld [tilespmem:s23+$0x420]  }
.Ltmp15:
0x528: {  	v5 =	vld [tilespmem:s23+$0x1C420];
	(pc) =	sbr.rel @p0 .LBB2_32-.Ltmp15, $4  }
0x529: {  	[tilespmem:s23+$0xC070] =	vst v0;
	v4 =	vadd.f32 v7, v3;
	v0 =	vld [tilespmem:s23+$0x430]  }
0x52a: {  	v3 =	vld [tilespmem:s23+$0x1C430]  }
0x52b: {  	[tilespmem:s23+$0xC400] =	vst v4;
	v6 =	vadd.f32 v8, v1;
	v1 =	vld [tilespmem:s23+$0x440]  }
0x52c: {  	v4 =	vld [tilespmem:s23+$0x1C440]  }
0x52d: {  	v7 =	vld [tilespmem:s23+$0x450]  }
0x52e: {  	v8 =	vld [tilespmem:s23+$0x1C450]  }
0x52f: {  	v9 =	vld [tilespmem:s23+$0x460]  }
0x530: {  	v10 =	vld [tilespmem:s23+$0x1C460]  }
0x531: {  	v2 =	vadd.f32 v5, v2  }
0x532: {  	[tilespmem:s23+$0xC410] =	vst v6;
	v0 =	vadd.f32 v3, v0  }
0x533: {  	[tilespmem:s23+$0xC420] =	vst v2;
	v1 =	vadd.f32 v4, v1  }
0x534: {  	[tilespmem:s23+$0xC430] =	vst v0;
	v61 =	vadd.f32 v8, v7  }
0x535: {  	v62 =	vadd.f32 v10, v9;
	[tilespmem:s23+$0xC440] =	vst v1  }
0x536: {  	[tilespmem:s23+$0xC450] =	vst v61  }
0x537: {  	[tilespmem:s23+$0xC460] =	vst v62  }
0x538: {  	[hbm4b:s7+s1] =	stream.linear.scatter [tilespmem:s13], [sflag:$0x4], $0x4000, $0x38;
	v63 =	vld [tilespmem:$0x0]  }
0x539: {  	_ =	swait.ge [sflag:s18], $0x4000  }
0x53a: {  	[sflag:s18] =	ssyncset.done $0x0  }
0x53b: {  	s22 =	sadd.s32 $0x1, s22;
	[sflag:s18] =	ssyncadd.s32 $0xFFFFC000  }
0x53c: {  	p0 =	sne.s32 s22, s8;
	_ =	swait.ge [sflag:s20], $0x4000  }
.Ltmp16:
0x53d: {  	[sflag:s20] =	ssyncset.done $0x0;
	(pc) =	sbr.rel @p0 .LBB2_1-.Ltmp16, $4  }
0x53e: {  	[sflag:s20] =	ssyncadd.s32 $0xFFFFC000  }
0x53f: {  	_ =	swait.ge [sflag:s21], $0x4000  }
0x540: {  	[sflag:s21] =	ssyncset.done $0x0  }
0x541: {  	[sflag:s21] =	ssyncadd.s32 $0xFFFFC000  }
0x542: {  	_ =	sfence.sel $0x180000  }
0x543: {  	[bflag:$0x0] =	sbarrier.arrive $0xFFFF  }
0x544: {  	_ =	strace $0x90000047  }
0x545: {  	s0 =	stileid.u32;
	[bflag:$0x2] =	sbarrier.arrive $0xFFFF  }
0x546: {  	p0 =	sne.s32 s0, $0x0;
	s0 =	rddreg [dreg:$0x3]  }
0x547: {  	s0 =	sadd.s32 @!p0 $0x100000, s0  }
0x548: {  	[sflag:s0] =	ssyncadd.tile.s32 @!p0 $0x1;
	_ =	shalt  }
.Lfunc_end2:
_tile_overlayer_lowered:
.L_overlay_start_2:
0x549: {  	(tag) =	ssettag $0x2  }
0x54a: {  	s0 =	rddreg [dreg:$0x0];
	s2 =	stileid.u32  }
0x54b: {  	s1 =	rddreg [dreg:$0x1];
	p0 =	sne.s32 s2, $0x0  }
0x54c: {  	s3 =	rddreg [dreg:$0x2];
	[bflag:$0x3] =	sbarrier.arrive $0xFFFF;
	s2 =	simm.s32 @!p0 $0x1C09  }
0x54d: {  	[timem:s3], [sflag:s2] =	dma.local @!p0 [hbm:s0], s1  }
0x54e: {  	s0 =	simm.s32 @!p0 $0x9  }
0x54f: {  	_ =	swait.ge @!p0 [sflag:s0], s1  }
0x550: {  	s1 =	ssub.s32 @!p0 $0x0, s1;
	[sflag:s0] =	ssyncset.done @!p0 $0x0  }
0x551: {  	[sflag:s0] =	ssyncadd.s32 @!p0 s1  }
0x552: {  	[bflag:$0x3] =	sbarrier.arrive $0xFFFF  }
0x553: {  	_ =	shalt  }

</sc_bundles>
